<compile_context>
chip_gen: v7x
topology: tpu7x:2x2x1
jax: 0.10.2.dev20260603
libtpu: 0.0.44.dev20260713+nightly
codegen_flags: <defaults>
</compile_context>

<pallas_src>
import functools

import jax
import jax.numpy as jnp
from jax import lax
from jax.experimental import pallas as pl
from jax.experimental.pallas import tpu as pltpu
from jax.experimental.pallas import tpu_sc as plsc

_B, _NC, _V, _D, _PF, _OUT = 2, 6, 10000, 384, 64, 16
_RESIZE = 518
_PATCH = 14
_GRID = _RESIZE // _PATCH
_TP = _GRID * _GRID

_Vp = 10240
_ROWS = _B * _Vp
_NW = 32
_PER_W = _ROWS // _NW
_K = 32
_NCH = _PER_W // _K
_ZROW = _B * _NC * _TP
_TBL_ROWS = _ZROW + 4


def _idx_kernel(e_ref, k_ref, sz_ref, x_ref, y_ref, z_ref, gidx_ref, cnt_ref):
    pid = pl.program_id(0)
    b = pid // _NC
    c = pid % _NC
    def rnd(t):
        bits = jax.lax.bitcast_convert_type(t, jnp.uint32)
        r = (bits + jnp.uint32(0x7FFF) + ((bits >> 16) & jnp.uint32(1))
             ) & jnp.uint32(0xFFFF0000)
        return jax.lax.bitcast_convert_type(r, jnp.float32)

    x = rnd(x_ref[...])
    y = rnd(y_ref[...])
    z = rnd(z_ref[...])

    def e(i, j):
        return e_ref[pid, i * 4 + j]

    def kk(i, j):
        return k_ref[pid, i * 3 + j]

    def csum(terms):
        s = terms[0]
        comp = jnp.zeros_like(s)
        for p in terms[1:]:
            t = s + p
            big = jnp.abs(s) >= jnp.abs(p)
            comp = comp + jnp.where(big, (s - t) + p, (p - t) + s)
            s = t
        return s + comp

    one = jnp.ones_like(x)
    cx = csum([x * e(0, 0), y * e(0, 1), z * e(0, 2), one * e(0, 3)])
    cy = csum([x * e(1, 0), y * e(1, 1), z * e(1, 2), one * e(1, 3)])
    cz = csum([x * e(2, 0), y * e(2, 1), z * e(2, 2), one * e(2, 3)])
    cxr, cyr, czr = rnd(cx), rnd(cy), rnd(cz)
    px = csum([cxr * kk(0, 0), cyr * kk(0, 1), czr * kk(0, 2)])
    py = csum([cxr * kk(1, 0), cyr * kk(1, 1), czr * kk(1, 2)])
    pz = csum([cxr * kk(2, 0), cyr * kk(2, 1), czr * kk(2, 2)])
    def fdiv(a, bv):
        q = a / bv
        return q + (a - q * bv) / bv

    denom = jnp.maximum(pz, 1e-12)
    u = fdiv(px, denom)
    v = fdiv(py, denom)
    hf = sz_ref[b, 0]
    wf = sz_ref[b, 1]
    valid = (cz > 0.0) & (u >= 0.0) & (u < wf) & (v >= 0.0) & (v < hf)
    hc = jnp.maximum(hf, 1e-6)
    wc = jnp.maximum(wf, 1e-6)
    ones = jnp.ones_like(u)
    sw = fdiv(_RESIZE * ones, wc * ones)
    sh = fdiv(_RESIZE * ones, hc * ones)
    us = u * sw
    vs = v * sh
    pxi = jnp.clip(fdiv(us, float(_PATCH) * ones).astype(jnp.int32),
                   0, _GRID - 1)
    pyi = jnp.clip(fdiv(vs, float(_PATCH) * ones).astype(jnp.int32),
                   0, _GRID - 1)
    flat = jnp.clip(pyi * _GRID + pxi, 0, _TP - 1)
    gidx_ref[...] = jnp.where(valid, pid * _TP + flat, _ZROW)
    validf = valid.astype(jnp.float32)

    @pl.when(c == 0)
    def _():
        cnt_ref[...] = validf

    @pl.when(c > 0)
    def _():
        cnt_ref[...] = cnt_ref[...] + validf


def _compute_indices(ef, kf, szf, x, y, z):
    return pl.pallas_call(
        _idx_kernel,
        grid=(_B * _NC,),
        in_specs=[
            pl.BlockSpec(memory_space=pltpu.SMEM),
            pl.BlockSpec(memory_space=pltpu.SMEM),
            pl.BlockSpec(memory_space=pltpu.SMEM),
            pl.BlockSpec((1, 1, _Vp), lambda i: (i // _NC, 0, 0)),
            pl.BlockSpec((1, 1, _Vp), lambda i: (i // _NC, 0, 0)),
            pl.BlockSpec((1, 1, _Vp), lambda i: (i // _NC, 0, 0)),
        ],
        out_specs=[
            pl.BlockSpec((1, 1, _Vp),
                         lambda i: ((i % _NC) * _B + i // _NC, 0, 0)),
            pl.BlockSpec((1, 1, _Vp), lambda i: (i // _NC, 0, 0)),
        ],
        out_shape=[
            jax.ShapeDtypeStruct((_NC * _B, 1, _Vp), jnp.int32),
            jax.ShapeDtypeStruct((_B, 1, _Vp), jnp.float32),
        ],
    )(ef, kf, szf, x, y, z)


@functools.cache
def _make_sc_gather():
    mesh = plsc.VectorSubcoreMesh(core_axis_name="c", subcore_axis_name="s")

    @functools.partial(
        pl.kernel,
        mesh=mesh,
        out_type=jax.ShapeDtypeStruct((_ROWS, _D), jnp.float32),
        scratch_types=[
            pltpu.VMEM((_NC * _K,), jnp.int32),
            pltpu.VMEM((_NC * _K, _D), jnp.float32),
            pltpu.VMEM((_K, _D), jnp.float32),
            pltpu.SemaphoreType.DMA,
        ],
    )
    def _sc_gather(gidx_hbm, table_hbm, out_hbm, idx, buf, acc, sem):
        wid = lax.axis_index("s") * 2 + lax.axis_index("c")

        def chunk_body(i, carry):
            t = wid * _NCH + i
            pltpu.sync_copy(gidx_hbm.at[t], idx)
            pltpu.async_copy(table_hbm.at[idx], buf, sem).wait()

            def row_body(r, rc):
                for j in range(_D // 16):
                    sl = pl.ds(j * 16, 16)
                    s = buf[r, sl]
                    for c in range(1, _NC):
                        s = s + buf[c * _K + r, sl]
                    acc[r, sl] = s
                return rc

            lax.fori_loop(0, _K, row_body, 0)
            pltpu.sync_copy(acc, out_hbm.at[pl.ds(t * _K, _K)])
            return carry

        lax.fori_loop(0, _NCH, chunk_body, 0)

    return _sc_gather


def _mlp_kernel(fs_ref, cnt_ref, vf_ref, w1a_ref, w1b_ref, b1_ref,
                w2_ref, b2_ref, w3_ref, b3_ref, out_ref):
    cnt = jnp.maximum(cnt_ref[...], 1.0)
    img = fs_ref[...] / cnt
    h = vf_ref[...] @ w1a_ref[...] + img @ w1b_ref[...] + b1_ref[...]
    h = jnp.maximum(h, 0.0)
    h = jnp.maximum(h @ w2_ref[...] + b2_ref[...], 0.0)
    out_ref[...] = h @ w3_ref[...] + b3_ref[...]


def _mlp(fs, cnt, vf, w1a, w1b, b1, w2, b2, w3, b3):
    br = 2048
    nblk = _ROWS // br
    full = lambda i: (0, 0)
    return pl.pallas_call(
        _mlp_kernel,
        grid=(nblk,),
        in_specs=[
            pl.BlockSpec((br, _D), lambda i: (i, 0)),
            pl.BlockSpec((br, 1), lambda i: (i, 0)),
            pl.BlockSpec((br, _PF), lambda i: (i, 0)),
            pl.BlockSpec((_PF, 256), full),
            pl.BlockSpec((_D, 256), full),
            pl.BlockSpec((1, 256), full),
            pl.BlockSpec((256, 64), full),
            pl.BlockSpec((1, 64), full),
            pl.BlockSpec((64, _OUT), full),
            pl.BlockSpec((1, _OUT), full),
        ],
        out_specs=pl.BlockSpec((br, _OUT), lambda i: (i, 0)),
        out_shape=jax.ShapeDtypeStruct((_ROWS, _OUT), jnp.float32),
    )(fs, cnt, vf, w1a, w1b, b1, w2, b2, w3, b3)


def kernel(patch_tokens, voxel_features, voxel_coords, cam_intrinsics,
           lidar2cam_extrinsics, image_sizes, W1, b1, W2, b2, W3, b3):
    vcp = jnp.pad(voxel_coords, ((0, 0), (0, _Vp - _V), (0, 0)))
    x = vcp[..., 0].reshape(_B, 1, _Vp)
    y = vcp[..., 1].reshape(_B, 1, _Vp)
    z = vcp[..., 2].reshape(_B, 1, _Vp)
    def _rnd_bf16(t):
        bits = jax.lax.bitcast_convert_type(t, jnp.uint32)
        r = (bits + jnp.uint32(0x7FFF) + ((bits >> 16) & jnp.uint32(1))
             ) & jnp.uint32(0xFFFF0000)
        return jax.lax.bitcast_convert_type(r, jnp.float32)

    ef = _rnd_bf16(lidar2cam_extrinsics.reshape(_B * _NC, 16))
    kf = _rnd_bf16(cam_intrinsics.reshape(_B * _NC, 9))
    szf = image_sizes.astype(jnp.float32)

    gidx, cnt = _compute_indices(ef, kf, szf, x, y, z)
    gidx2 = gidx.reshape(_NC, _ROWS // _K, _K).transpose(1, 0, 2).reshape(
        _ROWS // _K, _NC * _K)

    table = jnp.concatenate(
        [patch_tokens.reshape(_B * _NC * _TP, _D),
         jnp.zeros((_TBL_ROWS - _ZROW, _D), jnp.float32)], axis=0)
    fused_sum = _make_sc_gather()(gidx2, table)

    cnt2 = cnt.reshape(_ROWS, 1)
    vfp = jnp.pad(voxel_features, ((0, 0), (0, _Vp - _V), (0, 0))).reshape(
        _ROWS, _PF)
    scores = _mlp(fused_sum, cnt2, vfp, W1[:_PF], W1[_PF:],
                  b1.reshape(1, -1), W2, b2.reshape(1, -1),
                  W3, b3.reshape(1, -1))
    return scores.reshape(_B, _Vp, _OUT)[:, :_V]

# --- scband reference (transcript-rebuilt; emitter-appended) ---
"""Pipeline reference for scband-feature-fusion-model-17351667876588 (READ-ONLY COPY).

The authoritative reference and input builder live on the scoring server;
editing this copy changes nothing except your own understanding.
"""

import jax, jax.numpy as jnp
import numpy as np

RESIZE_SIZE = 518
PATCH_SIZE = 14
GRID = RESIZE_SIZE // PATCH_SIZE          # 37
TOTAL_PATCHES = GRID * GRID               # 1369


def _forward(patch_tokens, voxel_features, voxel_coords, cam_intrinsics,
             lidar2cam_extrinsics, image_sizes, W1, b1, W2, b2, W3, b3):
    B, V, _ = voxel_coords.shape
    _, NC, M, D = patch_tokens.shape
    sizes = image_sizes.astype(jnp.float32)
    # ---- multi_camera_projector ----
    pts_h = jnp.concatenate([voxel_coords, jnp.ones((B, V, 1), jnp.float32)], axis=-1)
    cam_pts = jnp.einsum('bcij,bvj->bcvi', lidar2cam_extrinsics, pts_h)  # (B,NC,V,4)
    xyz = cam_pts[..., :3]
    z = xyz[..., 2]
    pix = jnp.einsum('bcij,bcvj->bcvi', cam_intrinsics, xyz)
    denom = jnp.clip(pix[..., 2], 1e-12, None)
    u = pix[..., 0] / denom
    v = pix[..., 1] / denom
    img_h = sizes[:, 0].reshape(B, 1, 1)
    img_w = sizes[:, 1].reshape(B, 1, 1)
    valid = (z > 0) & (u >= 0) & (u < img_w) & (v >= 0) & (v < img_h)
    coords = jnp.stack([u, v], axis=-1)
    coords = jnp.where(valid[..., None], coords, jnp.full_like(coords, -1.0))
    # ---- scale_pixel_coords to (RESIZE_SIZE, RESIZE_SIZE) ----
    H_orig = jnp.clip(sizes[:, 0], 1e-6, None)
    W_orig = jnp.clip(sizes[:, 1], 1e-6, None)
    scale = jnp.stack([RESIZE_SIZE / W_orig, RESIZE_SIZE / H_orig], axis=-1).reshape(B, 1, 1, 2)
    coords = coords * scale
    # ---- patch index computation + gather (embedding-lookup core) ----
    patch_xy = (coords / float(PATCH_SIZE)).astype(jnp.int32)
    patch_xy = jnp.clip(patch_xy, 0, GRID - 1)
    flat_idx = jnp.clip(patch_xy[..., 1] * GRID + patch_xy[..., 0], 0, TOTAL_PATCHES - 1)  # (B,NC,V)
    gather_idx = jnp.broadcast_to(flat_idx[..., None], (B, NC, V, D))
    gathered = jnp.take_along_axis(patch_tokens, gather_idx, axis=2)  # (B,NC,V,D)
    # ---- masked mean over cameras ----
    mask = valid.astype(jnp.float32)[..., None]
    masked = gathered * mask
    valid_counts = jnp.clip(mask.sum(axis=1), 1.0, None)
    fused_img = masked.sum(axis=1) / valid_counts  # (B,V,D)
    fused = jnp.concatenate([voxel_features, fused_img], axis=-1)
    # ---- MLP head ----
    h = jax.nn.relu(fused @ W1 + b1)
    h = jax.nn.relu(h @ W2 + b2)
    voxel_scores = h @ W3 + b3
    # pcd_encoder.devoxelize stubbed as identity voxel->point mapping
    return voxel_scores


def setup_inputs(seed: int = 0):
    key = jax.random.key(seed)
    ks = jax.random.split(key, 12)
    B, NC, V, D, PF, OUT = 2, 6, 10000, 384, 64, 16
    patch_tokens = jax.random.normal(ks[0], (B, NC, TOTAL_PATCHES, D), jnp.float32)
    voxel_features = jax.random.normal(ks[1], (B, V, PF), jnp.float32)
    voxel_coords = jax.random.normal(ks[2], (B, V, 3), jnp.float32) * 20.0
    cam_intrinsics = jax.random.normal(ks[3], (B, NC, 3, 3), jnp.float32)
    lidar2cam_extrinsics = jax.random.normal(ks[4], (B, NC, 4, 4), jnp.float32)
    image_sizes = jax.random.randint(ks[5], (B, 2), 600, 1600).astype(jnp.int32)
    W1 = jax.random.normal(ks[6], (PF + D, 256), jnp.float32) * 0.02
    b1 = jnp.zeros((256,), jnp.float32)
    W2 = jax.random.normal(ks[7], (256, 64), jnp.float32) * 0.02
    b2 = jnp.zeros((64,), jnp.float32)
    W3 = jax.random.normal(ks[8], (64, OUT), jnp.float32) * 0.02
    b3 = jnp.zeros((OUT,), jnp.float32)
    return {"patch_tokens": patch_tokens, "voxel_features": voxel_features,
            "voxel_coords": voxel_coords, "cam_intrinsics": cam_intrinsics,
            "lidar2cam_extrinsics": lidar2cam_extrinsics, "image_sizes": image_sizes,
            "W1": W1, "b1": b1, "W2": W2, "b2": b2, "W3": W3, "b3": b3}


def reference(patch_tokens, voxel_features, voxel_coords, cam_intrinsics,
              lidar2cam_extrinsics, image_sizes, W1, b1, W2, b2, W3, b3):
    return _forward(patch_tokens, voxel_features, voxel_coords, cam_intrinsics,
                    lidar2cam_extrinsics, image_sizes, W1, b1, W2, b2, W3, b3)

if __name__ == "__main__":
    import jax
    _d = setup_inputs()
    print(jax.jit(kernel)(*tuple(_d.values())))

</pallas_src>

<mosaic_0001>
#map = affine_map<(d0, d1) -> (0, 0)>
module attributes {stable_mosaic.version = 14 : i64} {
  func.func @_sc_gather(%arg0: i32, %arg1: i32, %arg2: memref<640x192xi32, #tpu.memory_space<hbm>>, %arg3: memref<16432x384xf32, #tpu.memory_space<hbm>>, %arg4: memref<20480x384xf32, #tpu.memory_space<hbm>>, %arg5: memref<192xi32, #tpu.memory_space<vmem>>, %arg6: memref<192x384xf32, #tpu.memory_space<vmem>>, %arg7: memref<32x384xf32, #tpu.memory_space<vmem>>, %arg8: memref<!tpu.dma_semaphore, #tpu.memory_space<semaphore_mem>>) attributes {dimension_semantics = [#tpu.dimension_semantics<core_parallel>, #tpu.dimension_semantics<subcore_parallel>], iteration_bounds = array<i64: 2, 16>, scalar_prefetch = 0 : i64, scratch_operands = 4 : i64, tpu.core_type = #tpu.core_type<sc_vector_subcore>, window_params = [{transform_indices = #map}, {transform_indices = #map}, {transform_indices = #map}]} {
    %mul3A = arith.constant 2 : i32
    %mul3A_0 = arith.muli %arg1, %mul3A : i32
    %add3A = arith.addi %mul3A_0, %arg0 : i32
    %scan3A = arith.constant 0 : i32
    %scan3A_1 = arith.constant 0 : i32
    %scan3A_2 = arith.constant 20 : i32
    %scan3A_3 = arith.addi %scan3A_1, %scan3A_2 : i32
    %scan3A_4 = arith.constant 1 : i32
    scf.for %scan3A_6 = %scan3A_1 to %scan3A_3 step %scan3A_4  : i32 {
      %mul3A_7 = arith.constant 20 : i32
      %mul3A_8 = arith.muli %add3A, %mul3A_7 : i32
      %add3A_9 = arith.addi %mul3A_8, %scan3A_6 : i32
      "tpu.region"() ({
        %run_scoped3A = tpu.sem_alloc : memref<!tpu.dma_semaphore, #tpu.memory_space<semaphore_mem>>
        %dma_start3A_22 = arith.constant 0 : i32
        %dma_start3A_23 = tpu.memref_slice %arg2[%add3A_9, %dma_start3A_22] : memref<640x192xi32, #tpu.memory_space<hbm>> -> memref<1x192xi32, #tpu.memory_space<hbm>>
        %dma_start3A_24 = tpu.memref_squeeze %dma_start3A_23 : memref<1x192xi32, #tpu.memory_space<hbm>> -> memref<192xi32, #tpu.memory_space<hbm>>
        %dma_start3A_25 = arith.constant 0 : i32
        %dma_start3A_26 = tpu.memref_slice %arg2[%add3A_9, %dma_start3A_25] : memref<640x192xi32, #tpu.memory_space<hbm>> -> memref<1x192xi32, #tpu.memory_space<hbm>>
        %dma_start3A_27 = tpu.memref_squeeze %dma_start3A_26 : memref<1x192xi32, #tpu.memory_space<hbm>> -> memref<192xi32, #tpu.memory_space<hbm>>
        tpu.enqueue_dma source(%dma_start3A_27 : memref<192xi32, #tpu.memory_space<hbm>>) target(%arg5 : memref<192xi32, #tpu.memory_space<vmem>>) target_semaphore(%run_scoped3A : memref<!tpu.dma_semaphore, #tpu.memory_space<semaphore_mem>>)
        %dma_wait3A_28 = arith.constant 0 : i32
        %dma_wait3A_29 = tpu.memref_slice %arg2[%add3A_9, %dma_wait3A_28] : memref<640x192xi32, #tpu.memory_space<hbm>> -> memref<1x192xi32, #tpu.memory_space<hbm>>
        %dma_wait3A_30 = tpu.memref_squeeze %dma_wait3A_29 : memref<1x192xi32, #tpu.memory_space<hbm>> -> memref<192xi32, #tpu.memory_space<hbm>>
        %dma_wait3A_31 = arith.constant 0 : i32
        %dma_wait3A_32 = tpu.memref_slice %arg2[%add3A_9, %dma_wait3A_31] : memref<640x192xi32, #tpu.memory_space<hbm>> -> memref<1x192xi32, #tpu.memory_space<hbm>>
        %dma_wait3A_33 = tpu.memref_squeeze %dma_wait3A_32 : memref<1x192xi32, #tpu.memory_space<hbm>> -> memref<192xi32, #tpu.memory_space<hbm>>
        tpu.wait_dma2 semaphore(%run_scoped3A : memref<!tpu.dma_semaphore, #tpu.memory_space<semaphore_mem>>) src(%dma_wait3A_33 : memref<192xi32, #tpu.memory_space<hbm>>) dst(%arg5 : memref<192xi32, #tpu.memory_space<vmem>>)
        tpu.yield
      }) : () -> ()
      %dma_start3A = arith.constant 0 : i32
      %dma_start3A_10 = arith.constant 0 : i32
      %dma_start3A_11 = tpu.memref_slice %arg3[%dma_start3A, %dma_start3A_10] : memref<16432x384xf32, #tpu.memory_space<hbm>> -> memref<16432x384xf32, #tpu.memory_space<hbm>>
      tpu.enqueue_indirect_dma source(%dma_start3A_11 : memref<16432x384xf32, #tpu.memory_space<hbm>>) target(%arg6 : memref<192x384xf32, #tpu.memory_space<vmem>>) offsets(%arg5 : memref<192xi32, #tpu.memory_space<vmem>>) semaphore(%arg8 : memref<!tpu.dma_semaphore, #tpu.memory_space<semaphore_mem>>)
      %dma_wait3A = arith.constant 0 : i32
      %dma_wait3A_12 = arith.constant 0 : i32
      %dma_wait3A_13 = tpu.memref_slice %arg3[%dma_wait3A, %dma_wait3A_12] : memref<16432x384xf32, #tpu.memory_space<hbm>> -> memref<16432x384xf32, #tpu.memory_space<hbm>>
      tpu.wait_indirect_dma semaphore(%arg8 : memref<!tpu.dma_semaphore, #tpu.memory_space<semaphore_mem>>) src(%dma_wait3A_13 : memref<16432x384xf32, #tpu.memory_space<hbm>>) dst(%arg6 : memref<192x384xf32, #tpu.memory_space<vmem>>)
      %scan3A_14 = arith.constant 0 : i32
      %scan3A_15 = arith.constant 0 : i32
      %scan3A_16 = arith.constant 32 : i32
      %scan3A_17 = arith.addi %scan3A_15, %scan3A_16 : i32
      %scan3A_18 = arith.constant 1 : i32
      scf.for %scan3A_22 = %scan3A_15 to %scan3A_17 step %scan3A_18  : i32 {
        %get3A = arith.index_cast %scan3A_22 : i32 to index
        %get3A_23 = arith.constant 0 : index
        %get3A_24 = tpu.vector_load %arg6[%get3A, %get3A_23] {strides = array<i32>} : memref<192x384xf32, #tpu.memory_space<vmem>>, vector<1x16xf32>,
        %get3A_25 = vector.shape_cast %get3A_24 : vector<1x16xf32> to vector<16xf32>
        %add3A_26 = arith.constant 32 : i32
        %add3A_27 = arith.addi %add3A_26, %scan3A_22 : i32
        %get3A_28 = arith.index_cast %add3A_27 : i32 to index
        %get3A_29 = arith.constant 0 : index
        %get3A_30 = tpu.vector_load %arg6[%get3A_28, %get3A_29] {strides = array<i32>} : memref<192x384xf32, #tpu.memory_space<vmem>>, vector<1x16xf32>,
        %get3A_31 = vector.shape_cast %get3A_30 : vector<1x16xf32> to vector<16xf32>
        %add3A_32 = arith.addf %get3A_25, %get3A_31 : vector<16xf32>
        %add3A_33 = arith.constant 64 : i32
        %add3A_34 = arith.addi %add3A_33, %scan3A_22 : i32
        %get3A_35 = arith.index_cast %add3A_34 : i32 to index
        %get3A_36 = arith.constant 0 : index
        %get3A_37 = tpu.vector_load %arg6[%get3A_35, %get3A_36] {strides = array<i32>} : memref<192x384xf32, #tpu.memory_space<vmem>>, vector<1x16xf32>,
        %get3A_38 = vector.shape_cast %get3A_37 : vector<1x16xf32> to vector<16xf32>
        %add3A_39 = arith.addf %add3A_32, %get3A_38 : vector<16xf32>
        %add3A_40 = arith.constant 96 : i32
        %add3A_41 = arith.addi %add3A_40, %scan3A_22 : i32
        %get3A_42 = arith.index_cast %add3A_41 : i32 to index
        %get3A_43 = arith.constant 0 : index
        %get3A_44 = tpu.vector_load %arg6[%get3A_42, %get3A_43] {strides = array<i32>} : memref<192x384xf32, #tpu.memory_space<vmem>>, vector<1x16xf32>,
        %get3A_45 = vector.shape_cast %get3A_44 : vector<1x16xf32> to vector<16xf32>
        %add3A_46 = arith.addf %add3A_39, %get3A_45 : vector<16xf32>
        %add3A_47 = arith.constant 128 : i32
        %add3A_48 = arith.addi %add3A_47, %scan3A_22 : i32
        %get3A_49 = arith.index_cast %add3A_48 : i32 to index
        %get3A_50 = arith.constant 0 : index
        %get3A_51 = tpu.vector_load %arg6[%get3A_49, %get3A_50] {strides = array<i32>} : memref<192x384xf32, #tpu.memory_space<vmem>>, vector<1x16xf32>,
        %get3A_52 = vector.shape_cast %get3A_51 : vector<1x16xf32> to vector<16xf32>
        %add3A_53 = arith.addf %add3A_46, %get3A_52 : vector<16xf32>
        %add3A_54 = arith.constant 160 : i32
        %add3A_55 = arith.addi %add3A_54, %scan3A_22 : i32
        %get3A_56 = arith.index_cast %add3A_55 : i32 to index
        %get3A_57 = arith.constant 0 : index
        %get3A_58 = tpu.vector_load %arg6[%get3A_56, %get3A_57] {strides = array<i32>} : memref<192x384xf32, #tpu.memory_space<vmem>>, vector<1x16xf32>,
        %get3A_59 = vector.shape_cast %get3A_58 : vector<1x16xf32> to vector<16xf32>
        %add3A_60 = arith.addf %add3A_53, %get3A_59 : vector<16xf32>
        %swap3A = arith.index_cast %scan3A_22 : i32 to index
        %swap3A_61 = arith.constant 0 : index
        %swap3A_62 = tpu.vector_load %arg7[%swap3A, %swap3A_61] {strides = array<i32>} : memref<32x384xf32, #tpu.memory_space<vmem>>, vector<1x16xf32>,
        %swap3A_63 = vector.shape_cast %swap3A_62 : vector<1x16xf32> to vector<16xf32>
        %swap3A_64 = vector.shape_cast %add3A_60 : vector<16xf32> to vector<1x16xf32>
        tpu.vector_store %arg7[%swap3A, %swap3A_61], %swap3A_64 {strides = array<i32>} : memref<32x384xf32, #tpu.memory_space<vmem>>, vector<1x16xf32>,
        %get3A_65 = arith.index_cast %scan3A_22 : i32 to index
        %get3A_66 = arith.constant 16 : index
        %get3A_67 = tpu.vector_load %arg6[%get3A_65, %get3A_66] {strides = array<i32>} : memref<192x384xf32, #tpu.memory_space<vmem>>, vector<1x16xf32>,
        %get3A_68 = vector.shape_cast %get3A_67 : vector<1x16xf32> to vector<16xf32>
        %add3A_69 = arith.constant 32 : i32
        %add3A_70 = arith.addi %add3A_69, %scan3A_22 : i32
        %get3A_71 = arith.index_cast %add3A_70 : i32 to index
        %get3A_72 = arith.constant 16 : index
        %get3A_73 = tpu.vector_load %arg6[%get3A_71, %get3A_72] {strides = array<i32>} : memref<192x384xf32, #tpu.memory_space<vmem>>, vector<1x16xf32>,
        %get3A_74 = vector.shape_cast %get3A_73 : vector<1x16xf32> to vector<16xf32>
        %add3A_75 = arith.addf %get3A_68, %get3A_74 : vector<16xf32>
        %add3A_76 = arith.constant 64 : i32
        %add3A_77 = arith.addi %add3A_76, %scan3A_22 : i32
        %get3A_78 = arith.index_cast %add3A_77 : i32 to index
        %get3A_79 = arith.constant 16 : index
        %get3A_80 = tpu.vector_load %arg6[%get3A_78, %get3A_79] {strides = array<i32>} : memref<192x384xf32, #tpu.memory_space<vmem>>, vector<1x16xf32>,
        %get3A_81 = vector.shape_cast %get3A_80 : vector<1x16xf32> to vector<16xf32>
        %add3A_82 = arith.addf %add3A_75, %get3A_81 : vector<16xf32>
        %add3A_83 = arith.constant 96 : i32
        %add3A_84 = arith.addi %add3A_83, %scan3A_22 : i32
        %get3A_85 = arith.index_cast %add3A_84 : i32 to index
        %get3A_86 = arith.constant 16 : index
        %get3A_87 = tpu.vector_load %arg6[%get3A_85, %get3A_86] {strides = array<i32>} : memref<192x384xf32, #tpu.memory_space<vmem>>, vector<1x16xf32>,
        %get3A_88 = vector.shape_cast %get3A_87 : vector<1x16xf32> to vector<16xf32>
        %add3A_89 = arith.addf %add3A_82, %get3A_88 : vector<16xf32>
        %add3A_90 = arith.constant 128 : i32
        %add3A_91 = arith.addi %add3A_90, %scan3A_22 : i32
        %get3A_92 = arith.index_cast %add3A_91 : i32 to index
        %get3A_93 = arith.constant 16 : index
        %get3A_94 = tpu.vector_load %arg6[%get3A_92, %get3A_93] {strides = array<i32>} : memref<192x384xf32, #tpu.memory_space<vmem>>, vector<1x16xf32>,
        %get3A_95 = vector.shape_cast %get3A_94 : vector<1x16xf32> to vector<16xf32>
        %add3A_96 = arith.addf %add3A_89, %get3A_95 : vector<16xf32>
        %add3A_97 = arith.constant 160 : i32
        %add3A_98 = arith.addi %add3A_97, %scan3A_22 : i32
        %get3A_99 = arith.index_cast %add3A_98 : i32 to index
        %get3A_100 = arith.constant 16 : index
        %get3A_101 = tpu.vector_load %arg6[%get3A_99, %get3A_100] {strides = array<i32>} : memref<192x384xf32, #tpu.memory_space<vmem>>, vector<1x16xf32>,
        %get3A_102 = vector.shape_cast %get3A_101 : vector<1x16xf32> to vector<16xf32>
        %add3A_103 = arith.addf %add3A_96, %get3A_102 : vector<16xf32>
        %swap3A_104 = arith.index_cast %scan3A_22 : i32 to index
        %swap3A_105 = arith.constant 16 : index
        %swap3A_106 = tpu.vector_load %arg7[%swap3A_104, %swap3A_105] {strides = array<i32>} : memref<32x384xf32, #tpu.memory_space<vmem>>, vector<1x16xf32>,
        %swap3A_107 = vector.shape_cast %swap3A_106 : vector<1x16xf32> to vector<16xf32>
        %swap3A_108 = vector.shape_cast %add3A_103 : vector<16xf32> to vector<1x16xf32>
        tpu.vector_store %arg7[%swap3A_104, %swap3A_105], %swap3A_108 {strides = array<i32>} : memref<32x384xf32, #tpu.memory_space<vmem>>, vector<1x16xf32>,
        %get3A_109 = arith.index_cast %scan3A_22 : i32 to index
        %get3A_110 = arith.constant 32 : index
        %get3A_111 = tpu.vector_load %arg6[%get3A_109, %get3A_110] {strides = array<i32>} : memref<192x384xf32, #tpu.memory_space<vmem>>, vector<1x16xf32>,
        %get3A_112 = vector.shape_cast %get3A_111 : vector<1x16xf32> to vector<16xf32>
        %add3A_113 = arith.constant 32 : i32
        %add3A_114 = arith.addi %add3A_113, %scan3A_22 : i32
        %get3A_115 = arith.index_cast %add3A_114 : i32 to index
        %get3A_116 = arith.constant 32 : index
        %get3A_117 = tpu.vector_load %arg6[%get3A_115, %get3A_116] {strides = array<i32>} : memref<192x384xf32, #tpu.memory_space<vmem>>, vector<1x16xf32>,
        %get3A_118 = vector.shape_cast %get3A_117 : vector<1x16xf32> to vector<16xf32>
        %add3A_119 = arith.addf %get3A_112, %get3A_118 : vector<16xf32>
        %add3A_120 = arith.constant 64 : i32
        %add3A_121 = arith.addi %add3A_120, %scan3A_22 : i32
        %get3A_122 = arith.index_cast %add3A_121 : i32 to index
        %get3A_123 = arith.constant 32 : index
        %get3A_124 = tpu.vector_load %arg6[%get3A_122, %get3A_123] {strides = array<i32>} : memref<192x384xf32, #tpu.memory_space<vmem>>, vector<1x16xf32>,
        %get3A_125 = vector.shape_cast %get3A_124 : vector<1x16xf32> to vector<16xf32>
        %add3A_126 = arith.addf %add3A_119, %get3A_125 : vector<16xf32>
        %add3A_127 = arith.constant 96 : i32
        %add3A_128 = arith.addi %add3A_127, %scan3A_22 : i32
        %get3A_129 = arith.index_cast %add3A_128 : i32 to index
        %get3A_130 = arith.constant 32 : index
        %get3A_131 = tpu.vector_load %arg6[%get3A_129, %get3A_130] {strides = array<i32>} : memref<192x384xf32, #tpu.memory_space<vmem>>, vector<1x16xf32>,
        %get3A_132 = vector.shape_cast %get3A_131 : vector<1x16xf32> to vector<16xf32>
        %add3A_133 = arith.addf %add3A_126, %get3A_132 : vector<16xf32>
        %add3A_134 = arith.constant 128 : i32
        %add3A_135 = arith.addi %add3A_134, %scan3A_22 : i32
        %get3A_136 = arith.index_cast %add3A_135 : i32 to index
        %get3A_137 = arith.constant 32 : index
        %get3A_138 = tpu.vector_load %arg6[%get3A_136, %get3A_137] {strides = array<i32>} : memref<192x384xf32, #tpu.memory_space<vmem>>, vector<1x16xf32>,
        %get3A_139 = vector.shape_cast %get3A_138 : vector<1x16xf32> to vector<16xf32>
        %add3A_140 = arith.addf %add3A_133, %get3A_139 : vector<16xf32>
        %add3A_141 = arith.constant 160 : i32
        %add3A_142 = arith.addi %add3A_141, %scan3A_22 : i32
        %get3A_143 = arith.index_cast %add3A_142 : i32 to index
        %get3A_144 = arith.constant 32 : index
        %get3A_145 = tpu.vector_load %arg6[%get3A_143, %get3A_144] {strides = array<i32>} : memref<192x384xf32, #tpu.memory_space<vmem>>, vector<1x16xf32>,
        %get3A_146 = vector.shape_cast %get3A_145 : vector<1x16xf32> to vector<16xf32>
        %add3A_147 = arith.addf %add3A_140, %get3A_146 : vector<16xf32>
        %swap3A_148 = arith.index_cast %scan3A_22 : i32 to index
        %swap3A_149 = arith.constant 32 : index
        %swap3A_150 = tpu.vector_load %arg7[%swap3A_148, %swap3A_149] {strides = array<i32>} : memref<32x384xf32, #tpu.memory_space<vmem>>, vector<1x16xf32>,
        %swap3A_151 = vector.shape_cast %swap3A_150 : vector<1x16xf32> to vector<16xf32>
        %swap3A_152 = vector.shape_cast %add3A_147 : vector<16xf32> to vector<1x16xf32>
        tpu.vector_store %arg7[%swap3A_148, %swap3A_149], %swap3A_152 {strides = array<i32>} : memref<32x384xf32, #tpu.memory_space<vmem>>, vector<1x16xf32>,
        %get3A_153 = arith.index_cast %scan3A_22 : i32 to index
        %get3A_154 = arith.constant 48 : index
        %get3A_155 = tpu.vector_load %arg6[%get3A_153, %get3A_154] {strides = array<i32>} : memref<192x384xf32, #tpu.memory_space<vmem>>, vector<1x16xf32>,
        %get3A_156 = vector.shape_cast %get3A_155 : vector<1x16xf32> to vector<16xf32>
        %add3A_157 = arith.constant 32 : i32
        %add3A_158 = arith.addi %add3A_157, %scan3A_22 : i32
        %get3A_159 = arith.index_cast %add3A_158 : i32 to index
        %get3A_160 = arith.constant 48 : index
        %get3A_161 = tpu.vector_load %arg6[%get3A_159, %get3A_160] {strides = array<i32>} : memref<192x384xf32, #tpu.memory_space<vmem>>, vector<1x16xf32>,
        %get3A_162 = vector.shape_cast %get3A_161 : vector<1x16xf32> to vector<16xf32>
        %add3A_163 = arith.addf %get3A_156, %get3A_162 : vector<16xf32>
        %add3A_164 = arith.constant 64 : i32
        %add3A_165 = arith.addi %add3A_164, %scan3A_22 : i32
        %get3A_166 = arith.index_cast %add3A_165 : i32 to index
        %get3A_167 = arith.constant 48 : index
        %get3A_168 = tpu.vector_load %arg6[%get3A_166, %get3A_167] {strides = array<i32>} : memref<192x384xf32, #tpu.memory_space<vmem>>, vector<1x16xf32>,
        %get3A_169 = vector.shape_cast %get3A_168 : vector<1x16xf32> to vector<16xf32>
        %add3A_170 = arith.addf %add3A_163, %get3A_169 : vector<16xf32>
        %add3A_171 = arith.constant 96 : i32
        %add3A_172 = arith.addi %add3A_171, %scan3A_22 : i32
        %get3A_173 = arith.index_cast %add3A_172 : i32 to index
        %get3A_174 = arith.constant 48 : index
        %get3A_175 = tpu.vector_load %arg6[%get3A_173, %get3A_174] {strides = array<i32>} : memref<192x384xf32, #tpu.memory_space<vmem>>, vector<1x16xf32>,
        %get3A_176 = vector.shape_cast %get3A_175 : vector<1x16xf32> to vector<16xf32>
        %add3A_177 = arith.addf %add3A_170, %get3A_176 : vector<16xf32>
        %add3A_178 = arith.constant 128 : i32
        %add3A_179 = arith.addi %add3A_178, %scan3A_22 : i32
        %get3A_180 = arith.index_cast %add3A_179 : i32 to index
        %get3A_181 = arith.constant 48 : index
        %get3A_182 = tpu.vector_load %arg6[%get3A_180, %get3A_181] {strides = array<i32>} : memref<192x384xf32, #tpu.memory_space<vmem>>, vector<1x16xf32>,
        %get3A_183 = vector.shape_cast %get3A_182 : vector<1x16xf32> to vector<16xf32>
        %add3A_184 = arith.addf %add3A_177, %get3A_183 : vector<16xf32>
        %add3A_185 = arith.constant 160 : i32
        %add3A_186 = arith.addi %add3A_185, %scan3A_22 : i32
        %get3A_187 = arith.index_cast %add3A_186 : i32 to index
        %get3A_188 = arith.constant 48 : index
        %get3A_189 = tpu.vector_load %arg6[%get3A_187, %get3A_188] {strides = array<i32>} : memref<192x384xf32, #tpu.memory_space<vmem>>, vector<1x16xf32>,
        %get3A_190 = vector.shape_cast %get3A_189 : vector<1x16xf32> to vector<16xf32>
        %add3A_191 = arith.addf %add3A_184, %get3A_190 : vector<16xf32>
        %swap3A_192 = arith.index_cast %scan3A_22 : i32 to index
        %swap3A_193 = arith.constant 48 : index
        %swap3A_194 = tpu.vector_load %arg7[%swap3A_192, %swap3A_193] {strides = array<i32>} : memref<32x384xf32, #tpu.memory_space<vmem>>, vector<1x16xf32>,
        %swap3A_195 = vector.shape_cast %swap3A_194 : vector<1x16xf32> to vector<16xf32>
        %swap3A_196 = vector.shape_cast %add3A_191 : vector<16xf32> to vector<1x16xf32>
        tpu.vector_store %arg7[%swap3A_192, %swap3A_193], %swap3A_196 {strides = array<i32>} : memref<32x384xf32, #tpu.memory_space<vmem>>, vector<1x16xf32>,
        %get3A_197 = arith.index_cast %scan3A_22 : i32 to index
        %get3A_198 = arith.constant 64 : index
        %get3A_199 = tpu.vector_load %arg6[%get3A_197, %get3A_198] {strides = array<i32>} : memref<192x384xf32, #tpu.memory_space<vmem>>, vector<1x16xf32>,
        %get3A_200 = vector.shape_cast %get3A_199 : vector<1x16xf32> to vector<16xf32>
        %add3A_201 = arith.constant 32 : i32
        %add3A_202 = arith.addi %add3A_201, %scan3A_22 : i32
        %get3A_203 = arith.index_cast %add3A_202 : i32 to index
        %get3A_204 = arith.constant 64 : index
        %get3A_205 = tpu.vector_load %arg6[%get3A_203, %get3A_204] {strides = array<i32>} : memref<192x384xf32, #tpu.memory_space<vmem>>, vector<1x16xf32>,
        %get3A_206 = vector.shape_cast %get3A_205 : vector<1x16xf32> to vector<16xf32>
        %add3A_207 = arith.addf %get3A_200, %get3A_206 : vector<16xf32>
        %add3A_208 = arith.constant 64 : i32
        %add3A_209 = arith.addi %add3A_208, %scan3A_22 : i32
        %get3A_210 = arith.index_cast %add3A_209 : i32 to index
        %get3A_211 = arith.constant 64 : index
        %get3A_212 = tpu.vector_load %arg6[%get3A_210, %get3A_211] {strides = array<i32>} : memref<192x384xf32, #tpu.memory_space<vmem>>, vector<1x16xf32>,
        %get3A_213 = vector.shape_cast %get3A_212 : vector<1x16xf32> to vector<16xf32>
        %add3A_214 = arith.addf %add3A_207, %get3A_213 : vector<16xf32>
        %add3A_215 = arith.constant 96 : i32
        %add3A_216 = arith.addi %add3A_215, %scan3A_22 : i32
        %get3A_217 = arith.index_cast %add3A_216 : i32 to index
        %get3A_218 = arith.constant 64 : index
        %get3A_219 = tpu.vector_load %arg6[%get3A_217, %get3A_218] {strides = array<i32>} : memref<192x384xf32, #tpu.memory_space<vmem>>, vector<1x16xf32>,
        %get3A_220 = vector.shape_cast %get3A_219 : vector<1x16xf32> to vector<16xf32>
        %add3A_221 = arith.addf %add3A_214, %get3A_220 : vector<16xf32>
        %add3A_222 = arith.constant 128 : i32
        %add3A_223 = arith.addi %add3A_222, %scan3A_22 : i32
        %get3A_224 = arith.index_cast %add3A_223 : i32 to index
        %get3A_225 = arith.constant 64 : index
        %get3A_226 = tpu.vector_load %arg6[%get3A_224, %get3A_225] {strides = array<i32>} : memref<192x384xf32, #tpu.memory_space<vmem>>, vector<1x16xf32>,
        %get3A_227 = vector.shape_cast %get3A_226 : vector<1x16xf32> to vector<16xf32>
        %add3A_228 = arith.addf %add3A_221, %get3A_227 : vector<16xf32>
        %add3A_229 = arith.constant 160 : i32
        %add3A_230 = arith.addi %add3A_229, %scan3A_22 : i32
        %get3A_231 = arith.index_cast %add3A_230 : i32 to index
        %get3A_232 = arith.constant 64 : index
        %get3A_233 = tpu.vector_load %arg6[%get3A_231, %get3A_232] {strides = array<i32>} : memref<192x384xf32, #tpu.memory_space<vmem>>, vector<1x16xf32>,
        %get3A_234 = vector.shape_cast %get3A_233 : vector<1x16xf32> to vector<16xf32>
        %add3A_235 = arith.addf %add3A_228, %get3A_234 : vector<16xf32>
        %swap3A_236 = arith.index_cast %scan3A_22 : i32 to index
        %swap3A_237 = arith.constant 64 : index
        %swap3A_238 = tpu.vector_load %arg7[%swap3A_236, %swap3A_237] {strides = array<i32>} : memref<32x384xf32, #tpu.memory_space<vmem>>, vector<1x16xf32>,
        %swap3A_239 = vector.shape_cast %swap3A_238 : vector<1x16xf32> to vector<16xf32>
        %swap3A_240 = vector.shape_cast %add3A_235 : vector<16xf32> to vector<1x16xf32>
        tpu.vector_store %arg7[%swap3A_236, %swap3A_237], %swap3A_240 {strides = array<i32>} : memref<32x384xf32, #tpu.memory_space<vmem>>, vector<1x16xf32>,
        %get3A_241 = arith.index_cast %scan3A_22 : i32 to index
        %get3A_242 = arith.constant 80 : index
        %get3A_243 = tpu.vector_load %arg6[%get3A_241, %get3A_242] {strides = array<i32>} : memref<192x384xf32, #tpu.memory_space<vmem>>, vector<1x16xf32>,
        %get3A_244 = vector.shape_cast %get3A_243 : vector<1x16xf32> to vector<16xf32>
        %add3A_245 = arith.constant 32 : i32
        %add3A_246 = arith.addi %add3A_245, %scan3A_22 : i32
        %get3A_247 = arith.index_cast %add3A_246 : i32 to index
        %get3A_248 = arith.constant 80 : index
        %get3A_249 = tpu.vector_load %arg6[%get3A_247, %get3A_248] {strides = array<i32>} : memref<192x384xf32, #tpu.memory_space<vmem>>, vector<1x16xf32>,
        %get3A_250 = vector.shape_cast %get3A_249 : vector<1x16xf32> to vector<16xf32>
        %add3A_251 = arith.addf %get3A_244, %get3A_250 : vector<16xf32>
        %add3A_252 = arith.constant 64 : i32
        %add3A_253 = arith.addi %add3A_252, %scan3A_22 : i32
        %get3A_254 = arith.index_cast %add3A_253 : i32 to index
        %get3A_255 = arith.constant 80 : index
        %get3A_256 = tpu.vector_load %arg6[%get3A_254, %get3A_255] {strides = array<i32>} : memref<192x384xf32, #tpu.memory_space<vmem>>, vector<1x16xf32>,
        %get3A_257 = vector.shape_cast %get3A_256 : vector<1x16xf32> to vector<16xf32>
        %add3A_258 = arith.addf %add3A_251, %get3A_257 : vector<16xf32>
        %add3A_259 = arith.constant 96 : i32
        %add3A_260 = arith.addi %add3A_259, %scan3A_22 : i32
        %get3A_261 = arith.index_cast %add3A_260 : i32 to index
        %get3A_262 = arith.constant 80 : index
        %get3A_263 = tpu.vector_load %arg6[%get3A_261, %get3A_262] {strides = array<i32>} : memref<192x384xf32, #tpu.memory_space<vmem>>, vector<1x16xf32>,
        %get3A_264 = vector.shape_cast %get3A_263 : vector<1x16xf32> to vector<16xf32>
        %add3A_265 = arith.addf %add3A_258, %get3A_264 : vector<16xf32>
        %add3A_266 = arith.constant 128 : i32
        %add3A_267 = arith.addi %add3A_266, %scan3A_22 : i32
        %get3A_268 = arith.index_cast %add3A_267 : i32 to index
        %get3A_269 = arith.constant 80 : index
        %get3A_270 = tpu.vector_load %arg6[%get3A_268, %get3A_269] {strides = array<i32>} : memref<192x384xf32, #tpu.memory_space<vmem>>, vector<1x16xf32>,
        %get3A_271 = vector.shape_cast %get3A_270 : vector<1x16xf32> to vector<16xf32>
        %add3A_272 = arith.addf %add3A_265, %get3A_271 : vector<16xf32>
        %add3A_273 = arith.constant 160 : i32
        %add3A_274 = arith.addi %add3A_273, %scan3A_22 : i32
        %get3A_275 = arith.index_cast %add3A_274 : i32 to index
        %get3A_276 = arith.constant 80 : index
        %get3A_277 = tpu.vector_load %arg6[%get3A_275, %get3A_276] {strides = array<i32>} : memref<192x384xf32, #tpu.memory_space<vmem>>, vector<1x16xf32>,
        %get3A_278 = vector.shape_cast %get3A_277 : vector<1x16xf32> to vector<16xf32>
        %add3A_279 = arith.addf %add3A_272, %get3A_278 : vector<16xf32>
        %swap3A_280 = arith.index_cast %scan3A_22 : i32 to index
        %swap3A_281 = arith.constant 80 : index
        %swap3A_282 = tpu.vector_load %arg7[%swap3A_280, %swap3A_281] {strides = array<i32>} : memref<32x384xf32, #tpu.memory_space<vmem>>, vector<1x16xf32>,
        %swap3A_283 = vector.shape_cast %swap3A_282 : vector<1x16xf32> to vector<16xf32>
        %swap3A_284 = vector.shape_cast %add3A_279 : vector<16xf32> to vector<1x16xf32>
        tpu.vector_store %arg7[%swap3A_280, %swap3A_281], %swap3A_284 {strides = array<i32>} : memref<32x384xf32, #tpu.memory_space<vmem>>, vector<1x16xf32>,
        %get3A_285 = arith.index_cast %scan3A_22 : i32 to index
        %get3A_286 = arith.constant 96 : index
        %get3A_287 = tpu.vector_load %arg6[%get3A_285, %get3A_286] {strides = array<i32>} : memref<192x384xf32, #tpu.memory_space<vmem>>, vector<1x16xf32>,
        %get3A_288 = vector.shape_cast %get3A_287 : vector<1x16xf32> to vector<16xf32>
        %add3A_289 = arith.constant 32 : i32
        %add3A_290 = arith.addi %add3A_289, %scan3A_22 : i32
        %get3A_291 = arith.index_cast %add3A_290 : i32 to index
        %get3A_292 = arith.constant 96 : index
        %get3A_293 = tpu.vector_load %arg6[%get3A_291, %get3A_292] {strides = array<i32>} : memref<192x384xf32, #tpu.memory_space<vmem>>, vector<1x16xf32>,
        %get3A_294 = vector.shape_cast %get3A_293 : vector<1x16xf32> to vector<16xf32>
        %add3A_295 = arith.addf %get3A_288, %get3A_294 : vector<16xf32>
        %add3A_296 = arith.constant 64 : i32
        %add3A_297 = arith.addi %add3A_296, %scan3A_22 : i32
        %get3A_298 = arith.index_cast %add3A_297 : i32 to index
        %get3A_299 = arith.constant 96 : index
        %get3A_300 = tpu.vector_load %arg6[%get3A_298, %get3A_299] {strides = array<i32>} : memref<192x384xf32, #tpu.memory_space<vmem>>, vector<1x16xf32>,
        %get3A_301 = vector.shape_cast %get3A_300 : vector<1x16xf32> to vector<16xf32>
        %add3A_302 = arith.addf %add3A_295, %get3A_301 : vector<16xf32>
        %add3A_303 = arith.constant 96 : i32
        %add3A_304 = arith.addi %add3A_303, %scan3A_22 : i32
        %get3A_305 = arith.index_cast %add3A_304 : i32 to index
        %get3A_306 = arith.constant 96 : index
        %get3A_307 = tpu.vector_load %arg6[%get3A_305, %get3A_306] {strides = array<i32>} : memref<192x384xf32, #tpu.memory_space<vmem>>, vector<1x16xf32>,
        %get3A_308 = vector.shape_cast %get3A_307 : vector<1x16xf32> to vector<16xf32>
        %add3A_309 = arith.addf %add3A_302, %get3A_308 : vector<16xf32>
        %add3A_310 = arith.constant 128 : i32
        %add3A_311 = arith.addi %add3A_310, %scan3A_22 : i32
        %get3A_312 = arith.index_cast %add3A_311 : i32 to index
        %get3A_313 = arith.constant 96 : index
        %get3A_314 = tpu.vector_load %arg6[%get3A_312, %get3A_313] {strides = array<i32>} : memref<192x384xf32, #tpu.memory_space<vmem>>, vector<1x16xf32>,
        %get3A_315 = vector.shape_cast %get3A_314 : vector<1x16xf32> to vector<16xf32>
        %add3A_316 = arith.addf %add3A_309, %get3A_315 : vector<16xf32>
        %add3A_317 = arith.constant 160 : i32
        %add3A_318 = arith.addi %add3A_317, %scan3A_22 : i32
        %get3A_319 = arith.index_cast %add3A_318 : i32 to index
        %get3A_320 = arith.constant 96 : index
        %get3A_321 = tpu.vector_load %arg6[%get3A_319, %get3A_320] {strides = array<i32>} : memref<192x384xf32, #tpu.memory_space<vmem>>, vector<1x16xf32>,
        %get3A_322 = vector.shape_cast %get3A_321 : vector<1x16xf32> to vector<16xf32>
        %add3A_323 = arith.addf %add3A_316, %get3A_322 : vector<16xf32>
        %swap3A_324 = arith.index_cast %scan3A_22 : i32 to index
        %swap3A_325 = arith.constant 96 : index
        %swap3A_326 = tpu.vector_load %arg7[%swap3A_324, %swap3A_325] {strides = array<i32>} : memref<32x384xf32, #tpu.memory_space<vmem>>, vector<1x16xf32>,
        %swap3A_327 = vector.shape_cast %swap3A_326 : vector<1x16xf32> to vector<16xf32>
        %swap3A_328 = vector.shape_cast %add3A_323 : vector<16xf32> to vector<1x16xf32>
        tpu.vector_store %arg7[%swap3A_324, %swap3A_325], %swap3A_328 {strides = array<i32>} : memref<32x384xf32, #tpu.memory_space<vmem>>, vector<1x16xf32>,
        %get3A_329 = arith.index_cast %scan3A_22 : i32 to index
        %get3A_330 = arith.constant 112 : index
        %get3A_331 = tpu.vector_load %arg6[%get3A_329, %get3A_330] {strides = array<i32>} : memref<192x384xf32, #tpu.memory_space<vmem>>, vector<1x16xf32>,
        %get3A_332 = vector.shape_cast %get3A_331 : vector<1x16xf32> to vector<16xf32>
        %add3A_333 = arith.constant 32 : i32
        %add3A_334 = arith.addi %add3A_333, %scan3A_22 : i32
        %get3A_335 = arith.index_cast %add3A_334 : i32 to index
        %get3A_336 = arith.constant 112 : index
        %get3A_337 = tpu.vector_load %arg6[%get3A_335, %get3A_336] {strides = array<i32>} : memref<192x384xf32, #tpu.memory_space<vmem>>, vector<1x16xf32>,
        %get3A_338 = vector.shape_cast %get3A_337 : vector<1x16xf32> to vector<16xf32>
        %add3A_339 = arith.addf %get3A_332, %get3A_338 : vector<16xf32>
        %add3A_340 = arith.constant 64 : i32
        %add3A_341 = arith.addi %add3A_340, %scan3A_22 : i32
        %get3A_342 = arith.index_cast %add3A_341 : i32 to index
        %get3A_343 = arith.constant 112 : index
        %get3A_344 = tpu.vector_load %arg6[%get3A_342, %get3A_343] {strides = array<i32>} : memref<192x384xf32, #tpu.memory_space<vmem>>, vector<1x16xf32>,
        %get3A_345 = vector.shape_cast %get3A_344 : vector<1x16xf32> to vector<16xf32>
        %add3A_346 = arith.addf %add3A_339, %get3A_345 : vector<16xf32>
        %add3A_347 = arith.constant 96 : i32
        %add3A_348 = arith.addi %add3A_347, %scan3A_22 : i32
        %get3A_349 = arith.index_cast %add3A_348 : i32 to index
        %get3A_350 = arith.constant 112 : index
        %get3A_351 = tpu.vector_load %arg6[%get3A_349, %get3A_350] {strides = array<i32>} : memref<192x384xf32, #tpu.memory_space<vmem>>, vector<1x16xf32>,
        %get3A_352 = vector.shape_cast %get3A_351 : vector<1x16xf32> to vector<16xf32>
        %add3A_353 = arith.addf %add3A_346, %get3A_352 : vector<16xf32>
        %add3A_354 = arith.constant 128 : i32
        %add3A_355 = arith.addi %add3A_354, %scan3A_22 : i32
        %get3A_356 = arith.index_cast %add3A_355 : i32 to index
        %get3A_357 = arith.constant 112 : index
        %get3A_358 = tpu.vector_load %arg6[%get3A_356, %get3A_357] {strides = array<i32>} : memref<192x384xf32, #tpu.memory_space<vmem>>, vector<1x16xf32>,
        %get3A_359 = vector.shape_cast %get3A_358 : vector<1x16xf32> to vector<16xf32>
        %add3A_360 = arith.addf %add3A_353, %get3A_359 : vector<16xf32>
        %add3A_361 = arith.constant 160 : i32
        %add3A_362 = arith.addi %add3A_361, %scan3A_22 : i32
        %get3A_363 = arith.index_cast %add3A_362 : i32 to index
        %get3A_364 = arith.constant 112 : index
        %get3A_365 = tpu.vector_load %arg6[%get3A_363, %get3A_364] {strides = array<i32>} : memref<192x384xf32, #tpu.memory_space<vmem>>, vector<1x16xf32>,
        %get3A_366 = vector.shape_cast %get3A_365 : vector<1x16xf32> to vector<16xf32>
        %add3A_367 = arith.addf %add3A_360, %get3A_366 : vector<16xf32>
        %swap3A_368 = arith.index_cast %scan3A_22 : i32 to index
        %swap3A_369 = arith.constant 112 : index
        %swap3A_370 = tpu.vector_load %arg7[%swap3A_368, %swap3A_369] {strides = array<i32>} : memref<32x384xf32, #tpu.memory_space<vmem>>, vector<1x16xf32>,
        %swap3A_371 = vector.shape_cast %swap3A_370 : vector<1x16xf32> to vector<16xf32>
        %swap3A_372 = vector.shape_cast %add3A_367 : vector<16xf32> to vector<1x16xf32>
        tpu.vector_store %arg7[%swap3A_368, %swap3A_369], %swap3A_372 {strides = array<i32>} : memref<32x384xf32, #tpu.memory_space<vmem>>, vector<1x16xf32>,
        %get3A_373 = arith.index_cast %scan3A_22 : i32 to index
        %get3A_374 = arith.constant 128 : index
        %get3A_375 = tpu.vector_load %arg6[%get3A_373, %get3A_374] {strides = array<i32>} : memref<192x384xf32, #tpu.memory_space<vmem>>, vector<1x16xf32>,
        %get3A_376 = vector.shape_cast %get3A_375 : vector<1x16xf32> to vector<16xf32>
        %add3A_377 = arith.constant 32 : i32
        %add3A_378 = arith.addi %add3A_377, %scan3A_22 : i32
        %get3A_379 = arith.index_cast %add3A_378 : i32 to index
        %get3A_380 = arith.constant 128 : index
        %get3A_381 = tpu.vector_load %arg6[%get3A_379, %get3A_380] {strides = array<i32>} : memref<192x384xf32, #tpu.memory_space<vmem>>, vector<1x16xf32>,
        %get3A_382 = vector.shape_cast %get3A_381 : vector<1x16xf32> to vector<16xf32>
        %add3A_383 = arith.addf %get3A_376, %get3A_382 : vector<16xf32>
        %add3A_384 = arith.constant 64 : i32
        %add3A_385 = arith.addi %add3A_384, %scan3A_22 : i32
        %get3A_386 = arith.index_cast %add3A_385 : i32 to index
        %get3A_387 = arith.constant 128 : index
        %get3A_388 = tpu.vector_load %arg6[%get3A_386, %get3A_387] {strides = array<i32>} : memref<192x384xf32, #tpu.memory_space<vmem>>, vector<1x16xf32>,
        %get3A_389 = vector.shape_cast %get3A_388 : vector<1x16xf32> to vector<16xf32>
        %add3A_390 = arith.addf %add3A_383, %get3A_389 : vector<16xf32>
        %add3A_391 = arith.constant 96 : i32
        %add3A_392 = arith.addi %add3A_391, %scan3A_22 : i32
        %get3A_393 = arith.index_cast %add3A_392 : i32 to index
        %get3A_394 = arith.constant 128 : index
        %get3A_395 = tpu.vector_load %arg6[%get3A_393, %get3A_394] {strides = array<i32>} : memref<192x384xf32, #tpu.memory_space<vmem>>, vector<1x16xf32>,
        %get3A_396 = vector.shape_cast %get3A_395 : vector<1x16xf32> to vector<16xf32>
        %add3A_397 = arith.addf %add3A_390, %get3A_396 : vector<16xf32>
        %add3A_398 = arith.constant 128 : i32
        %add3A_399 = arith.addi %add3A_398, %scan3A_22 : i32
        %get3A_400 = arith.index_cast %add3A_399 : i32 to index
        %get3A_401 = arith.constant 128 : index
        %get3A_402 = tpu.vector_load %arg6[%get3A_400, %get3A_401] {strides = array<i32>} : memref<192x384xf32, #tpu.memory_space<vmem>>, vector<1x16xf32>,
        %get3A_403 = vector.shape_cast %get3A_402 : vector<1x16xf32> to vector<16xf32>
        %add3A_404 = arith.addf %add3A_397, %get3A_403 : vector<16xf32>
        %add3A_405 = arith.constant 160 : i32
        %add3A_406 = arith.addi %add3A_405, %scan3A_22 : i32
        %get3A_407 = arith.index_cast %add3A_406 : i32 to index
        %get3A_408 = arith.constant 128 : index
        %get3A_409 = tpu.vector_load %arg6[%get3A_407, %get3A_408] {strides = array<i32>} : memref<192x384xf32, #tpu.memory_space<vmem>>, vector<1x16xf32>,
        %get3A_410 = vector.shape_cast %get3A_409 : vector<1x16xf32> to vector<16xf32>
        %add3A_411 = arith.addf %add3A_404, %get3A_410 : vector<16xf32>
        %swap3A_412 = arith.index_cast %scan3A_22 : i32 to index
        %swap3A_413 = arith.constant 128 : index
        %swap3A_414 = tpu.vector_load %arg7[%swap3A_412, %swap3A_413] {strides = array<i32>} : memref<32x384xf32, #tpu.memory_space<vmem>>, vector<1x16xf32>,
        %swap3A_415 = vector.shape_cast %swap3A_414 : vector<1x16xf32> to vector<16xf32>
        %swap3A_416 = vector.shape_cast %add3A_411 : vector<16xf32> to vector<1x16xf32>
        tpu.vector_store %arg7[%swap3A_412, %swap3A_413], %swap3A_416 {strides = array<i32>} : memref<32x384xf32, #tpu.memory_space<vmem>>, vector<1x16xf32>,
        %get3A_417 = arith.index_cast %scan3A_22 : i32 to index
        %get3A_418 = arith.constant 144 : index
        %get3A_419 = tpu.vector_load %arg6[%get3A_417, %get3A_418] {strides = array<i32>} : memref<192x384xf32, #tpu.memory_space<vmem>>, vector<1x16xf32>,
        %get3A_420 = vector.shape_cast %get3A_419 : vector<1x16xf32> to vector<16xf32>
        %add3A_421 = arith.constant 32 : i32
        %add3A_422 = arith.addi %add3A_421, %scan3A_22 : i32
        %get3A_423 = arith.index_cast %add3A_422 : i32 to index
        %get3A_424 = arith.constant 144 : index
        %get3A_425 = tpu.vector_load %arg6[%get3A_423, %get3A_424] {strides = array<i32>} : memref<192x384xf32, #tpu.memory_space<vmem>>, vector<1x16xf32>,
        %get3A_426 = vector.shape_cast %get3A_425 : vector<1x16xf32> to vector<16xf32>
        %add3A_427 = arith.addf %get3A_420, %get3A_426 : vector<16xf32>
        %add3A_428 = arith.constant 64 : i32
        %add3A_429 = arith.addi %add3A_428, %scan3A_22 : i32
        %get3A_430 = arith.index_cast %add3A_429 : i32 to index
        %get3A_431 = arith.constant 144 : index
        %get3A_432 = tpu.vector_load %arg6[%get3A_430, %get3A_431] {strides = array<i32>} : memref<192x384xf32, #tpu.memory_space<vmem>>, vector<1x16xf32>,
        %get3A_433 = vector.shape_cast %get3A_432 : vector<1x16xf32> to vector<16xf32>
        %add3A_434 = arith.addf %add3A_427, %get3A_433 : vector<16xf32>
        %add3A_435 = arith.constant 96 : i32
        %add3A_436 = arith.addi %add3A_435, %scan3A_22 : i32
        %get3A_437 = arith.index_cast %add3A_436 : i32 to index
        %get3A_438 = arith.constant 144 : index
        %get3A_439 = tpu.vector_load %arg6[%get3A_437, %get3A_438] {strides = array<i32>} : memref<192x384xf32, #tpu.memory_space<vmem>>, vector<1x16xf32>,
        %get3A_440 = vector.shape_cast %get3A_439 : vector<1x16xf32> to vector<16xf32>
        %add3A_441 = arith.addf %add3A_434, %get3A_440 : vector<16xf32>
        %add3A_442 = arith.constant 128 : i32
        %add3A_443 = arith.addi %add3A_442, %scan3A_22 : i32
        %get3A_444 = arith.index_cast %add3A_443 : i32 to index
        %get3A_445 = arith.constant 144 : index
        %get3A_446 = tpu.vector_load %arg6[%get3A_444, %get3A_445] {strides = array<i32>} : memref<192x384xf32, #tpu.memory_space<vmem>>, vector<1x16xf32>,
        %get3A_447 = vector.shape_cast %get3A_446 : vector<1x16xf32> to vector<16xf32>
        %add3A_448 = arith.addf %add3A_441, %get3A_447 : vector<16xf32>
        %add3A_449 = arith.constant 160 : i32
        %add3A_450 = arith.addi %add3A_449, %scan3A_22 : i32
        %get3A_451 = arith.index_cast %add3A_450 : i32 to index
        %get3A_452 = arith.constant 144 : index
        %get3A_453 = tpu.vector_load %arg6[%get3A_451, %get3A_452] {strides = array<i32>} : memref<192x384xf32, #tpu.memory_space<vmem>>, vector<1x16xf32>,
        %get3A_454 = vector.shape_cast %get3A_453 : vector<1x16xf32> to vector<16xf32>
        %add3A_455 = arith.addf %add3A_448, %get3A_454 : vector<16xf32>
        %swap3A_456 = arith.index_cast %scan3A_22 : i32 to index
        %swap3A_457 = arith.constant 144 : index
        %swap3A_458 = tpu.vector_load %arg7[%swap3A_456, %swap3A_457] {strides = array<i32>} : memref<32x384xf32, #tpu.memory_space<vmem>>, vector<1x16xf32>,
        %swap3A_459 = vector.shape_cast %swap3A_458 : vector<1x16xf32> to vector<16xf32>
        %swap3A_460 = vector.shape_cast %add3A_455 : vector<16xf32> to vector<1x16xf32>
        tpu.vector_store %arg7[%swap3A_456, %swap3A_457], %swap3A_460 {strides = array<i32>} : memref<32x384xf32, #tpu.memory_space<vmem>>, vector<1x16xf32>,
        %get3A_461 = arith.index_cast %scan3A_22 : i32 to index
        %get3A_462 = arith.constant 160 : index
        %get3A_463 = tpu.vector_load %arg6[%get3A_461, %get3A_462] {strides = array<i32>} : memref<192x384xf32, #tpu.memory_space<vmem>>, vector<1x16xf32>,
        %get3A_464 = vector.shape_cast %get3A_463 : vector<1x16xf32> to vector<16xf32>
        %add3A_465 = arith.constant 32 : i32
        %add3A_466 = arith.addi %add3A_465, %scan3A_22 : i32
        %get3A_467 = arith.index_cast %add3A_466 : i32 to index
        %get3A_468 = arith.constant 160 : index
        %get3A_469 = tpu.vector_load %arg6[%get3A_467, %get3A_468] {strides = array<i32>} : memref<192x384xf32, #tpu.memory_space<vmem>>, vector<1x16xf32>,
        %get3A_470 = vector.shape_cast %get3A_469 : vector<1x16xf32> to vector<16xf32>
        %add3A_471 = arith.addf %get3A_464, %get3A_470 : vector<16xf32>
        %add3A_472 = arith.constant 64 : i32
        %add3A_473 = arith.addi %add3A_472, %scan3A_22 : i32
        %get3A_474 = arith.index_cast %add3A_473 : i32 to index
        %get3A_475 = arith.constant 160 : index
        %get3A_476 = tpu.vector_load %arg6[%get3A_474, %get3A_475] {strides = array<i32>} : memref<192x384xf32, #tpu.memory_space<vmem>>, vector<1x16xf32>,
        %get3A_477 = vector.shape_cast %get3A_476 : vector<1x16xf32> to vector<16xf32>
        %add3A_478 = arith.addf %add3A_471, %get3A_477 : vector<16xf32>
        %add3A_479 = arith.constant 96 : i32
        %add3A_480 = arith.addi %add3A_479, %scan3A_22 : i32
        %get3A_481 = arith.index_cast %add3A_480 : i32 to index
        %get3A_482 = arith.constant 160 : index
        %get3A_483 = tpu.vector_load %arg6[%get3A_481, %get3A_482] {strides = array<i32>} : memref<192x384xf32, #tpu.memory_space<vmem>>, vector<1x16xf32>,
        %get3A_484 = vector.shape_cast %get3A_483 : vector<1x16xf32> to vector<16xf32>
        %add3A_485 = arith.addf %add3A_478, %get3A_484 : vector<16xf32>
        %add3A_486 = arith.constant 128 : i32
        %add3A_487 = arith.addi %add3A_486, %scan3A_22 : i32
        %get3A_488 = arith.index_cast %add3A_487 : i32 to index
        %get3A_489 = arith.constant 160 : index
        %get3A_490 = tpu.vector_load %arg6[%get3A_488, %get3A_489] {strides = array<i32>} : memref<192x384xf32, #tpu.memory_space<vmem>>, vector<1x16xf32>,
        %get3A_491 = vector.shape_cast %get3A_490 : vector<1x16xf32> to vector<16xf32>
        %add3A_492 = arith.addf %add3A_485, %get3A_491 : vector<16xf32>
        %add3A_493 = arith.constant 160 : i32
        %add3A_494 = arith.addi %add3A_493, %scan3A_22 : i32
        %get3A_495 = arith.index_cast %add3A_494 : i32 to index
        %get3A_496 = arith.constant 160 : index
        %get3A_497 = tpu.vector_load %arg6[%get3A_495, %get3A_496] {strides = array<i32>} : memref<192x384xf32, #tpu.memory_space<vmem>>, vector<1x16xf32>,
        %get3A_498 = vector.shape_cast %get3A_497 : vector<1x16xf32> to vector<16xf32>
        %add3A_499 = arith.addf %add3A_492, %get3A_498 : vector<16xf32>
        %swap3A_500 = arith.index_cast %scan3A_22 : i32 to index
        %swap3A_501 = arith.constant 160 : index
        %swap3A_502 = tpu.vector_load %arg7[%swap3A_500, %swap3A_501] {strides = array<i32>} : memref<32x384xf32, #tpu.memory_space<vmem>>, vector<1x16xf32>,
        %swap3A_503 = vector.shape_cast %swap3A_502 : vector<1x16xf32> to vector<16xf32>
        %swap3A_504 = vector.shape_cast %add3A_499 : vector<16xf32> to vector<1x16xf32>
        tpu.vector_store %arg7[%swap3A_500, %swap3A_501], %swap3A_504 {strides = array<i32>} : memref<32x384xf32, #tpu.memory_space<vmem>>, vector<1x16xf32>,
        %get3A_505 = arith.index_cast %scan3A_22 : i32 to index
        %get3A_506 = arith.constant 176 : index
        %get3A_507 = tpu.vector_load %arg6[%get3A_505, %get3A_506] {strides = array<i32>} : memref<192x384xf32, #tpu.memory_space<vmem>>, vector<1x16xf32>,
        %get3A_508 = vector.shape_cast %get3A_507 : vector<1x16xf32> to vector<16xf32>
        %add3A_509 = arith.constant 32 : i32
        %add3A_510 = arith.addi %add3A_509, %scan3A_22 : i32
        %get3A_511 = arith.index_cast %add3A_510 : i32 to index
        %get3A_512 = arith.constant 176 : index
        %get3A_513 = tpu.vector_load %arg6[%get3A_511, %get3A_512] {strides = array<i32>} : memref<192x384xf32, #tpu.memory_space<vmem>>, vector<1x16xf32>,
        %get3A_514 = vector.shape_cast %get3A_513 : vector<1x16xf32> to vector<16xf32>
        %add3A_515 = arith.addf %get3A_508, %get3A_514 : vector<16xf32>
        %add3A_516 = arith.constant 64 : i32
        %add3A_517 = arith.addi %add3A_516, %scan3A_22 : i32
        %get3A_518 = arith.index_cast %add3A_517 : i32 to index
        %get3A_519 = arith.constant 176 : index
        %get3A_520 = tpu.vector_load %arg6[%get3A_518, %get3A_519] {strides = array<i32>} : memref<192x384xf32, #tpu.memory_space<vmem>>, vector<1x16xf32>,
        %get3A_521 = vector.shape_cast %get3A_520 : vector<1x16xf32> to vector<16xf32>
        %add3A_522 = arith.addf %add3A_515, %get3A_521 : vector<16xf32>
        %add3A_523 = arith.constant 96 : i32
        %add3A_524 = arith.addi %add3A_523, %scan3A_22 : i32
        %get3A_525 = arith.index_cast %add3A_524 : i32 to index
        %get3A_526 = arith.constant 176 : index
        %get3A_527 = tpu.vector_load %arg6[%get3A_525, %get3A_526] {strides = array<i32>} : memref<192x384xf32, #tpu.memory_space<vmem>>, vector<1x16xf32>,
        %get3A_528 = vector.shape_cast %get3A_527 : vector<1x16xf32> to vector<16xf32>
        %add3A_529 = arith.addf %add3A_522, %get3A_528 : vector<16xf32>
        %add3A_530 = arith.constant 128 : i32
        %add3A_531 = arith.addi %add3A_530, %scan3A_22 : i32
        %get3A_532 = arith.index_cast %add3A_531 : i32 to index
        %get3A_533 = arith.constant 176 : index
        %get3A_534 = tpu.vector_load %arg6[%get3A_532, %get3A_533] {strides = array<i32>} : memref<192x384xf32, #tpu.memory_space<vmem>>, vector<1x16xf32>,
        %get3A_535 = vector.shape_cast %get3A_534 : vector<1x16xf32> to vector<16xf32>
        %add3A_536 = arith.addf %add3A_529, %get3A_535 : vector<16xf32>
        %add3A_537 = arith.constant 160 : i32
        %add3A_538 = arith.addi %add3A_537, %scan3A_22 : i32
        %get3A_539 = arith.index_cast %add3A_538 : i32 to index
        %get3A_540 = arith.constant 176 : index
        %get3A_541 = tpu.vector_load %arg6[%get3A_539, %get3A_540] {strides = array<i32>} : memref<192x384xf32, #tpu.memory_space<vmem>>, vector<1x16xf32>,
        %get3A_542 = vector.shape_cast %get3A_541 : vector<1x16xf32> to vector<16xf32>
        %add3A_543 = arith.addf %add3A_536, %get3A_542 : vector<16xf32>
        %swap3A_544 = arith.index_cast %scan3A_22 : i32 to index
        %swap3A_545 = arith.constant 176 : index
        %swap3A_546 = tpu.vector_load %arg7[%swap3A_544, %swap3A_545] {strides = array<i32>} : memref<32x384xf32, #tpu.memory_space<vmem>>, vector<1x16xf32>,
        %swap3A_547 = vector.shape_cast %swap3A_546 : vector<1x16xf32> to vector<16xf32>
        %swap3A_548 = vector.shape_cast %add3A_543 : vector<16xf32> to vector<1x16xf32>
        tpu.vector_store %arg7[%swap3A_544, %swap3A_545], %swap3A_548 {strides = array<i32>} : memref<32x384xf32, #tpu.memory_space<vmem>>, vector<1x16xf32>,
        %get3A_549 = arith.index_cast %scan3A_22 : i32 to index
        %get3A_550 = arith.constant 192 : index
        %get3A_551 = tpu.vector_load %arg6[%get3A_549, %get3A_550] {strides = array<i32>} : memref<192x384xf32, #tpu.memory_space<vmem>>, vector<1x16xf32>,
        %get3A_552 = vector.shape_cast %get3A_551 : vector<1x16xf32> to vector<16xf32>
        %add3A_553 = arith.constant 32 : i32
        %add3A_554 = arith.addi %add3A_553, %scan3A_22 : i32
        %get3A_555 = arith.index_cast %add3A_554 : i32 to index
        %get3A_556 = arith.constant 192 : index
        %get3A_557 = tpu.vector_load %arg6[%get3A_555, %get3A_556] {strides = array<i32>} : memref<192x384xf32, #tpu.memory_space<vmem>>, vector<1x16xf32>,
        %get3A_558 = vector.shape_cast %get3A_557 : vector<1x16xf32> to vector<16xf32>
        %add3A_559 = arith.addf %get3A_552, %get3A_558 : vector<16xf32>
        %add3A_560 = arith.constant 64 : i32
        %add3A_561 = arith.addi %add3A_560, %scan3A_22 : i32
        %get3A_562 = arith.index_cast %add3A_561 : i32 to index
        %get3A_563 = arith.constant 192 : index
        %get3A_564 = tpu.vector_load %arg6[%get3A_562, %get3A_563] {strides = array<i32>} : memref<192x384xf32, #tpu.memory_space<vmem>>, vector<1x16xf32>,
        %get3A_565 = vector.shape_cast %get3A_564 : vector<1x16xf32> to vector<16xf32>
        %add3A_566 = arith.addf %add3A_559, %get3A_565 : vector<16xf32>
        %add3A_567 = arith.constant 96 : i32
        %add3A_568 = arith.addi %add3A_567, %scan3A_22 : i32
        %get3A_569 = arith.index_cast %add3A_568 : i32 to index
        %get3A_570 = arith.constant 192 : index
        %get3A_571 = tpu.vector_load %arg6[%get3A_569, %get3A_570] {strides = array<i32>} : memref<192x384xf32, #tpu.memory_space<vmem>>, vector<1x16xf32>,
        %get3A_572 = vector.shape_cast %get3A_571 : vector<1x16xf32> to vector<16xf32>
        %add3A_573 = arith.addf %add3A_566, %get3A_572 : vector<16xf32>
        %add3A_574 = arith.constant 128 : i32
        %add3A_575 = arith.addi %add3A_574, %scan3A_22 : i32
        %get3A_576 = arith.index_cast %add3A_575 : i32 to index
        %get3A_577 = arith.constant 192 : index
        %get3A_578 = tpu.vector_load %arg6[%get3A_576, %get3A_577] {strides = array<i32>} : memref<192x384xf32, #tpu.memory_space<vmem>>, vector<1x16xf32>,
        %get3A_579 = vector.shape_cast %get3A_578 : vector<1x16xf32> to vector<16xf32>
        %add3A_580 = arith.addf %add3A_573, %get3A_579 : vector<16xf32>
        %add3A_581 = arith.constant 160 : i32
        %add3A_582 = arith.addi %add3A_581, %scan3A_22 : i32
        %get3A_583 = arith.index_cast %add3A_582 : i32 to index
        %get3A_584 = arith.constant 192 : index
        %get3A_585 = tpu.vector_load %arg6[%get3A_583, %get3A_584] {strides = array<i32>} : memref<192x384xf32, #tpu.memory_space<vmem>>, vector<1x16xf32>,
        %get3A_586 = vector.shape_cast %get3A_585 : vector<1x16xf32> to vector<16xf32>
        %add3A_587 = arith.addf %add3A_580, %get3A_586 : vector<16xf32>
        %swap3A_588 = arith.index_cast %scan3A_22 : i32 to index
        %swap3A_589 = arith.constant 192 : index
        %swap3A_590 = tpu.vector_load %arg7[%swap3A_588, %swap3A_589] {strides = array<i32>} : memref<32x384xf32, #tpu.memory_space<vmem>>, vector<1x16xf32>,
        %swap3A_591 = vector.shape_cast %swap3A_590 : vector<1x16xf32> to vector<16xf32>
        %swap3A_592 = vector.shape_cast %add3A_587 : vector<16xf32> to vector<1x16xf32>
        tpu.vector_store %arg7[%swap3A_588, %swap3A_589], %swap3A_592 {strides = array<i32>} : memref<32x384xf32, #tpu.memory_space<vmem>>, vector<1x16xf32>,
        %get3A_593 = arith.index_cast %scan3A_22 : i32 to index
        %get3A_594 = arith.constant 208 : index
        %get3A_595 = tpu.vector_load %arg6[%get3A_593, %get3A_594] {strides = array<i32>} : memref<192x384xf32, #tpu.memory_space<vmem>>, vector<1x16xf32>,
        %get3A_596 = vector.shape_cast %get3A_595 : vector<1x16xf32> to vector<16xf32>
        %add3A_597 = arith.constant 32 : i32
        %add3A_598 = arith.addi %add3A_597, %scan3A_22 : i32
        %get3A_599 = arith.index_cast %add3A_598 : i32 to index
        %get3A_600 = arith.constant 208 : index
        %get3A_601 = tpu.vector_load %arg6[%get3A_599, %get3A_600] {strides = array<i32>} : memref<192x384xf32, #tpu.memory_space<vmem>>, vector<1x16xf32>,
        %get3A_602 = vector.shape_cast %get3A_601 : vector<1x16xf32> to vector<16xf32>
        %add3A_603 = arith.addf %get3A_596, %get3A_602 : vector<16xf32>
        %add3A_604 = arith.constant 64 : i32
        %add3A_605 = arith.addi %add3A_604, %scan3A_22 : i32
        %get3A_606 = arith.index_cast %add3A_605 : i32 to index
        %get3A_607 = arith.constant 208 : index
        %get3A_608 = tpu.vector_load %arg6[%get3A_606, %get3A_607] {strides = array<i32>} : memref<192x384xf32, #tpu.memory_space<vmem>>, vector<1x16xf32>,
        %get3A_609 = vector.shape_cast %get3A_608 : vector<1x16xf32> to vector<16xf32>
        %add3A_610 = arith.addf %add3A_603, %get3A_609 : vector<16xf32>
        %add3A_611 = arith.constant 96 : i32
        %add3A_612 = arith.addi %add3A_611, %scan3A_22 : i32
        %get3A_613 = arith.index_cast %add3A_612 : i32 to index
        %get3A_614 = arith.constant 208 : index
        %get3A_615 = tpu.vector_load %arg6[%get3A_613, %get3A_614] {strides = array<i32>} : memref<192x384xf32, #tpu.memory_space<vmem>>, vector<1x16xf32>,
        %get3A_616 = vector.shape_cast %get3A_615 : vector<1x16xf32> to vector<16xf32>
        %add3A_617 = arith.addf %add3A_610, %get3A_616 : vector<16xf32>
        %add3A_618 = arith.constant 128 : i32
        %add3A_619 = arith.addi %add3A_618, %scan3A_22 : i32
        %get3A_620 = arith.index_cast %add3A_619 : i32 to index
        %get3A_621 = arith.constant 208 : index
        %get3A_622 = tpu.vector_load %arg6[%get3A_620, %get3A_621] {strides = array<i32>} : memref<192x384xf32, #tpu.memory_space<vmem>>, vector<1x16xf32>,
        %get3A_623 = vector.shape_cast %get3A_622 : vector<1x16xf32> to vector<16xf32>
        %add3A_624 = arith.addf %add3A_617, %get3A_623 : vector<16xf32>
        %add3A_625 = arith.constant 160 : i32
        %add3A_626 = arith.addi %add3A_625, %scan3A_22 : i32
        %get3A_627 = arith.index_cast %add3A_626 : i32 to index
        %get3A_628 = arith.constant 208 : index
        %get3A_629 = tpu.vector_load %arg6[%get3A_627, %get3A_628] {strides = array<i32>} : memref<192x384xf32, #tpu.memory_space<vmem>>, vector<1x16xf32>,
        %get3A_630 = vector.shape_cast %get3A_629 : vector<1x16xf32> to vector<16xf32>
        %add3A_631 = arith.addf %add3A_624, %get3A_630 : vector<16xf32>
        %swap3A_632 = arith.index_cast %scan3A_22 : i32 to index
        %swap3A_633 = arith.constant 208 : index
        %swap3A_634 = tpu.vector_load %arg7[%swap3A_632, %swap3A_633] {strides = array<i32>} : memref<32x384xf32, #tpu.memory_space<vmem>>, vector<1x16xf32>,
        %swap3A_635 = vector.shape_cast %swap3A_634 : vector<1x16xf32> to vector<16xf32>
        %swap3A_636 = vector.shape_cast %add3A_631 : vector<16xf32> to vector<1x16xf32>
        tpu.vector_store %arg7[%swap3A_632, %swap3A_633], %swap3A_636 {strides = array<i32>} : memref<32x384xf32, #tpu.memory_space<vmem>>, vector<1x16xf32>,
        %get3A_637 = arith.index_cast %scan3A_22 : i32 to index
        %get3A_638 = arith.constant 224 : index
        %get3A_639 = tpu.vector_load %arg6[%get3A_637, %get3A_638] {strides = array<i32>} : memref<192x384xf32, #tpu.memory_space<vmem>>, vector<1x16xf32>,
        %get3A_640 = vector.shape_cast %get3A_639 : vector<1x16xf32> to vector<16xf32>
        %add3A_641 = arith.constant 32 : i32
        %add3A_642 = arith.addi %add3A_641, %scan3A_22 : i32
        %get3A_643 = arith.index_cast %add3A_642 : i32 to index
        %get3A_644 = arith.constant 224 : index
        %get3A_645 = tpu.vector_load %arg6[%get3A_643, %get3A_644] {strides = array<i32>} : memref<192x384xf32, #tpu.memory_space<vmem>>, vector<1x16xf32>,
        %get3A_646 = vector.shape_cast %get3A_645 : vector<1x16xf32> to vector<16xf32>
        %add3A_647 = arith.addf %get3A_640, %get3A_646 : vector<16xf32>
        %add3A_648 = arith.constant 64 : i32
        %add3A_649 = arith.addi %add3A_648, %scan3A_22 : i32
        %get3A_650 = arith.index_cast %add3A_649 : i32 to index
        %get3A_651 = arith.constant 224 : index
        %get3A_652 = tpu.vector_load %arg6[%get3A_650, %get3A_651] {strides = array<i32>} : memref<192x384xf32, #tpu.memory_space<vmem>>, vector<1x16xf32>,
        %get3A_653 = vector.shape_cast %get3A_652 : vector<1x16xf32> to vector<16xf32>
        %add3A_654 = arith.addf %add3A_647, %get3A_653 : vector<16xf32>
        %add3A_655 = arith.constant 96 : i32
        %add3A_656 = arith.addi %add3A_655, %scan3A_22 : i32
        %get3A_657 = arith.index_cast %add3A_656 : i32 to index
        %get3A_658 = arith.constant 224 : index
        %get3A_659 = tpu.vector_load %arg6[%get3A_657, %get3A_658] {strides = array<i32>} : memref<192x384xf32, #tpu.memory_space<vmem>>, vector<1x16xf32>,
        %get3A_660 = vector.shape_cast %get3A_659 : vector<1x16xf32> to vector<16xf32>
        %add3A_661 = arith.addf %add3A_654, %get3A_660 : vector<16xf32>
        %add3A_662 = arith.constant 128 : i32
        %add3A_663 = arith.addi %add3A_662, %scan3A_22 : i32
        %get3A_664 = arith.index_cast %add3A_663 : i32 to index
        %get3A_665 = arith.constant 224 : index
        %get3A_666 = tpu.vector_load %arg6[%get3A_664, %get3A_665] {strides = array<i32>} : memref<192x384xf32, #tpu.memory_space<vmem>>, vector<1x16xf32>,
        %get3A_667 = vector.shape_cast %get3A_666 : vector<1x16xf32> to vector<16xf32>
        %add3A_668 = arith.addf %add3A_661, %get3A_667 : vector<16xf32>
        %add3A_669 = arith.constant 160 : i32
        %add3A_670 = arith.addi %add3A_669, %scan3A_22 : i32
        %get3A_671 = arith.index_cast %add3A_670 : i32 to index
        %get3A_672 = arith.constant 224 : index
        %get3A_673 = tpu.vector_load %arg6[%get3A_671, %get3A_672] {strides = array<i32>} : memref<192x384xf32, #tpu.memory_space<vmem>>, vector<1x16xf32>,
        %get3A_674 = vector.shape_cast %get3A_673 : vector<1x16xf32> to vector<16xf32>
        %add3A_675 = arith.addf %add3A_668, %get3A_674 : vector<16xf32>
        %swap3A_676 = arith.index_cast %scan3A_22 : i32 to index
        %swap3A_677 = arith.constant 224 : index
        %swap3A_678 = tpu.vector_load %arg7[%swap3A_676, %swap3A_677] {strides = array<i32>} : memref<32x384xf32, #tpu.memory_space<vmem>>, vector<1x16xf32>,
        %swap3A_679 = vector.shape_cast %swap3A_678 : vector<1x16xf32> to vector<16xf32>
        %swap3A_680 = vector.shape_cast %add3A_675 : vector<16xf32> to vector<1x16xf32>
        tpu.vector_store %arg7[%swap3A_676, %swap3A_677], %swap3A_680 {strides = array<i32>} : memref<32x384xf32, #tpu.memory_space<vmem>>, vector<1x16xf32>,
        %get3A_681 = arith.index_cast %scan3A_22 : i32 to index
        %get3A_682 = arith.constant 240 : index
        %get3A_683 = tpu.vector_load %arg6[%get3A_681, %get3A_682] {strides = array<i32>} : memref<192x384xf32, #tpu.memory_space<vmem>>, vector<1x16xf32>,
        %get3A_684 = vector.shape_cast %get3A_683 : vector<1x16xf32> to vector<16xf32>
        %add3A_685 = arith.constant 32 : i32
        %add3A_686 = arith.addi %add3A_685, %scan3A_22 : i32
        %get3A_687 = arith.index_cast %add3A_686 : i32 to index
        %get3A_688 = arith.constant 240 : index
        %get3A_689 = tpu.vector_load %arg6[%get3A_687, %get3A_688] {strides = array<i32>} : memref<192x384xf32, #tpu.memory_space<vmem>>, vector<1x16xf32>,
        %get3A_690 = vector.shape_cast %get3A_689 : vector<1x16xf32> to vector<16xf32>
        %add3A_691 = arith.addf %get3A_684, %get3A_690 : vector<16xf32>
        %add3A_692 = arith.constant 64 : i32
        %add3A_693 = arith.addi %add3A_692, %scan3A_22 : i32
        %get3A_694 = arith.index_cast %add3A_693 : i32 to index
        %get3A_695 = arith.constant 240 : index
        %get3A_696 = tpu.vector_load %arg6[%get3A_694, %get3A_695] {strides = array<i32>} : memref<192x384xf32, #tpu.memory_space<vmem>>, vector<1x16xf32>,
        %get3A_697 = vector.shape_cast %get3A_696 : vector<1x16xf32> to vector<16xf32>
        %add3A_698 = arith.addf %add3A_691, %get3A_697 : vector<16xf32>
        %add3A_699 = arith.constant 96 : i32
        %add3A_700 = arith.addi %add3A_699, %scan3A_22 : i32
        %get3A_701 = arith.index_cast %add3A_700 : i32 to index
        %get3A_702 = arith.constant 240 : index
        %get3A_703 = tpu.vector_load %arg6[%get3A_701, %get3A_702] {strides = array<i32>} : memref<192x384xf32, #tpu.memory_space<vmem>>, vector<1x16xf32>,
        %get3A_704 = vector.shape_cast %get3A_703 : vector<1x16xf32> to vector<16xf32>
        %add3A_705 = arith.addf %add3A_698, %get3A_704 : vector<16xf32>
        %add3A_706 = arith.constant 128 : i32
        %add3A_707 = arith.addi %add3A_706, %scan3A_22 : i32
        %get3A_708 = arith.index_cast %add3A_707 : i32 to index
        %get3A_709 = arith.constant 240 : index
        %get3A_710 = tpu.vector_load %arg6[%get3A_708, %get3A_709] {strides = array<i32>} : memref<192x384xf32, #tpu.memory_space<vmem>>, vector<1x16xf32>,
        %get3A_711 = vector.shape_cast %get3A_710 : vector<1x16xf32> to vector<16xf32>
        %add3A_712 = arith.addf %add3A_705, %get3A_711 : vector<16xf32>
        %add3A_713 = arith.constant 160 : i32
        %add3A_714 = arith.addi %add3A_713, %scan3A_22 : i32
        %get3A_715 = arith.index_cast %add3A_714 : i32 to index
        %get3A_716 = arith.constant 240 : index
        %get3A_717 = tpu.vector_load %arg6[%get3A_715, %get3A_716] {strides = array<i32>} : memref<192x384xf32, #tpu.memory_space<vmem>>, vector<1x16xf32>,
        %get3A_718 = vector.shape_cast %get3A_717 : vector<1x16xf32> to vector<16xf32>
        %add3A_719 = arith.addf %add3A_712, %get3A_718 : vector<16xf32>
        %swap3A_720 = arith.index_cast %scan3A_22 : i32 to index
        %swap3A_721 = arith.constant 240 : index
        %swap3A_722 = tpu.vector_load %arg7[%swap3A_720, %swap3A_721] {strides = array<i32>} : memref<32x384xf32, #tpu.memory_space<vmem>>, vector<1x16xf32>,
        %swap3A_723 = vector.shape_cast %swap3A_722 : vector<1x16xf32> to vector<16xf32>
        %swap3A_724 = vector.shape_cast %add3A_719 : vector<16xf32> to vector<1x16xf32>
        tpu.vector_store %arg7[%swap3A_720, %swap3A_721], %swap3A_724 {strides = array<i32>} : memref<32x384xf32, #tpu.memory_space<vmem>>, vector<1x16xf32>,
        %get3A_725 = arith.index_cast %scan3A_22 : i32 to index
        %get3A_726 = arith.constant 256 : index
        %get3A_727 = tpu.vector_load %arg6[%get3A_725, %get3A_726] {strides = array<i32>} : memref<192x384xf32, #tpu.memory_space<vmem>>, vector<1x16xf32>,
        %get3A_728 = vector.shape_cast %get3A_727 : vector<1x16xf32> to vector<16xf32>
        %add3A_729 = arith.constant 32 : i32
        %add3A_730 = arith.addi %add3A_729, %scan3A_22 : i32
        %get3A_731 = arith.index_cast %add3A_730 : i32 to index
        %get3A_732 = arith.constant 256 : index
        %get3A_733 = tpu.vector_load %arg6[%get3A_731, %get3A_732] {strides = array<i32>} : memref<192x384xf32, #tpu.memory_space<vmem>>, vector<1x16xf32>,
        %get3A_734 = vector.shape_cast %get3A_733 : vector<1x16xf32> to vector<16xf32>
        %add3A_735 = arith.addf %get3A_728, %get3A_734 : vector<16xf32>
        %add3A_736 = arith.constant 64 : i32
        %add3A_737 = arith.addi %add3A_736, %scan3A_22 : i32
        %get3A_738 = arith.index_cast %add3A_737 : i32 to index
        %get3A_739 = arith.constant 256 : index
        %get3A_740 = tpu.vector_load %arg6[%get3A_738, %get3A_739] {strides = array<i32>} : memref<192x384xf32, #tpu.memory_space<vmem>>, vector<1x16xf32>,
        %get3A_741 = vector.shape_cast %get3A_740 : vector<1x16xf32> to vector<16xf32>
        %add3A_742 = arith.addf %add3A_735, %get3A_741 : vector<16xf32>
        %add3A_743 = arith.constant 96 : i32
        %add3A_744 = arith.addi %add3A_743, %scan3A_22 : i32
        %get3A_745 = arith.index_cast %add3A_744 : i32 to index
        %get3A_746 = arith.constant 256 : index
        %get3A_747 = tpu.vector_load %arg6[%get3A_745, %get3A_746] {strides = array<i32>} : memref<192x384xf32, #tpu.memory_space<vmem>>, vector<1x16xf32>,
        %get3A_748 = vector.shape_cast %get3A_747 : vector<1x16xf32> to vector<16xf32>
        %add3A_749 = arith.addf %add3A_742, %get3A_748 : vector<16xf32>
        %add3A_750 = arith.constant 128 : i32
        %add3A_751 = arith.addi %add3A_750, %scan3A_22 : i32
        %get3A_752 = arith.index_cast %add3A_751 : i32 to index
        %get3A_753 = arith.constant 256 : index
        %get3A_754 = tpu.vector_load %arg6[%get3A_752, %get3A_753] {strides = array<i32>} : memref<192x384xf32, #tpu.memory_space<vmem>>, vector<1x16xf32>,
        %get3A_755 = vector.shape_cast %get3A_754 : vector<1x16xf32> to vector<16xf32>
        %add3A_756 = arith.addf %add3A_749, %get3A_755 : vector<16xf32>
        %add3A_757 = arith.constant 160 : i32
        %add3A_758 = arith.addi %add3A_757, %scan3A_22 : i32
        %get3A_759 = arith.index_cast %add3A_758 : i32 to index
        %get3A_760 = arith.constant 256 : index
        %get3A_761 = tpu.vector_load %arg6[%get3A_759, %get3A_760] {strides = array<i32>} : memref<192x384xf32, #tpu.memory_space<vmem>>, vector<1x16xf32>,
        %get3A_762 = vector.shape_cast %get3A_761 : vector<1x16xf32> to vector<16xf32>
        %add3A_763 = arith.addf %add3A_756, %get3A_762 : vector<16xf32>
        %swap3A_764 = arith.index_cast %scan3A_22 : i32 to index
        %swap3A_765 = arith.constant 256 : index
        %swap3A_766 = tpu.vector_load %arg7[%swap3A_764, %swap3A_765] {strides = array<i32>} : memref<32x384xf32, #tpu.memory_space<vmem>>, vector<1x16xf32>,
        %swap3A_767 = vector.shape_cast %swap3A_766 : vector<1x16xf32> to vector<16xf32>
        %swap3A_768 = vector.shape_cast %add3A_763 : vector<16xf32> to vector<1x16xf32>
        tpu.vector_store %arg7[%swap3A_764, %swap3A_765], %swap3A_768 {strides = array<i32>} : memref<32x384xf32, #tpu.memory_space<vmem>>, vector<1x16xf32>,
        %get3A_769 = arith.index_cast %scan3A_22 : i32 to index
        %get3A_770 = arith.constant 272 : index
        %get3A_771 = tpu.vector_load %arg6[%get3A_769, %get3A_770] {strides = array<i32>} : memref<192x384xf32, #tpu.memory_space<vmem>>, vector<1x16xf32>,
        %get3A_772 = vector.shape_cast %get3A_771 : vector<1x16xf32> to vector<16xf32>
        %add3A_773 = arith.constant 32 : i32
        %add3A_774 = arith.addi %add3A_773, %scan3A_22 : i32
        %get3A_775 = arith.index_cast %add3A_774 : i32 to index
        %get3A_776 = arith.constant 272 : index
        %get3A_777 = tpu.vector_load %arg6[%get3A_775, %get3A_776] {strides = array<i32>} : memref<192x384xf32, #tpu.memory_space<vmem>>, vector<1x16xf32>,
        %get3A_778 = vector.shape_cast %get3A_777 : vector<1x16xf32> to vector<16xf32>
        %add3A_779 = arith.addf %get3A_772, %get3A_778 : vector<16xf32>
        %add3A_780 = arith.constant 64 : i32
        %add3A_781 = arith.addi %add3A_780, %scan3A_22 : i32
        %get3A_782 = arith.index_cast %add3A_781 : i32 to index
        %get3A_783 = arith.constant 272 : index
        %get3A_784 = tpu.vector_load %arg6[%get3A_782, %get3A_783] {strides = array<i32>} : memref<192x384xf32, #tpu.memory_space<vmem>>, vector<1x16xf32>,
        %get3A_785 = vector.shape_cast %get3A_784 : vector<1x16xf32> to vector<16xf32>
        %add3A_786 = arith.addf %add3A_779, %get3A_785 : vector<16xf32>
        %add3A_787 = arith.constant 96 : i32
        %add3A_788 = arith.addi %add3A_787, %scan3A_22 : i32
        %get3A_789 = arith.index_cast %add3A_788 : i32 to index
        %get3A_790 = arith.constant 272 : index
        %get3A_791 = tpu.vector_load %arg6[%get3A_789, %get3A_790] {strides = array<i32>} : memref<192x384xf32, #tpu.memory_space<vmem>>, vector<1x16xf32>,
        %get3A_792 = vector.shape_cast %get3A_791 : vector<1x16xf32> to vector<16xf32>
        %add3A_793 = arith.addf %add3A_786, %get3A_792 : vector<16xf32>
        %add3A_794 = arith.constant 128 : i32
        %add3A_795 = arith.addi %add3A_794, %scan3A_22 : i32
        %get3A_796 = arith.index_cast %add3A_795 : i32 to index
        %get3A_797 = arith.constant 272 : index
        %get3A_798 = tpu.vector_load %arg6[%get3A_796, %get3A_797] {strides = array<i32>} : memref<192x384xf32, #tpu.memory_space<vmem>>, vector<1x16xf32>,
        %get3A_799 = vector.shape_cast %get3A_798 : vector<1x16xf32> to vector<16xf32>
        %add3A_800 = arith.addf %add3A_793, %get3A_799 : vector<16xf32>
        %add3A_801 = arith.constant 160 : i32
        %add3A_802 = arith.addi %add3A_801, %scan3A_22 : i32
        %get3A_803 = arith.index_cast %add3A_802 : i32 to index
        %get3A_804 = arith.constant 272 : index
        %get3A_805 = tpu.vector_load %arg6[%get3A_803, %get3A_804] {strides = array<i32>} : memref<192x384xf32, #tpu.memory_space<vmem>>, vector<1x16xf32>,
        %get3A_806 = vector.shape_cast %get3A_805 : vector<1x16xf32> to vector<16xf32>
        %add3A_807 = arith.addf %add3A_800, %get3A_806 : vector<16xf32>
        %swap3A_808 = arith.index_cast %scan3A_22 : i32 to index
        %swap3A_809 = arith.constant 272 : index
        %swap3A_810 = tpu.vector_load %arg7[%swap3A_808, %swap3A_809] {strides = array<i32>} : memref<32x384xf32, #tpu.memory_space<vmem>>, vector<1x16xf32>,
        %swap3A_811 = vector.shape_cast %swap3A_810 : vector<1x16xf32> to vector<16xf32>
        %swap3A_812 = vector.shape_cast %add3A_807 : vector<16xf32> to vector<1x16xf32>
        tpu.vector_store %arg7[%swap3A_808, %swap3A_809], %swap3A_812 {strides = array<i32>} : memref<32x384xf32, #tpu.memory_space<vmem>>, vector<1x16xf32>,
        %get3A_813 = arith.index_cast %scan3A_22 : i32 to index
        %get3A_814 = arith.constant 288 : index
        %get3A_815 = tpu.vector_load %arg6[%get3A_813, %get3A_814] {strides = array<i32>} : memref<192x384xf32, #tpu.memory_space<vmem>>, vector<1x16xf32>,
        %get3A_816 = vector.shape_cast %get3A_815 : vector<1x16xf32> to vector<16xf32>
        %add3A_817 = arith.constant 32 : i32
        %add3A_818 = arith.addi %add3A_817, %scan3A_22 : i32
        %get3A_819 = arith.index_cast %add3A_818 : i32 to index
        %get3A_820 = arith.constant 288 : index
        %get3A_821 = tpu.vector_load %arg6[%get3A_819, %get3A_820] {strides = array<i32>} : memref<192x384xf32, #tpu.memory_space<vmem>>, vector<1x16xf32>,
        %get3A_822 = vector.shape_cast %get3A_821 : vector<1x16xf32> to vector<16xf32>
        %add3A_823 = arith.addf %get3A_816, %get3A_822 : vector<16xf32>
        %add3A_824 = arith.constant 64 : i32
        %add3A_825 = arith.addi %add3A_824, %scan3A_22 : i32
        %get3A_826 = arith.index_cast %add3A_825 : i32 to index
        %get3A_827 = arith.constant 288 : index
        %get3A_828 = tpu.vector_load %arg6[%get3A_826, %get3A_827] {strides = array<i32>} : memref<192x384xf32, #tpu.memory_space<vmem>>, vector<1x16xf32>,
        %get3A_829 = vector.shape_cast %get3A_828 : vector<1x16xf32> to vector<16xf32>
        %add3A_830 = arith.addf %add3A_823, %get3A_829 : vector<16xf32>
        %add3A_831 = arith.constant 96 : i32
        %add3A_832 = arith.addi %add3A_831, %scan3A_22 : i32
        %get3A_833 = arith.index_cast %add3A_832 : i32 to index
        %get3A_834 = arith.constant 288 : index
        %get3A_835 = tpu.vector_load %arg6[%get3A_833, %get3A_834] {strides = array<i32>} : memref<192x384xf32, #tpu.memory_space<vmem>>, vector<1x16xf32>,
        %get3A_836 = vector.shape_cast %get3A_835 : vector<1x16xf32> to vector<16xf32>
        %add3A_837 = arith.addf %add3A_830, %get3A_836 : vector<16xf32>
        %add3A_838 = arith.constant 128 : i32
        %add3A_839 = arith.addi %add3A_838, %scan3A_22 : i32
        %get3A_840 = arith.index_cast %add3A_839 : i32 to index
        %get3A_841 = arith.constant 288 : index
        %get3A_842 = tpu.vector_load %arg6[%get3A_840, %get3A_841] {strides = array<i32>} : memref<192x384xf32, #tpu.memory_space<vmem>>, vector<1x16xf32>,
        %get3A_843 = vector.shape_cast %get3A_842 : vector<1x16xf32> to vector<16xf32>
        %add3A_844 = arith.addf %add3A_837, %get3A_843 : vector<16xf32>
        %add3A_845 = arith.constant 160 : i32
        %add3A_846 = arith.addi %add3A_845, %scan3A_22 : i32
        %get3A_847 = arith.index_cast %add3A_846 : i32 to index
        %get3A_848 = arith.constant 288 : index
        %get3A_849 = tpu.vector_load %arg6[%get3A_847, %get3A_848] {strides = array<i32>} : memref<192x384xf32, #tpu.memory_space<vmem>>, vector<1x16xf32>,
        %get3A_850 = vector.shape_cast %get3A_849 : vector<1x16xf32> to vector<16xf32>
        %add3A_851 = arith.addf %add3A_844, %get3A_850 : vector<16xf32>
        %swap3A_852 = arith.index_cast %scan3A_22 : i32 to index
        %swap3A_853 = arith.constant 288 : index
        %swap3A_854 = tpu.vector_load %arg7[%swap3A_852, %swap3A_853] {strides = array<i32>} : memref<32x384xf32, #tpu.memory_space<vmem>>, vector<1x16xf32>,
        %swap3A_855 = vector.shape_cast %swap3A_854 : vector<1x16xf32> to vector<16xf32>
        %swap3A_856 = vector.shape_cast %add3A_851 : vector<16xf32> to vector<1x16xf32>
        tpu.vector_store %arg7[%swap3A_852, %swap3A_853], %swap3A_856 {strides = array<i32>} : memref<32x384xf32, #tpu.memory_space<vmem>>, vector<1x16xf32>,
        %get3A_857 = arith.index_cast %scan3A_22 : i32 to index
        %get3A_858 = arith.constant 304 : index
        %get3A_859 = tpu.vector_load %arg6[%get3A_857, %get3A_858] {strides = array<i32>} : memref<192x384xf32, #tpu.memory_space<vmem>>, vector<1x16xf32>,
        %get3A_860 = vector.shape_cast %get3A_859 : vector<1x16xf32> to vector<16xf32>
        %add3A_861 = arith.constant 32 : i32
        %add3A_862 = arith.addi %add3A_861, %scan3A_22 : i32
        %get3A_863 = arith.index_cast %add3A_862 : i32 to index
        %get3A_864 = arith.constant 304 : index
        %get3A_865 = tpu.vector_load %arg6[%get3A_863, %get3A_864] {strides = array<i32>} : memref<192x384xf32, #tpu.memory_space<vmem>>, vector<1x16xf32>,
        %get3A_866 = vector.shape_cast %get3A_865 : vector<1x16xf32> to vector<16xf32>
        %add3A_867 = arith.addf %get3A_860, %get3A_866 : vector<16xf32>
        %add3A_868 = arith.constant 64 : i32
        %add3A_869 = arith.addi %add3A_868, %scan3A_22 : i32
        %get3A_870 = arith.index_cast %add3A_869 : i32 to index
        %get3A_871 = arith.constant 304 : index
        %get3A_872 = tpu.vector_load %arg6[%get3A_870, %get3A_871] {strides = array<i32>} : memref<192x384xf32, #tpu.memory_space<vmem>>, vector<1x16xf32>,
        %get3A_873 = vector.shape_cast %get3A_872 : vector<1x16xf32> to vector<16xf32>
        %add3A_874 = arith.addf %add3A_867, %get3A_873 : vector<16xf32>
        %add3A_875 = arith.constant 96 : i32
        %add3A_876 = arith.addi %add3A_875, %scan3A_22 : i32
        %get3A_877 = arith.index_cast %add3A_876 : i32 to index
        %get3A_878 = arith.constant 304 : index
        %get3A_879 = tpu.vector_load %arg6[%get3A_877, %get3A_878] {strides = array<i32>} : memref<192x384xf32, #tpu.memory_space<vmem>>, vector<1x16xf32>,
        %get3A_880 = vector.shape_cast %get3A_879 : vector<1x16xf32> to vector<16xf32>
        %add3A_881 = arith.addf %add3A_874, %get3A_880 : vector<16xf32>
        %add3A_882 = arith.constant 128 : i32
        %add3A_883 = arith.addi %add3A_882, %scan3A_22 : i32
        %get3A_884 = arith.index_cast %add3A_883 : i32 to index
        %get3A_885 = arith.constant 304 : index
        %get3A_886 = tpu.vector_load %arg6[%get3A_884, %get3A_885] {strides = array<i32>} : memref<192x384xf32, #tpu.memory_space<vmem>>, vector<1x16xf32>,
        %get3A_887 = vector.shape_cast %get3A_886 : vector<1x16xf32> to vector<16xf32>
        %add3A_888 = arith.addf %add3A_881, %get3A_887 : vector<16xf32>
        %add3A_889 = arith.constant 160 : i32
        %add3A_890 = arith.addi %add3A_889, %scan3A_22 : i32
        %get3A_891 = arith.index_cast %add3A_890 : i32 to index
        %get3A_892 = arith.constant 304 : index
        %get3A_893 = tpu.vector_load %arg6[%get3A_891, %get3A_892] {strides = array<i32>} : memref<192x384xf32, #tpu.memory_space<vmem>>, vector<1x16xf32>,
        %get3A_894 = vector.shape_cast %get3A_893 : vector<1x16xf32> to vector<16xf32>
        %add3A_895 = arith.addf %add3A_888, %get3A_894 : vector<16xf32>
        %swap3A_896 = arith.index_cast %scan3A_22 : i32 to index
        %swap3A_897 = arith.constant 304 : index
        %swap3A_898 = tpu.vector_load %arg7[%swap3A_896, %swap3A_897] {strides = array<i32>} : memref<32x384xf32, #tpu.memory_space<vmem>>, vector<1x16xf32>,
        %swap3A_899 = vector.shape_cast %swap3A_898 : vector<1x16xf32> to vector<16xf32>
        %swap3A_900 = vector.shape_cast %add3A_895 : vector<16xf32> to vector<1x16xf32>
        tpu.vector_store %arg7[%swap3A_896, %swap3A_897], %swap3A_900 {strides = array<i32>} : memref<32x384xf32, #tpu.memory_space<vmem>>, vector<1x16xf32>,
        %get3A_901 = arith.index_cast %scan3A_22 : i32 to index
        %get3A_902 = arith.constant 320 : index
        %get3A_903 = tpu.vector_load %arg6[%get3A_901, %get3A_902] {strides = array<i32>} : memref<192x384xf32, #tpu.memory_space<vmem>>, vector<1x16xf32>,
        %get3A_904 = vector.shape_cast %get3A_903 : vector<1x16xf32> to vector<16xf32>
        %add3A_905 = arith.constant 32 : i32
        %add3A_906 = arith.addi %add3A_905, %scan3A_22 : i32
        %get3A_907 = arith.index_cast %add3A_906 : i32 to index
        %get3A_908 = arith.constant 320 : index
        %get3A_909 = tpu.vector_load %arg6[%get3A_907, %get3A_908] {strides = array<i32>} : memref<192x384xf32, #tpu.memory_space<vmem>>, vector<1x16xf32>,
        %get3A_910 = vector.shape_cast %get3A_909 : vector<1x16xf32> to vector<16xf32>
        %add3A_911 = arith.addf %get3A_904, %get3A_910 : vector<16xf32>
        %add3A_912 = arith.constant 64 : i32
        %add3A_913 = arith.addi %add3A_912, %scan3A_22 : i32
        %get3A_914 = arith.index_cast %add3A_913 : i32 to index
        %get3A_915 = arith.constant 320 : index
        %get3A_916 = tpu.vector_load %arg6[%get3A_914, %get3A_915] {strides = array<i32>} : memref<192x384xf32, #tpu.memory_space<vmem>>, vector<1x16xf32>,
        %get3A_917 = vector.shape_cast %get3A_916 : vector<1x16xf32> to vector<16xf32>
        %add3A_918 = arith.addf %add3A_911, %get3A_917 : vector<16xf32>
        %add3A_919 = arith.constant 96 : i32
        %add3A_920 = arith.addi %add3A_919, %scan3A_22 : i32
        %get3A_921 = arith.index_cast %add3A_920 : i32 to index
        %get3A_922 = arith.constant 320 : index
        %get3A_923 = tpu.vector_load %arg6[%get3A_921, %get3A_922] {strides = array<i32>} : memref<192x384xf32, #tpu.memory_space<vmem>>, vector<1x16xf32>,
        %get3A_924 = vector.shape_cast %get3A_923 : vector<1x16xf32> to vector<16xf32>
        %add3A_925 = arith.addf %add3A_918, %get3A_924 : vector<16xf32>
        %add3A_926 = arith.constant 128 : i32
        %add3A_927 = arith.addi %add3A_926, %scan3A_22 : i32
        %get3A_928 = arith.index_cast %add3A_927 : i32 to index
        %get3A_929 = arith.constant 320 : index
        %get3A_930 = tpu.vector_load %arg6[%get3A_928, %get3A_929] {strides = array<i32>} : memref<192x384xf32, #tpu.memory_space<vmem>>, vector<1x16xf32>,
        %get3A_931 = vector.shape_cast %get3A_930 : vector<1x16xf32> to vector<16xf32>
        %add3A_932 = arith.addf %add3A_925, %get3A_931 : vector<16xf32>
        %add3A_933 = arith.constant 160 : i32
        %add3A_934 = arith.addi %add3A_933, %scan3A_22 : i32
        %get3A_935 = arith.index_cast %add3A_934 : i32 to index
        %get3A_936 = arith.constant 320 : index
        %get3A_937 = tpu.vector_load %arg6[%get3A_935, %get3A_936] {strides = array<i32>} : memref<192x384xf32, #tpu.memory_space<vmem>>, vector<1x16xf32>,
        %get3A_938 = vector.shape_cast %get3A_937 : vector<1x16xf32> to vector<16xf32>
        %add3A_939 = arith.addf %add3A_932, %get3A_938 : vector<16xf32>
        %swap3A_940 = arith.index_cast %scan3A_22 : i32 to index
        %swap3A_941 = arith.constant 320 : index
        %swap3A_942 = tpu.vector_load %arg7[%swap3A_940, %swap3A_941] {strides = array<i32>} : memref<32x384xf32, #tpu.memory_space<vmem>>, vector<1x16xf32>,
        %swap3A_943 = vector.shape_cast %swap3A_942 : vector<1x16xf32> to vector<16xf32>
        %swap3A_944 = vector.shape_cast %add3A_939 : vector<16xf32> to vector<1x16xf32>
        tpu.vector_store %arg7[%swap3A_940, %swap3A_941], %swap3A_944 {strides = array<i32>} : memref<32x384xf32, #tpu.memory_space<vmem>>, vector<1x16xf32>,
        %get3A_945 = arith.index_cast %scan3A_22 : i32 to index
        %get3A_946 = arith.constant 336 : index
        %get3A_947 = tpu.vector_load %arg6[%get3A_945, %get3A_946] {strides = array<i32>} : memref<192x384xf32, #tpu.memory_space<vmem>>, vector<1x16xf32>,
        %get3A_948 = vector.shape_cast %get3A_947 : vector<1x16xf32> to vector<16xf32>
        %add3A_949 = arith.constant 32 : i32
        %add3A_950 = arith.addi %add3A_949, %scan3A_22 : i32
        %get3A_951 = arith.index_cast %add3A_950 : i32 to index
        %get3A_952 = arith.constant 336 : index
        %get3A_953 = tpu.vector_load %arg6[%get3A_951, %get3A_952] {strides = array<i32>} : memref<192x384xf32, #tpu.memory_space<vmem>>, vector<1x16xf32>,
        %get3A_954 = vector.shape_cast %get3A_953 : vector<1x16xf32> to vector<16xf32>
        %add3A_955 = arith.addf %get3A_948, %get3A_954 : vector<16xf32>
        %add3A_956 = arith.constant 64 : i32
        %add3A_957 = arith.addi %add3A_956, %scan3A_22 : i32
        %get3A_958 = arith.index_cast %add3A_957 : i32 to index
        %get3A_959 = arith.constant 336 : index
        %get3A_960 = tpu.vector_load %arg6[%get3A_958, %get3A_959] {strides = array<i32>} : memref<192x384xf32, #tpu.memory_space<vmem>>, vector<1x16xf32>,
        %get3A_961 = vector.shape_cast %get3A_960 : vector<1x16xf32> to vector<16xf32>
        %add3A_962 = arith.addf %add3A_955, %get3A_961 : vector<16xf32>
        %add3A_963 = arith.constant 96 : i32
        %add3A_964 = arith.addi %add3A_963, %scan3A_22 : i32
        %get3A_965 = arith.index_cast %add3A_964 : i32 to index
        %get3A_966 = arith.constant 336 : index
        %get3A_967 = tpu.vector_load %arg6[%get3A_965, %get3A_966] {strides = array<i32>} : memref<192x384xf32, #tpu.memory_space<vmem>>, vector<1x16xf32>,
        %get3A_968 = vector.shape_cast %get3A_967 : vector<1x16xf32> to vector<16xf32>
        %add3A_969 = arith.addf %add3A_962, %get3A_968 : vector<16xf32>
        %add3A_970 = arith.constant 128 : i32
        %add3A_971 = arith.addi %add3A_970, %scan3A_22 : i32
        %get3A_972 = arith.index_cast %add3A_971 : i32 to index
        %get3A_973 = arith.constant 336 : index
        %get3A_974 = tpu.vector_load %arg6[%get3A_972, %get3A_973] {strides = array<i32>} : memref<192x384xf32, #tpu.memory_space<vmem>>, vector<1x16xf32>,
        %get3A_975 = vector.shape_cast %get3A_974 : vector<1x16xf32> to vector<16xf32>
        %add3A_976 = arith.addf %add3A_969, %get3A_975 : vector<16xf32>
        %add3A_977 = arith.constant 160 : i32
        %add3A_978 = arith.addi %add3A_977, %scan3A_22 : i32
        %get3A_979 = arith.index_cast %add3A_978 : i32 to index
        %get3A_980 = arith.constant 336 : index
        %get3A_981 = tpu.vector_load %arg6[%get3A_979, %get3A_980] {strides = array<i32>} : memref<192x384xf32, #tpu.memory_space<vmem>>, vector<1x16xf32>,
        %get3A_982 = vector.shape_cast %get3A_981 : vector<1x16xf32> to vector<16xf32>
        %add3A_983 = arith.addf %add3A_976, %get3A_982 : vector<16xf32>
        %swap3A_984 = arith.index_cast %scan3A_22 : i32 to index
        %swap3A_985 = arith.constant 336 : index
        %swap3A_986 = tpu.vector_load %arg7[%swap3A_984, %swap3A_985] {strides = array<i32>} : memref<32x384xf32, #tpu.memory_space<vmem>>, vector<1x16xf32>,
        %swap3A_987 = vector.shape_cast %swap3A_986 : vector<1x16xf32> to vector<16xf32>
        %swap3A_988 = vector.shape_cast %add3A_983 : vector<16xf32> to vector<1x16xf32>
        tpu.vector_store %arg7[%swap3A_984, %swap3A_985], %swap3A_988 {strides = array<i32>} : memref<32x384xf32, #tpu.memory_space<vmem>>, vector<1x16xf32>,
        %get3A_989 = arith.index_cast %scan3A_22 : i32 to index
        %get3A_990 = arith.constant 352 : index
        %get3A_991 = tpu.vector_load %arg6[%get3A_989, %get3A_990] {strides = array<i32>} : memref<192x384xf32, #tpu.memory_space<vmem>>, vector<1x16xf32>,
        %get3A_992 = vector.shape_cast %get3A_991 : vector<1x16xf32> to vector<16xf32>
        %add3A_993 = arith.constant 32 : i32
        %add3A_994 = arith.addi %add3A_993, %scan3A_22 : i32
        %get3A_995 = arith.index_cast %add3A_994 : i32 to index
        %get3A_996 = arith.constant 352 : index
        %get3A_997 = tpu.vector_load %arg6[%get3A_995, %get3A_996] {strides = array<i32>} : memref<192x384xf32, #tpu.memory_space<vmem>>, vector<1x16xf32>,
        %get3A_998 = vector.shape_cast %get3A_997 : vector<1x16xf32> to vector<16xf32>
        %add3A_999 = arith.addf %get3A_992, %get3A_998 : vector<16xf32>
        %add3A_1000 = arith.constant 64 : i32
        %add3A_1001 = arith.addi %add3A_1000, %scan3A_22 : i32
        %get3A_1002 = arith.index_cast %add3A_1001 : i32 to index
        %get3A_1003 = arith.constant 352 : index
        %get3A_1004 = tpu.vector_load %arg6[%get3A_1002, %get3A_1003] {strides = array<i32>} : memref<192x384xf32, #tpu.memory_space<vmem>>, vector<1x16xf32>,
        %get3A_1005 = vector.shape_cast %get3A_1004 : vector<1x16xf32> to vector<16xf32>
        %add3A_1006 = arith.addf %add3A_999, %get3A_1005 : vector<16xf32>
        %add3A_1007 = arith.constant 96 : i32
        %add3A_1008 = arith.addi %add3A_1007, %scan3A_22 : i32
        %get3A_1009 = arith.index_cast %add3A_1008 : i32 to index
        %get3A_1010 = arith.constant 352 : index
        %get3A_1011 = tpu.vector_load %arg6[%get3A_1009, %get3A_1010] {strides = array<i32>} : memref<192x384xf32, #tpu.memory_space<vmem>>, vector<1x16xf32>,
        %get3A_1012 = vector.shape_cast %get3A_1011 : vector<1x16xf32> to vector<16xf32>
        %add3A_1013 = arith.addf %add3A_1006, %get3A_1012 : vector<16xf32>
        %add3A_1014 = arith.constant 128 : i32
        %add3A_1015 = arith.addi %add3A_1014, %scan3A_22 : i32
        %get3A_1016 = arith.index_cast %add3A_1015 : i32 to index
        %get3A_1017 = arith.constant 352 : index
        %get3A_1018 = tpu.vector_load %arg6[%get3A_1016, %get3A_1017] {strides = array<i32>} : memref<192x384xf32, #tpu.memory_space<vmem>>, vector<1x16xf32>,
        %get3A_1019 = vector.shape_cast %get3A_1018 : vector<1x16xf32> to vector<16xf32>
        %add3A_1020 = arith.addf %add3A_1013, %get3A_1019 : vector<16xf32>
        %add3A_1021 = arith.constant 160 : i32
        %add3A_1022 = arith.addi %add3A_1021, %scan3A_22 : i32
        %get3A_1023 = arith.index_cast %add3A_1022 : i32 to index
        %get3A_1024 = arith.constant 352 : index
        %get3A_1025 = tpu.vector_load %arg6[%get3A_1023, %get3A_1024] {strides = array<i32>} : memref<192x384xf32, #tpu.memory_space<vmem>>, vector<1x16xf32>,
        %get3A_1026 = vector.shape_cast %get3A_1025 : vector<1x16xf32> to vector<16xf32>
        %add3A_1027 = arith.addf %add3A_1020, %get3A_1026 : vector<16xf32>
        %swap3A_1028 = arith.index_cast %scan3A_22 : i32 to index
        %swap3A_1029 = arith.constant 352 : index
        %swap3A_1030 = tpu.vector_load %arg7[%swap3A_1028, %swap3A_1029] {strides = array<i32>} : memref<32x384xf32, #tpu.memory_space<vmem>>, vector<1x16xf32>,
        %swap3A_1031 = vector.shape_cast %swap3A_1030 : vector<1x16xf32> to vector<16xf32>
        %swap3A_1032 = vector.shape_cast %add3A_1027 : vector<16xf32> to vector<1x16xf32>
        tpu.vector_store %arg7[%swap3A_1028, %swap3A_1029], %swap3A_1032 {strides = array<i32>} : memref<32x384xf32, #tpu.memory_space<vmem>>, vector<1x16xf32>,
        %get3A_1033 = arith.index_cast %scan3A_22 : i32 to index
        %get3A_1034 = arith.constant 368 : index
        %get3A_1035 = tpu.vector_load %arg6[%get3A_1033, %get3A_1034] {strides = array<i32>} : memref<192x384xf32, #tpu.memory_space<vmem>>, vector<1x16xf32>,
        %get3A_1036 = vector.shape_cast %get3A_1035 : vector<1x16xf32> to vector<16xf32>
        %add3A_1037 = arith.constant 32 : i32
        %add3A_1038 = arith.addi %add3A_1037, %scan3A_22 : i32
        %get3A_1039 = arith.index_cast %add3A_1038 : i32 to index
        %get3A_1040 = arith.constant 368 : index
        %get3A_1041 = tpu.vector_load %arg6[%get3A_1039, %get3A_1040] {strides = array<i32>} : memref<192x384xf32, #tpu.memory_space<vmem>>, vector<1x16xf32>,
        %get3A_1042 = vector.shape_cast %get3A_1041 : vector<1x16xf32> to vector<16xf32>
        %add3A_1043 = arith.addf %get3A_1036, %get3A_1042 : vector<16xf32>
        %add3A_1044 = arith.constant 64 : i32
        %add3A_1045 = arith.addi %add3A_1044, %scan3A_22 : i32
        %get3A_1046 = arith.index_cast %add3A_1045 : i32 to index
        %get3A_1047 = arith.constant 368 : index
        %get3A_1048 = tpu.vector_load %arg6[%get3A_1046, %get3A_1047] {strides = array<i32>} : memref<192x384xf32, #tpu.memory_space<vmem>>, vector<1x16xf32>,
        %get3A_1049 = vector.shape_cast %get3A_1048 : vector<1x16xf32> to vector<16xf32>
        %add3A_1050 = arith.addf %add3A_1043, %get3A_1049 : vector<16xf32>
        %add3A_1051 = arith.constant 96 : i32
        %add3A_1052 = arith.addi %add3A_1051, %scan3A_22 : i32
        %get3A_1053 = arith.index_cast %add3A_1052 : i32 to index
        %get3A_1054 = arith.constant 368 : index
        %get3A_1055 = tpu.vector_load %arg6[%get3A_1053, %get3A_1054] {strides = array<i32>} : memref<192x384xf32, #tpu.memory_space<vmem>>, vector<1x16xf32>,
        %get3A_1056 = vector.shape_cast %get3A_1055 : vector<1x16xf32> to vector<16xf32>
        %add3A_1057 = arith.addf %add3A_1050, %get3A_1056 : vector<16xf32>
        %add3A_1058 = arith.constant 128 : i32
        %add3A_1059 = arith.addi %add3A_1058, %scan3A_22 : i32
        %get3A_1060 = arith.index_cast %add3A_1059 : i32 to index
        %get3A_1061 = arith.constant 368 : index
        %get3A_1062 = tpu.vector_load %arg6[%get3A_1060, %get3A_1061] {strides = array<i32>} : memref<192x384xf32, #tpu.memory_space<vmem>>, vector<1x16xf32>,
        %get3A_1063 = vector.shape_cast %get3A_1062 : vector<1x16xf32> to vector<16xf32>
        %add3A_1064 = arith.addf %add3A_1057, %get3A_1063 : vector<16xf32>
        %add3A_1065 = arith.constant 160 : i32
        %add3A_1066 = arith.addi %add3A_1065, %scan3A_22 : i32
        %get3A_1067 = arith.index_cast %add3A_1066 : i32 to index
        %get3A_1068 = arith.constant 368 : index
        %get3A_1069 = tpu.vector_load %arg6[%get3A_1067, %get3A_1068] {strides = array<i32>} : memref<192x384xf32, #tpu.memory_space<vmem>>, vector<1x16xf32>,
        %get3A_1070 = vector.shape_cast %get3A_1069 : vector<1x16xf32> to vector<16xf32>
        %add3A_1071 = arith.addf %add3A_1064, %get3A_1070 : vector<16xf32>
        %swap3A_1072 = arith.index_cast %scan3A_22 : i32 to index
        %swap3A_1073 = arith.constant 368 : index
        %swap3A_1074 = tpu.vector_load %arg7[%swap3A_1072, %swap3A_1073] {strides = array<i32>} : memref<32x384xf32, #tpu.memory_space<vmem>>, vector<1x16xf32>,
        %swap3A_1075 = vector.shape_cast %swap3A_1074 : vector<1x16xf32> to vector<16xf32>
        %swap3A_1076 = vector.shape_cast %add3A_1071 : vector<16xf32> to vector<1x16xf32>
        tpu.vector_store %arg7[%swap3A_1072, %swap3A_1073], %swap3A_1076 {strides = array<i32>} : memref<32x384xf32, #tpu.memory_space<vmem>>, vector<1x16xf32>,
      }
      %scan3A_19 = arith.constant 32 : i32
      %mul3A_20 = arith.constant 32 : i32
      %mul3A_21 = arith.muli %add3A_9, %mul3A_20 : i32
      "tpu.region"() ({
        %run_scoped3A = tpu.sem_alloc : memref<!tpu.dma_semaphore, #tpu.memory_space<semaphore_mem>>
        %dma_start3A_22 = arith.constant 0 : i32
        %dma_start3A_23 = tpu.memref_slice %arg4[%mul3A_21, %dma_start3A_22] : memref<20480x384xf32, #tpu.memory_space<hbm>> -> memref<32x384xf32, #tpu.memory_space<hbm>>
        %dma_start3A_24 = arith.constant 0 : i32
        %dma_start3A_25 = tpu.memref_slice %arg4[%mul3A_21, %dma_start3A_24] : memref<20480x384xf32, #tpu.memory_space<hbm>> -> memref<32x384xf32, #tpu.memory_space<hbm>>
        tpu.enqueue_dma source(%arg7 : memref<32x384xf32, #tpu.memory_space<vmem>>) target(%dma_start3A_25 : memref<32x384xf32, #tpu.memory_space<hbm>>) target_semaphore(%run_scoped3A : memref<!tpu.dma_semaphore, #tpu.memory_space<semaphore_mem>>)
        %dma_wait3A_26 = arith.constant 0 : i32
        %dma_wait3A_27 = tpu.memref_slice %arg4[%mul3A_21, %dma_wait3A_26] : memref<20480x384xf32, #tpu.memory_space<hbm>> -> memref<32x384xf32, #tpu.memory_space<hbm>>
        %dma_wait3A_28 = arith.constant 0 : i32
        %dma_wait3A_29 = tpu.memref_slice %arg4[%mul3A_21, %dma_wait3A_28] : memref<20480x384xf32, #tpu.memory_space<hbm>> -> memref<32x384xf32, #tpu.memory_space<hbm>>
        tpu.wait_dma2 semaphore(%run_scoped3A : memref<!tpu.dma_semaphore, #tpu.memory_space<semaphore_mem>>) src(%arg7 : memref<32x384xf32, #tpu.memory_space<vmem>>) dst(%dma_wait3A_29 : memref<32x384xf32, #tpu.memory_space<hbm>>)
        tpu.yield
      }) : () -> ()
    }
    %scan3A_5 = arith.constant 20 : i32
    return
  }
}

module attributes {stable_mosaic.version = 14 : i64} {
  func.func @_idx_kernel(%arg0: i32, %arg1: memref<12x16xf32, #tpu.memory_space<smem>>, %arg2: memref<12x9xf32, #tpu.memory_space<smem>>, %arg3: memref<2x2xf32, #tpu.memory_space<smem>>, %arg4: memref<1x1x10240xf32, #tpu.memory_space<vmem>>, %arg5: memref<1x1x10240xf32, #tpu.memory_space<vmem>>, %arg6: memref<1x1x10240xf32, #tpu.memory_space<vmem>>, %arg7: memref<1x1x10240xi32, #tpu.memory_space<vmem>>, %arg8: memref<1x1x10240xf32, #tpu.memory_space<vmem>>) attributes {dimension_semantics = [#tpu.dimension_semantics<arbitrary>], iteration_bounds = array<i64: 12>, scalar_prefetch = 0 : i64, scratch_operands = 0 : i64, tpu.core_type = #tpu.core_type<tc>, window_params = [{transform_indices = @transform_0, window_bounds = array<i64: 12, 16>}, {transform_indices = @transform_1, window_bounds = array<i64: 12, 9>}, {transform_indices = @transform_2, window_bounds = array<i64: 2, 2>}, {transform_indices = @transform_3, window_bounds = array<i64: 1, 1, 10240>}, {transform_indices = @transform_4, window_bounds = array<i64: 1, 1, 10240>}, {transform_indices = @transform_5, window_bounds = array<i64: 1, 1, 10240>}, {transform_indices = @transform_6, window_bounds = array<i64: 1, 1, 10240>}, {transform_indices = @transform_7, window_bounds = array<i64: 1, 1, 10240>}]} {
    %jit3A = arith.constant 6 : i32
    %div3A = arith.divsi %arg0, %jit3A : i32
    %sign3A = arith.constant 0 : i32
    %sign3A_0 = arith.cmpi sgt, %arg0, %sign3A : i32
    %sign3A_1 = arith.extui %sign3A_0 : i1 to i32
    %sign3A_2 = arith.constant 0 : i32
    %sign3A_3 = arith.cmpi slt, %arg0, %sign3A_2 : i32
    %sign3A_4 = arith.extui %sign3A_3 : i1 to i32
    %sign3A_5 = arith.subi %sign3A_1, %sign3A_4 : i32
    %sign3A_6 = arith.constant 0 : i32
    %sign3A_7 = arith.cmpi sgt, %jit3A, %sign3A_6 : i32
    %sign3A_8 = arith.extui %sign3A_7 : i1 to i32
    %sign3A_9 = arith.constant 0 : i32
    %sign3A_10 = arith.cmpi slt, %jit3A, %sign3A_9 : i32
    %sign3A_11 = arith.extui %sign3A_10 : i1 to i32
    %sign3A_12 = arith.subi %sign3A_8, %sign3A_11 : i32
    %ne3A = arith.cmpi ne, %sign3A_5, %sign3A_12 : i32
    %rem3A = arith.remsi %arg0, %jit3A : i32
    %ne3A_13 = arith.constant 0 : i32
    %ne3A_14 = arith.cmpi ne, %rem3A, %ne3A_13 : i32
    %and3A = arith.andi %ne3A, %ne3A_14 : i1
    %sub3A = arith.constant 1 : i32
    %sub3A_15 = arith.subi %div3A, %sub3A : i32
    %select_n3A = arith.select %and3A, %sub3A_15, %div3A : i32
    %jit3A_16 = arith.constant 6 : i32
    %eq3A = arith.constant 0 : i32
    %eq3A_17 = arith.cmpi eq, %jit3A_16, %eq3A : i32
    %jit3A_18 = arith.constant 1 : i32
    %select_n3A_19 = arith.select %eq3A_17, %jit3A_18, %jit3A_16 : i32
    %rem3A_20 = arith.remsi %arg0, %select_n3A_19 : i32
    %ne3A_21 = arith.constant 0 : i32
    %ne3A_22 = arith.cmpi ne, %rem3A_20, %ne3A_21 : i32
    %lt3A = arith.constant 0 : i32
    %lt3A_23 = arith.cmpi slt, %rem3A_20, %lt3A : i32
    %lt3A_24 = arith.constant 0 : i32
    %lt3A_25 = arith.cmpi slt, %select_n3A_19, %lt3A_24 : i32
    %ne3A_26 = arith.xori %lt3A_23, %lt3A_25 : i1
    %and3A_27 = arith.andi %ne3A_26, %ne3A_22 : i1
    %add3A = arith.addi %rem3A_20, %select_n3A_19 : i32
    %select_n3A_28 = arith.select %and3A_27, %add3A, %rem3A_20 : i32
    %get3A = arith.constant 0 : index
    %get3A_29 = arith.constant 0 : index
    %get3A_30 = arith.constant 0 : index
    %get3A_31 = vector.load %arg4[%get3A, %get3A_29, %get3A_30] : memref<1x1x10240xf32, #tpu.memory_space<vmem>>, vector<1x1x10240xf32>
    %bitcast_convert_type3A = tpu.bitcast %get3A_31 : vector<1x1x10240xf32> -> vector<1x1x10240xi32>
    %add3A_32 = arith.constant 32767 : i32
    %add3A_33 = vector.broadcast %add3A_32 : i32 to vector<1x1x10240xi32>
    %add3A_34 = arith.addi %bitcast_convert_type3A, %add3A_33 : vector<1x1x10240xi32>
    %shift_right_logical3A = arith.constant 16 : i32
    %shift_right_logical3A_35 = vector.broadcast %shift_right_logical3A : i32 to vector<1x1x10240xi32>
    %shift_right_logical3A_36 = arith.shrui %bitcast_convert_type3A, %shift_right_logical3A_35 : vector<1x1x10240xi32>
    %and3A_37 = arith.constant 1 : i32
    %and3A_38 = vector.broadcast %and3A_37 : i32 to vector<1x1x10240xi32>
    %and3A_39 = arith.andi %shift_right_logical3A_36, %and3A_38 : vector<1x1x10240xi32>
    %add3A_40 = arith.addi %add3A_34, %and3A_39 : vector<1x1x10240xi32>
    %and3A_41 = arith.constant -65536 : i32
    %and3A_42 = vector.broadcast %and3A_41 : i32 to vector<1x1x10240xi32>
    %and3A_43 = arith.andi %add3A_40, %and3A_42 : vector<1x1x10240xi32>
    %bitcast_convert_type3A_44 = tpu.bitcast %and3A_43 : vector<1x1x10240xi32> -> vector<1x1x10240xf32>
    %get3A_45 = arith.constant 0 : index
    %get3A_46 = arith.constant 0 : index
    %get3A_47 = arith.constant 0 : index
    %get3A_48 = vector.load %arg5[%get3A_45, %get3A_46, %get3A_47] : memref<1x1x10240xf32, #tpu.memory_space<vmem>>, vector<1x1x10240xf32>
    %bitcast_convert_type3A_49 = tpu.bitcast %get3A_48 : vector<1x1x10240xf32> -> vector<1x1x10240xi32>
    %add3A_50 = arith.constant 32767 : i32
    %add3A_51 = vector.broadcast %add3A_50 : i32 to vector<1x1x10240xi32>
    %add3A_52 = arith.addi %bitcast_convert_type3A_49, %add3A_51 : vector<1x1x10240xi32>
    %shift_right_logical3A_53 = arith.constant 16 : i32
    %shift_right_logical3A_54 = vector.broadcast %shift_right_logical3A_53 : i32 to vector<1x1x10240xi32>
    %shift_right_logical3A_55 = arith.shrui %bitcast_convert_type3A_49, %shift_right_logical3A_54 : vector<1x1x10240xi32>
    %and3A_56 = arith.constant 1 : i32
    %and3A_57 = vector.broadcast %and3A_56 : i32 to vector<1x1x10240xi32>
    %and3A_58 = arith.andi %shift_right_logical3A_55, %and3A_57 : vector<1x1x10240xi32>
    %add3A_59 = arith.addi %add3A_52, %and3A_58 : vector<1x1x10240xi32>
    %and3A_60 = arith.constant -65536 : i32
    %and3A_61 = vector.broadcast %and3A_60 : i32 to vector<1x1x10240xi32>
    %and3A_62 = arith.andi %add3A_59, %and3A_61 : vector<1x1x10240xi32>
    %bitcast_convert_type3A_63 = tpu.bitcast %and3A_62 : vector<1x1x10240xi32> -> vector<1x1x10240xf32>
    %get3A_64 = arith.constant 0 : index
    %get3A_65 = arith.constant 0 : index
    %get3A_66 = arith.constant 0 : index
    %get3A_67 = vector.load %arg6[%get3A_64, %get3A_65, %get3A_66] : memref<1x1x10240xf32, #tpu.memory_space<vmem>>, vector<1x1x10240xf32>
    %bitcast_convert_type3A_68 = tpu.bitcast %get3A_67 : vector<1x1x10240xf32> -> vector<1x1x10240xi32>
    %add3A_69 = arith.constant 32767 : i32
    %add3A_70 = vector.broadcast %add3A_69 : i32 to vector<1x1x10240xi32>
    %add3A_71 = arith.addi %bitcast_convert_type3A_68, %add3A_70 : vector<1x1x10240xi32>
    %shift_right_logical3A_72 = arith.constant 16 : i32
    %shift_right_logical3A_73 = vector.broadcast %shift_right_logical3A_72 : i32 to vector<1x1x10240xi32>
    %shift_right_logical3A_74 = arith.shrui %bitcast_convert_type3A_68, %shift_right_logical3A_73 : vector<1x1x10240xi32>
    %and3A_75 = arith.constant 1 : i32
    %and3A_76 = vector.broadcast %and3A_75 : i32 to vector<1x1x10240xi32>
    %and3A_77 = arith.andi %shift_right_logical3A_74, %and3A_76 : vector<1x1x10240xi32>
    %add3A_78 = arith.addi %add3A_71, %and3A_77 : vector<1x1x10240xi32>
    %and3A_79 = arith.constant -65536 : i32
    %and3A_80 = vector.broadcast %and3A_79 : i32 to vector<1x1x10240xi32>
    %and3A_81 = arith.andi %add3A_78, %and3A_80 : vector<1x1x10240xi32>
    %bitcast_convert_type3A_82 = tpu.bitcast %and3A_81 : vector<1x1x10240xi32> -> vector<1x1x10240xf32>
    %broadcast_in_dim3A = arith.constant 1.000000e+00 : f32
    %broadcast_in_dim3A_83 = vector.broadcast %broadcast_in_dim3A : f32 to vector<1x1x10240xf32>
    %get3A_84 = arith.index_cast %arg0 : i32 to index
    %get3A_85 = arith.constant 0 : index
    %get3A_86 = memref.load %arg1[%get3A_84, %get3A_85] : memref<12x16xf32, #tpu.memory_space<smem>>
    %mul3A = vector.broadcast %get3A_86 : f32 to vector<1x1x10240xf32>
    %mul3A_87 = arith.mulf %bitcast_convert_type3A_44, %mul3A : vector<1x1x10240xf32>
    %get3A_88 = arith.index_cast %arg0 : i32 to index
    %get3A_89 = arith.constant 1 : index
    %get3A_90 = memref.load %arg1[%get3A_88, %get3A_89] : memref<12x16xf32, #tpu.memory_space<smem>>
    %mul3A_91 = vector.broadcast %get3A_90 : f32 to vector<1x1x10240xf32>
    %mul3A_92 = arith.mulf %bitcast_convert_type3A_63, %mul3A_91 : vector<1x1x10240xf32>
    %get3A_93 = arith.index_cast %arg0 : i32 to index
    %get3A_94 = arith.constant 2 : index
    %get3A_95 = memref.load %arg1[%get3A_93, %get3A_94] : memref<12x16xf32, #tpu.memory_space<smem>>
    %mul3A_96 = vector.broadcast %get3A_95 : f32 to vector<1x1x10240xf32>
    %mul3A_97 = arith.mulf %bitcast_convert_type3A_82, %mul3A_96 : vector<1x1x10240xf32>
    %get3A_98 = arith.index_cast %arg0 : i32 to index
    %get3A_99 = arith.constant 3 : index
    %get3A_100 = memref.load %arg1[%get3A_98, %get3A_99] : memref<12x16xf32, #tpu.memory_space<smem>>
    %mul3A_101 = vector.broadcast %get3A_100 : f32 to vector<1x1x10240xf32>
    %mul3A_102 = arith.mulf %broadcast_in_dim3A_83, %mul3A_101 : vector<1x1x10240xf32>
    %broadcast_in_dim3A_103 = arith.constant 0.000000e+00 : f32
    %broadcast_in_dim3A_104 = vector.broadcast %broadcast_in_dim3A_103 : f32 to vector<1x1x10240xf32>
    %add3A_105 = arith.addf %mul3A_87, %mul3A_92 : vector<1x1x10240xf32>
    %abs3A = math.absf %mul3A_87 : vector<1x1x10240xf32>
    %abs3A_106 = math.absf %mul3A_92 : vector<1x1x10240xf32>
    %ge3A = arith.cmpf oge, %abs3A, %abs3A_106 : vector<1x1x10240xf32>
    %sub3A_107 = arith.subf %mul3A_87, %add3A_105 : vector<1x1x10240xf32>
    %add3A_108 = arith.addf %sub3A_107, %mul3A_92 : vector<1x1x10240xf32>
    %sub3A_109 = arith.subf %mul3A_92, %add3A_105 : vector<1x1x10240xf32>
    %add3A_110 = arith.addf %sub3A_109, %mul3A_87 : vector<1x1x10240xf32>
    %select_n3A_111 = arith.select %ge3A, %add3A_108, %add3A_110 : vector<1x1x10240xi1>, vector<1x1x10240xf32>
    %add3A_112 = arith.addf %broadcast_in_dim3A_104, %select_n3A_111 : vector<1x1x10240xf32>
    %add3A_113 = arith.addf %add3A_105, %mul3A_97 : vector<1x1x10240xf32>
    %abs3A_114 = math.absf %add3A_105 : vector<1x1x10240xf32>
    %abs3A_115 = math.absf %mul3A_97 : vector<1x1x10240xf32>
    %ge3A_116 = arith.cmpf oge, %abs3A_114, %abs3A_115 : vector<1x1x10240xf32>
    %sub3A_117 = arith.subf %add3A_105, %add3A_113 : vector<1x1x10240xf32>
    %add3A_118 = arith.addf %sub3A_117, %mul3A_97 : vector<1x1x10240xf32>
    %sub3A_119 = arith.subf %mul3A_97, %add3A_113 : vector<1x1x10240xf32>
    %add3A_120 = arith.addf %sub3A_119, %add3A_105 : vector<1x1x10240xf32>
    %select_n3A_121 = arith.select %ge3A_116, %add3A_118, %add3A_120 : vector<1x1x10240xi1>, vector<1x1x10240xf32>
    %add3A_122 = arith.addf %add3A_112, %select_n3A_121 : vector<1x1x10240xf32>
    %add3A_123 = arith.addf %add3A_113, %mul3A_102 : vector<1x1x10240xf32>
    %abs3A_124 = math.absf %add3A_113 : vector<1x1x10240xf32>
    %abs3A_125 = math.absf %mul3A_102 : vector<1x1x10240xf32>
    %ge3A_126 = arith.cmpf oge, %abs3A_124, %abs3A_125 : vector<1x1x10240xf32>
    %sub3A_127 = arith.subf %add3A_113, %add3A_123 : vector<1x1x10240xf32>
    %add3A_128 = arith.addf %sub3A_127, %mul3A_102 : vector<1x1x10240xf32>
    %sub3A_129 = arith.subf %mul3A_102, %add3A_123 : vector<1x1x10240xf32>
    %add3A_130 = arith.addf %sub3A_129, %add3A_113 : vector<1x1x10240xf32>
    %select_n3A_131 = arith.select %ge3A_126, %add3A_128, %add3A_130 : vector<1x1x10240xi1>, vector<1x1x10240xf32>
    %add3A_132 = arith.addf %add3A_122, %select_n3A_131 : vector<1x1x10240xf32>
    %add3A_133 = arith.addf %add3A_123, %add3A_132 : vector<1x1x10240xf32>
    %get3A_134 = arith.index_cast %arg0 : i32 to index
    %get3A_135 = arith.constant 4 : index
    %get3A_136 = memref.load %arg1[%get3A_134, %get3A_135] : memref<12x16xf32, #tpu.memory_space<smem>>
    %mul3A_137 = vector.broadcast %get3A_136 : f32 to vector<1x1x10240xf32>
    %mul3A_138 = arith.mulf %bitcast_convert_type3A_44, %mul3A_137 : vector<1x1x10240xf32>
    %get3A_139 = arith.index_cast %arg0 : i32 to index
    %get3A_140 = arith.constant 5 : index
    %get3A_141 = memref.load %arg1[%get3A_139, %get3A_140] : memref<12x16xf32, #tpu.memory_space<smem>>
    %mul3A_142 = vector.broadcast %get3A_141 : f32 to vector<1x1x10240xf32>
    %mul3A_143 = arith.mulf %bitcast_convert_type3A_63, %mul3A_142 : vector<1x1x10240xf32>
    %get3A_144 = arith.index_cast %arg0 : i32 to index
    %get3A_145 = arith.constant 6 : index
    %get3A_146 = memref.load %arg1[%get3A_144, %get3A_145] : memref<12x16xf32, #tpu.memory_space<smem>>
    %mul3A_147 = vector.broadcast %get3A_146 : f32 to vector<1x1x10240xf32>
    %mul3A_148 = arith.mulf %bitcast_convert_type3A_82, %mul3A_147 : vector<1x1x10240xf32>
    %get3A_149 = arith.index_cast %arg0 : i32 to index
    %get3A_150 = arith.constant 7 : index
    %get3A_151 = memref.load %arg1[%get3A_149, %get3A_150] : memref<12x16xf32, #tpu.memory_space<smem>>
    %mul3A_152 = vector.broadcast %get3A_151 : f32 to vector<1x1x10240xf32>
    %mul3A_153 = arith.mulf %broadcast_in_dim3A_83, %mul3A_152 : vector<1x1x10240xf32>
    %broadcast_in_dim3A_154 = arith.constant 0.000000e+00 : f32
    %broadcast_in_dim3A_155 = vector.broadcast %broadcast_in_dim3A_154 : f32 to vector<1x1x10240xf32>
    %add3A_156 = arith.addf %mul3A_138, %mul3A_143 : vector<1x1x10240xf32>
    %abs3A_157 = math.absf %mul3A_138 : vector<1x1x10240xf32>
    %abs3A_158 = math.absf %mul3A_143 : vector<1x1x10240xf32>
    %ge3A_159 = arith.cmpf oge, %abs3A_157, %abs3A_158 : vector<1x1x10240xf32>
    %sub3A_160 = arith.subf %mul3A_138, %add3A_156 : vector<1x1x10240xf32>
    %add3A_161 = arith.addf %sub3A_160, %mul3A_143 : vector<1x1x10240xf32>
    %sub3A_162 = arith.subf %mul3A_143, %add3A_156 : vector<1x1x10240xf32>
    %add3A_163 = arith.addf %sub3A_162, %mul3A_138 : vector<1x1x10240xf32>
    %select_n3A_164 = arith.select %ge3A_159, %add3A_161, %add3A_163 : vector<1x1x10240xi1>, vector<1x1x10240xf32>
    %add3A_165 = arith.addf %broadcast_in_dim3A_155, %select_n3A_164 : vector<1x1x10240xf32>
    %add3A_166 = arith.addf %add3A_156, %mul3A_148 : vector<1x1x10240xf32>
    %abs3A_167 = math.absf %add3A_156 : vector<1x1x10240xf32>
    %abs3A_168 = math.absf %mul3A_148 : vector<1x1x10240xf32>
    %ge3A_169 = arith.cmpf oge, %abs3A_167, %abs3A_168 : vector<1x1x10240xf32>
    %sub3A_170 = arith.subf %add3A_156, %add3A_166 : vector<1x1x10240xf32>
    %add3A_171 = arith.addf %sub3A_170, %mul3A_148 : vector<1x1x10240xf32>
    %sub3A_172 = arith.subf %mul3A_148, %add3A_166 : vector<1x1x10240xf32>
    %add3A_173 = arith.addf %sub3A_172, %add3A_156 : vector<1x1x10240xf32>
    %select_n3A_174 = arith.select %ge3A_169, %add3A_171, %add3A_173 : vector<1x1x10240xi1>, vector<1x1x10240xf32>
    %add3A_175 = arith.addf %add3A_165, %select_n3A_174 : vector<1x1x10240xf32>
    %add3A_176 = arith.addf %add3A_166, %mul3A_153 : vector<1x1x10240xf32>
    %abs3A_177 = math.absf %add3A_166 : vector<1x1x10240xf32>
    %abs3A_178 = math.absf %mul3A_153 : vector<1x1x10240xf32>
    %ge3A_179 = arith.cmpf oge, %abs3A_177, %abs3A_178 : vector<1x1x10240xf32>
    %sub3A_180 = arith.subf %add3A_166, %add3A_176 : vector<1x1x10240xf32>
    %add3A_181 = arith.addf %sub3A_180, %mul3A_153 : vector<1x1x10240xf32>
    %sub3A_182 = arith.subf %mul3A_153, %add3A_176 : vector<1x1x10240xf32>
    %add3A_183 = arith.addf %sub3A_182, %add3A_166 : vector<1x1x10240xf32>
    %select_n3A_184 = arith.select %ge3A_179, %add3A_181, %add3A_183 : vector<1x1x10240xi1>, vector<1x1x10240xf32>
    %add3A_185 = arith.addf %add3A_175, %select_n3A_184 : vector<1x1x10240xf32>
    %add3A_186 = arith.addf %add3A_176, %add3A_185 : vector<1x1x10240xf32>
    %get3A_187 = arith.index_cast %arg0 : i32 to index
    %get3A_188 = arith.constant 8 : index
    %get3A_189 = memref.load %arg1[%get3A_187, %get3A_188] : memref<12x16xf32, #tpu.memory_space<smem>>
    %mul3A_190 = vector.broadcast %get3A_189 : f32 to vector<1x1x10240xf32>
    %mul3A_191 = arith.mulf %bitcast_convert_type3A_44, %mul3A_190 : vector<1x1x10240xf32>
    %get3A_192 = arith.index_cast %arg0 : i32 to index
    %get3A_193 = arith.constant 9 : index
    %get3A_194 = memref.load %arg1[%get3A_192, %get3A_193] : memref<12x16xf32, #tpu.memory_space<smem>>
    %mul3A_195 = vector.broadcast %get3A_194 : f32 to vector<1x1x10240xf32>
    %mul3A_196 = arith.mulf %bitcast_convert_type3A_63, %mul3A_195 : vector<1x1x10240xf32>
    %get3A_197 = arith.index_cast %arg0 : i32 to index
    %get3A_198 = arith.constant 10 : index
    %get3A_199 = memref.load %arg1[%get3A_197, %get3A_198] : memref<12x16xf32, #tpu.memory_space<smem>>
    %mul3A_200 = vector.broadcast %get3A_199 : f32 to vector<1x1x10240xf32>
    %mul3A_201 = arith.mulf %bitcast_convert_type3A_82, %mul3A_200 : vector<1x1x10240xf32>
    %get3A_202 = arith.index_cast %arg0 : i32 to index
    %get3A_203 = arith.constant 11 : index
    %get3A_204 = memref.load %arg1[%get3A_202, %get3A_203] : memref<12x16xf32, #tpu.memory_space<smem>>
    %mul3A_205 = vector.broadcast %get3A_204 : f32 to vector<1x1x10240xf32>
    %mul3A_206 = arith.mulf %broadcast_in_dim3A_83, %mul3A_205 : vector<1x1x10240xf32>
    %broadcast_in_dim3A_207 = arith.constant 0.000000e+00 : f32
    %broadcast_in_dim3A_208 = vector.broadcast %broadcast_in_dim3A_207 : f32 to vector<1x1x10240xf32>
    %add3A_209 = arith.addf %mul3A_191, %mul3A_196 : vector<1x1x10240xf32>
    %abs3A_210 = math.absf %mul3A_191 : vector<1x1x10240xf32>
    %abs3A_211 = math.absf %mul3A_196 : vector<1x1x10240xf32>
    %ge3A_212 = arith.cmpf oge, %abs3A_210, %abs3A_211 : vector<1x1x10240xf32>
    %sub3A_213 = arith.subf %mul3A_191, %add3A_209 : vector<1x1x10240xf32>
    %add3A_214 = arith.addf %sub3A_213, %mul3A_196 : vector<1x1x10240xf32>
    %sub3A_215 = arith.subf %mul3A_196, %add3A_209 : vector<1x1x10240xf32>
    %add3A_216 = arith.addf %sub3A_215, %mul3A_191 : vector<1x1x10240xf32>
    %select_n3A_217 = arith.select %ge3A_212, %add3A_214, %add3A_216 : vector<1x1x10240xi1>, vector<1x1x10240xf32>
    %add3A_218 = arith.addf %broadcast_in_dim3A_208, %select_n3A_217 : vector<1x1x10240xf32>
    %add3A_219 = arith.addf %add3A_209, %mul3A_201 : vector<1x1x10240xf32>
    %abs3A_220 = math.absf %add3A_209 : vector<1x1x10240xf32>
    %abs3A_221 = math.absf %mul3A_201 : vector<1x1x10240xf32>
    %ge3A_222 = arith.cmpf oge, %abs3A_220, %abs3A_221 : vector<1x1x10240xf32>
    %sub3A_223 = arith.subf %add3A_209, %add3A_219 : vector<1x1x10240xf32>
    %add3A_224 = arith.addf %sub3A_223, %mul3A_201 : vector<1x1x10240xf32>
    %sub3A_225 = arith.subf %mul3A_201, %add3A_219 : vector<1x1x10240xf32>
    %add3A_226 = arith.addf %sub3A_225, %add3A_209 : vector<1x1x10240xf32>
    %select_n3A_227 = arith.select %ge3A_222, %add3A_224, %add3A_226 : vector<1x1x10240xi1>, vector<1x1x10240xf32>
    %add3A_228 = arith.addf %add3A_218, %select_n3A_227 : vector<1x1x10240xf32>
    %add3A_229 = arith.addf %add3A_219, %mul3A_206 : vector<1x1x10240xf32>
    %abs3A_230 = math.absf %add3A_219 : vector<1x1x10240xf32>
    %abs3A_231 = math.absf %mul3A_206 : vector<1x1x10240xf32>
    %ge3A_232 = arith.cmpf oge, %abs3A_230, %abs3A_231 : vector<1x1x10240xf32>
    %sub3A_233 = arith.subf %add3A_219, %add3A_229 : vector<1x1x10240xf32>
    %add3A_234 = arith.addf %sub3A_233, %mul3A_206 : vector<1x1x10240xf32>
    %sub3A_235 = arith.subf %mul3A_206, %add3A_229 : vector<1x1x10240xf32>
    %add3A_236 = arith.addf %sub3A_235, %add3A_219 : vector<1x1x10240xf32>
    %select_n3A_237 = arith.select %ge3A_232, %add3A_234, %add3A_236 : vector<1x1x10240xi1>, vector<1x1x10240xf32>
    %add3A_238 = arith.addf %add3A_228, %select_n3A_237 : vector<1x1x10240xf32>
    %add3A_239 = arith.addf %add3A_229, %add3A_238 : vector<1x1x10240xf32>
    %bitcast_convert_type3A_240 = tpu.bitcast %add3A_133 : vector<1x1x10240xf32> -> vector<1x1x10240xi32>
    %add3A_241 = arith.constant 32767 : i32
    %add3A_242 = vector.broadcast %add3A_241 : i32 to vector<1x1x10240xi32>
    %add3A_243 = arith.addi %bitcast_convert_type3A_240, %add3A_242 : vector<1x1x10240xi32>
    %shift_right_logical3A_244 = arith.constant 16 : i32
    %shift_right_logical3A_245 = vector.broadcast %shift_right_logical3A_244 : i32 to vector<1x1x10240xi32>
    %shift_right_logical3A_246 = arith.shrui %bitcast_convert_type3A_240, %shift_right_logical3A_245 : vector<1x1x10240xi32>
    %and3A_247 = arith.constant 1 : i32
    %and3A_248 = vector.broadcast %and3A_247 : i32 to vector<1x1x10240xi32>
    %and3A_249 = arith.andi %shift_right_logical3A_246, %and3A_248 : vector<1x1x10240xi32>
    %add3A_250 = arith.addi %add3A_243, %and3A_249 : vector<1x1x10240xi32>
    %and3A_251 = arith.constant -65536 : i32
    %and3A_252 = vector.broadcast %and3A_251 : i32 to vector<1x1x10240xi32>
    %and3A_253 = arith.andi %add3A_250, %and3A_252 : vector<1x1x10240xi32>
    %bitcast_convert_type3A_254 = tpu.bitcast %and3A_253 : vector<1x1x10240xi32> -> vector<1x1x10240xf32>
    %bitcast_convert_type3A_255 = tpu.bitcast %add3A_186 : vector<1x1x10240xf32> -> vector<1x1x10240xi32>
    %add3A_256 = arith.constant 32767 : i32
    %add3A_257 = vector.broadcast %add3A_256 : i32 to vector<1x1x10240xi32>
    %add3A_258 = arith.addi %bitcast_convert_type3A_255, %add3A_257 : vector<1x1x10240xi32>
    %shift_right_logical3A_259 = arith.constant 16 : i32
    %shift_right_logical3A_260 = vector.broadcast %shift_right_logical3A_259 : i32 to vector<1x1x10240xi32>
    %shift_right_logical3A_261 = arith.shrui %bitcast_convert_type3A_255, %shift_right_logical3A_260 : vector<1x1x10240xi32>
    %and3A_262 = arith.constant 1 : i32
    %and3A_263 = vector.broadcast %and3A_262 : i32 to vector<1x1x10240xi32>
    %and3A_264 = arith.andi %shift_right_logical3A_261, %and3A_263 : vector<1x1x10240xi32>
    %add3A_265 = arith.addi %add3A_258, %and3A_264 : vector<1x1x10240xi32>
    %and3A_266 = arith.constant -65536 : i32
    %and3A_267 = vector.broadcast %and3A_266 : i32 to vector<1x1x10240xi32>
    %and3A_268 = arith.andi %add3A_265, %and3A_267 : vector<1x1x10240xi32>
    %bitcast_convert_type3A_269 = tpu.bitcast %and3A_268 : vector<1x1x10240xi32> -> vector<1x1x10240xf32>
    %bitcast_convert_type3A_270 = tpu.bitcast %add3A_239 : vector<1x1x10240xf32> -> vector<1x1x10240xi32>
    %add3A_271 = arith.constant 32767 : i32
    %add3A_272 = vector.broadcast %add3A_271 : i32 to vector<1x1x10240xi32>
    %add3A_273 = arith.addi %bitcast_convert_type3A_270, %add3A_272 : vector<1x1x10240xi32>
    %shift_right_logical3A_274 = arith.constant 16 : i32
    %shift_right_logical3A_275 = vector.broadcast %shift_right_logical3A_274 : i32 to vector<1x1x10240xi32>
    %shift_right_logical3A_276 = arith.shrui %bitcast_convert_type3A_270, %shift_right_logical3A_275 : vector<1x1x10240xi32>
    %and3A_277 = arith.constant 1 : i32
    %and3A_278 = vector.broadcast %and3A_277 : i32 to vector<1x1x10240xi32>
    %and3A_279 = arith.andi %shift_right_logical3A_276, %and3A_278 : vector<1x1x10240xi32>
    %add3A_280 = arith.addi %add3A_273, %and3A_279 : vector<1x1x10240xi32>
    %and3A_281 = arith.constant -65536 : i32
    %and3A_282 = vector.broadcast %and3A_281 : i32 to vector<1x1x10240xi32>
    %and3A_283 = arith.andi %add3A_280, %and3A_282 : vector<1x1x10240xi32>
    %bitcast_convert_type3A_284 = tpu.bitcast %and3A_283 : vector<1x1x10240xi32> -> vector<1x1x10240xf32>
    %get3A_285 = arith.index_cast %arg0 : i32 to index
    %get3A_286 = arith.constant 0 : index
    %get3A_287 = memref.load %arg2[%get3A_285, %get3A_286] : memref<12x9xf32, #tpu.memory_space<smem>>
    %mul3A_288 = vector.broadcast %get3A_287 : f32 to vector<1x1x10240xf32>
    %mul3A_289 = arith.mulf %bitcast_convert_type3A_254, %mul3A_288 : vector<1x1x10240xf32>
    %get3A_290 = arith.index_cast %arg0 : i32 to index
    %get3A_291 = arith.constant 1 : index
    %get3A_292 = memref.load %arg2[%get3A_290, %get3A_291] : memref<12x9xf32, #tpu.memory_space<smem>>
    %mul3A_293 = vector.broadcast %get3A_292 : f32 to vector<1x1x10240xf32>
    %mul3A_294 = arith.mulf %bitcast_convert_type3A_269, %mul3A_293 : vector<1x1x10240xf32>
    %get3A_295 = arith.index_cast %arg0 : i32 to index
    %get3A_296 = arith.constant 2 : index
    %get3A_297 = memref.load %arg2[%get3A_295, %get3A_296] : memref<12x9xf32, #tpu.memory_space<smem>>
    %mul3A_298 = vector.broadcast %get3A_297 : f32 to vector<1x1x10240xf32>
    %mul3A_299 = arith.mulf %bitcast_convert_type3A_284, %mul3A_298 : vector<1x1x10240xf32>
    %broadcast_in_dim3A_300 = arith.constant 0.000000e+00 : f32
    %broadcast_in_dim3A_301 = vector.broadcast %broadcast_in_dim3A_300 : f32 to vector<1x1x10240xf32>
    %add3A_302 = arith.addf %mul3A_289, %mul3A_294 : vector<1x1x10240xf32>
    %abs3A_303 = math.absf %mul3A_289 : vector<1x1x10240xf32>
    %abs3A_304 = math.absf %mul3A_294 : vector<1x1x10240xf32>
    %ge3A_305 = arith.cmpf oge, %abs3A_303, %abs3A_304 : vector<1x1x10240xf32>
    %sub3A_306 = arith.subf %mul3A_289, %add3A_302 : vector<1x1x10240xf32>
    %add3A_307 = arith.addf %sub3A_306, %mul3A_294 : vector<1x1x10240xf32>
    %sub3A_308 = arith.subf %mul3A_294, %add3A_302 : vector<1x1x10240xf32>
    %add3A_309 = arith.addf %sub3A_308, %mul3A_289 : vector<1x1x10240xf32>
    %select_n3A_310 = arith.select %ge3A_305, %add3A_307, %add3A_309 : vector<1x1x10240xi1>, vector<1x1x10240xf32>
    %add3A_311 = arith.addf %broadcast_in_dim3A_301, %select_n3A_310 : vector<1x1x10240xf32>
    %add3A_312 = arith.addf %add3A_302, %mul3A_299 : vector<1x1x10240xf32>
    %abs3A_313 = math.absf %add3A_302 : vector<1x1x10240xf32>
    %abs3A_314 = math.absf %mul3A_299 : vector<1x1x10240xf32>
    %ge3A_315 = arith.cmpf oge, %abs3A_313, %abs3A_314 : vector<1x1x10240xf32>
    %sub3A_316 = arith.subf %add3A_302, %add3A_312 : vector<1x1x10240xf32>
    %add3A_317 = arith.addf %sub3A_316, %mul3A_299 : vector<1x1x10240xf32>
    %sub3A_318 = arith.subf %mul3A_299, %add3A_312 : vector<1x1x10240xf32>
    %add3A_319 = arith.addf %sub3A_318, %add3A_302 : vector<1x1x10240xf32>
    %select_n3A_320 = arith.select %ge3A_315, %add3A_317, %add3A_319 : vector<1x1x10240xi1>, vector<1x1x10240xf32>
    %add3A_321 = arith.addf %add3A_311, %select_n3A_320 : vector<1x1x10240xf32>
    %add3A_322 = arith.addf %add3A_312, %add3A_321 : vector<1x1x10240xf32>
    %get3A_323 = arith.index_cast %arg0 : i32 to index
    %get3A_324 = arith.constant 3 : index
    %get3A_325 = memref.load %arg2[%get3A_323, %get3A_324] : memref<12x9xf32, #tpu.memory_space<smem>>
    %mul3A_326 = vector.broadcast %get3A_325 : f32 to vector<1x1x10240xf32>
    %mul3A_327 = arith.mulf %bitcast_convert_type3A_254, %mul3A_326 : vector<1x1x10240xf32>
    %get3A_328 = arith.index_cast %arg0 : i32 to index
    %get3A_329 = arith.constant 4 : index
    %get3A_330 = memref.load %arg2[%get3A_328, %get3A_329] : memref<12x9xf32, #tpu.memory_space<smem>>
    %mul3A_331 = vector.broadcast %get3A_330 : f32 to vector<1x1x10240xf32>
    %mul3A_332 = arith.mulf %bitcast_convert_type3A_269, %mul3A_331 : vector<1x1x10240xf32>
    %get3A_333 = arith.index_cast %arg0 : i32 to index
    %get3A_334 = arith.constant 5 : index
    %get3A_335 = memref.load %arg2[%get3A_333, %get3A_334] : memref<12x9xf32, #tpu.memory_space<smem>>
    %mul3A_336 = vector.broadcast %get3A_335 : f32 to vector<1x1x10240xf32>
    %mul3A_337 = arith.mulf %bitcast_convert_type3A_284, %mul3A_336 : vector<1x1x10240xf32>
    %broadcast_in_dim3A_338 = arith.constant 0.000000e+00 : f32
    %broadcast_in_dim3A_339 = vector.broadcast %broadcast_in_dim3A_338 : f32 to vector<1x1x10240xf32>
    %add3A_340 = arith.addf %mul3A_327, %mul3A_332 : vector<1x1x10240xf32>
    %abs3A_341 = math.absf %mul3A_327 : vector<1x1x10240xf32>
    %abs3A_342 = math.absf %mul3A_332 : vector<1x1x10240xf32>
    %ge3A_343 = arith.cmpf oge, %abs3A_341, %abs3A_342 : vector<1x1x10240xf32>
    %sub3A_344 = arith.subf %mul3A_327, %add3A_340 : vector<1x1x10240xf32>
    %add3A_345 = arith.addf %sub3A_344, %mul3A_332 : vector<1x1x10240xf32>
    %sub3A_346 = arith.subf %mul3A_332, %add3A_340 : vector<1x1x10240xf32>
    %add3A_347 = arith.addf %sub3A_346, %mul3A_327 : vector<1x1x10240xf32>
    %select_n3A_348 = arith.select %ge3A_343, %add3A_345, %add3A_347 : vector<1x1x10240xi1>, vector<1x1x10240xf32>
    %add3A_349 = arith.addf %broadcast_in_dim3A_339, %select_n3A_348 : vector<1x1x10240xf32>
    %add3A_350 = arith.addf %add3A_340, %mul3A_337 : vector<1x1x10240xf32>
    %abs3A_351 = math.absf %add3A_340 : vector<1x1x10240xf32>
    %abs3A_352 = math.absf %mul3A_337 : vector<1x1x10240xf32>
    %ge3A_353 = arith.cmpf oge, %abs3A_351, %abs3A_352 : vector<1x1x10240xf32>
    %sub3A_354 = arith.subf %add3A_340, %add3A_350 : vector<1x1x10240xf32>
    %add3A_355 = arith.addf %sub3A_354, %mul3A_337 : vector<1x1x10240xf32>
    %sub3A_356 = arith.subf %mul3A_337, %add3A_350 : vector<1x1x10240xf32>
    %add3A_357 = arith.addf %sub3A_356, %add3A_340 : vector<1x1x10240xf32>
    %select_n3A_358 = arith.select %ge3A_353, %add3A_355, %add3A_357 : vector<1x1x10240xi1>, vector<1x1x10240xf32>
    %add3A_359 = arith.addf %add3A_349, %select_n3A_358 : vector<1x1x10240xf32>
    %add3A_360 = arith.addf %add3A_350, %add3A_359 : vector<1x1x10240xf32>
    %get3A_361 = arith.index_cast %arg0 : i32 to index
    %get3A_362 = arith.constant 6 : index
    %get3A_363 = memref.load %arg2[%get3A_361, %get3A_362] : memref<12x9xf32, #tpu.memory_space<smem>>
    %mul3A_364 = vector.broadcast %get3A_363 : f32 to vector<1x1x10240xf32>
    %mul3A_365 = arith.mulf %bitcast_convert_type3A_254, %mul3A_364 : vector<1x1x10240xf32>
    %get3A_366 = arith.index_cast %arg0 : i32 to index
    %get3A_367 = arith.constant 7 : index
    %get3A_368 = memref.load %arg2[%get3A_366, %get3A_367] : memref<12x9xf32, #tpu.memory_space<smem>>
    %mul3A_369 = vector.broadcast %get3A_368 : f32 to vector<1x1x10240xf32>
    %mul3A_370 = arith.mulf %bitcast_convert_type3A_269, %mul3A_369 : vector<1x1x10240xf32>
    %get3A_371 = arith.index_cast %arg0 : i32 to index
    %get3A_372 = arith.constant 8 : index
    %get3A_373 = memref.load %arg2[%get3A_371, %get3A_372] : memref<12x9xf32, #tpu.memory_space<smem>>
    %mul3A_374 = vector.broadcast %get3A_373 : f32 to vector<1x1x10240xf32>
    %mul3A_375 = arith.mulf %bitcast_convert_type3A_284, %mul3A_374 : vector<1x1x10240xf32>
    %broadcast_in_dim3A_376 = arith.constant 0.000000e+00 : f32
    %broadcast_in_dim3A_377 = vector.broadcast %broadcast_in_dim3A_376 : f32 to vector<1x1x10240xf32>
    %add3A_378 = arith.addf %mul3A_365, %mul3A_370 : vector<1x1x10240xf32>
    %abs3A_379 = math.absf %mul3A_365 : vector<1x1x10240xf32>
    %abs3A_380 = math.absf %mul3A_370 : vector<1x1x10240xf32>
    %ge3A_381 = arith.cmpf oge, %abs3A_379, %abs3A_380 : vector<1x1x10240xf32>
    %sub3A_382 = arith.subf %mul3A_365, %add3A_378 : vector<1x1x10240xf32>
    %add3A_383 = arith.addf %sub3A_382, %mul3A_370 : vector<1x1x10240xf32>
    %sub3A_384 = arith.subf %mul3A_370, %add3A_378 : vector<1x1x10240xf32>
    %add3A_385 = arith.addf %sub3A_384, %mul3A_365 : vector<1x1x10240xf32>
    %select_n3A_386 = arith.select %ge3A_381, %add3A_383, %add3A_385 : vector<1x1x10240xi1>, vector<1x1x10240xf32>
    %add3A_387 = arith.addf %broadcast_in_dim3A_377, %select_n3A_386 : vector<1x1x10240xf32>
    %add3A_388 = arith.addf %add3A_378, %mul3A_375 : vector<1x1x10240xf32>
    %abs3A_389 = math.absf %add3A_378 : vector<1x1x10240xf32>
    %abs3A_390 = math.absf %mul3A_375 : vector<1x1x10240xf32>
    %ge3A_391 = arith.cmpf oge, %abs3A_389, %abs3A_390 : vector<1x1x10240xf32>
    %sub3A_392 = arith.subf %add3A_378, %add3A_388 : vector<1x1x10240xf32>
    %add3A_393 = arith.addf %sub3A_392, %mul3A_375 : vector<1x1x10240xf32>
    %sub3A_394 = arith.subf %mul3A_375, %add3A_388 : vector<1x1x10240xf32>
    %add3A_395 = arith.addf %sub3A_394, %add3A_378 : vector<1x1x10240xf32>
    %select_n3A_396 = arith.select %ge3A_391, %add3A_393, %add3A_395 : vector<1x1x10240xi1>, vector<1x1x10240xf32>
    %add3A_397 = arith.addf %add3A_387, %select_n3A_396 : vector<1x1x10240xf32>
    %add3A_398 = arith.addf %add3A_388, %add3A_397 : vector<1x1x10240xf32>
    %max3A = arith.constant 9.99999996E-13 : f32
    %max3A_399 = vector.broadcast %max3A : f32 to vector<1x1x10240xf32>
    %max3A_400 = arith.maximumf %add3A_398, %max3A_399 : vector<1x1x10240xf32>
    %div3A_401 = arith.divf %add3A_322, %max3A_400 : vector<1x1x10240xf32>
    %mul3A_402 = arith.mulf %div3A_401, %max3A_400 : vector<1x1x10240xf32>
    %sub3A_403 = arith.subf %add3A_322, %mul3A_402 : vector<1x1x10240xf32>
    %div3A_404 = arith.divf %sub3A_403, %max3A_400 : vector<1x1x10240xf32>
    %add3A_405 = arith.addf %div3A_401, %div3A_404 : vector<1x1x10240xf32>
    %div3A_406 = arith.divf %add3A_360, %max3A_400 : vector<1x1x10240xf32>
    %mul3A_407 = arith.mulf %div3A_406, %max3A_400 : vector<1x1x10240xf32>
    %sub3A_408 = arith.subf %add3A_360, %mul3A_407 : vector<1x1x10240xf32>
    %div3A_409 = arith.divf %sub3A_408, %max3A_400 : vector<1x1x10240xf32>
    %add3A_410 = arith.addf %div3A_406, %div3A_409 : vector<1x1x10240xf32>
    %get3A_411 = arith.index_cast %select_n3A : i32 to index
    %get3A_412 = arith.constant 0 : index
    %get3A_413 = memref.load %arg3[%get3A_411, %get3A_412] : memref<2x2xf32, #tpu.memory_space<smem>>
    %get3A_414 = arith.index_cast %select_n3A : i32 to index
    %get3A_415 = arith.constant 1 : index
    %get3A_416 = memref.load %arg3[%get3A_414, %get3A_415] : memref<2x2xf32, #tpu.memory_space<smem>>
    %gt3A = arith.constant 0.000000e+00 : f32
    %gt3A_417 = vector.broadcast %gt3A : f32 to vector<1x1x10240xf32>
    %gt3A_418 = arith.cmpf ogt, %add3A_239, %gt3A_417 : vector<1x1x10240xf32>
    %ge3A_419 = arith.constant 0.000000e+00 : f32
    %ge3A_420 = vector.broadcast %ge3A_419 : f32 to vector<1x1x10240xf32>
    %ge3A_421 = arith.cmpf oge, %add3A_405, %ge3A_420 : vector<1x1x10240xf32>
    %and3A_422 = arith.andi %gt3A_418, %ge3A_421 : vector<1x1x10240xi1>
    %lt3A_423 = vector.broadcast %get3A_416 : f32 to vector<1x1x10240xf32>
    %lt3A_424 = arith.cmpf olt, %add3A_405, %lt3A_423 : vector<1x1x10240xf32>
    %and3A_425 = arith.andi %and3A_422, %lt3A_424 : vector<1x1x10240xi1>
    %ge3A_426 = arith.constant 0.000000e+00 : f32
    %ge3A_427 = vector.broadcast %ge3A_426 : f32 to vector<1x1x10240xf32>
    %ge3A_428 = arith.cmpf oge, %add3A_410, %ge3A_427 : vector<1x1x10240xf32>
    %and3A_429 = arith.andi %and3A_425, %ge3A_428 : vector<1x1x10240xi1>
    %lt3A_430 = vector.broadcast %get3A_413 : f32 to vector<1x1x10240xf32>
    %lt3A_431 = arith.cmpf olt, %add3A_410, %lt3A_430 : vector<1x1x10240xf32>
    %and3A_432 = arith.andi %and3A_429, %lt3A_431 : vector<1x1x10240xi1>
    %max3A_433 = arith.constant 9.99999997E-7 : f32
    %max3A_434 = arith.maximumf %get3A_413, %max3A_433 : f32
    %max3A_435 = arith.constant 9.99999997E-7 : f32
    %max3A_436 = arith.maximumf %get3A_416, %max3A_435 : f32
    %broadcast_in_dim3A_437 = arith.constant 1.000000e+00 : f32
    %broadcast_in_dim3A_438 = vector.broadcast %broadcast_in_dim3A_437 : f32 to vector<1x1x10240xf32>
    %mul3A_439 = arith.constant 5.180000e+02 : f32
    %mul3A_440 = vector.broadcast %mul3A_439 : f32 to vector<1x1x10240xf32>
    %mul3A_441 = arith.mulf %mul3A_440, %broadcast_in_dim3A_438 : vector<1x1x10240xf32>
    %mul3A_442 = vector.broadcast %max3A_436 : f32 to vector<1x1x10240xf32>
    %mul3A_443 = arith.mulf %mul3A_442, %broadcast_in_dim3A_438 : vector<1x1x10240xf32>
    %div3A_444 = arith.divf %mul3A_441, %mul3A_443 : vector<1x1x10240xf32>
    %mul3A_445 = arith.mulf %div3A_444, %mul3A_443 : vector<1x1x10240xf32>
    %sub3A_446 = arith.subf %mul3A_441, %mul3A_445 : vector<1x1x10240xf32>
    %div3A_447 = arith.divf %sub3A_446, %mul3A_443 : vector<1x1x10240xf32>
    %add3A_448 = arith.addf %div3A_444, %div3A_447 : vector<1x1x10240xf32>
    %mul3A_449 = arith.constant 5.180000e+02 : f32
    %mul3A_450 = vector.broadcast %mul3A_449 : f32 to vector<1x1x10240xf32>
    %mul3A_451 = arith.mulf %mul3A_450, %broadcast_in_dim3A_438 : vector<1x1x10240xf32>
    %mul3A_452 = vector.broadcast %max3A_434 : f32 to vector<1x1x10240xf32>
    %mul3A_453 = arith.mulf %mul3A_452, %broadcast_in_dim3A_438 : vector<1x1x10240xf32>
    %div3A_454 = arith.divf %mul3A_451, %mul3A_453 : vector<1x1x10240xf32>
    %mul3A_455 = arith.mulf %div3A_454, %mul3A_453 : vector<1x1x10240xf32>
    %sub3A_456 = arith.subf %mul3A_451, %mul3A_455 : vector<1x1x10240xf32>
    %div3A_457 = arith.divf %sub3A_456, %mul3A_453 : vector<1x1x10240xf32>
    %add3A_458 = arith.addf %div3A_454, %div3A_457 : vector<1x1x10240xf32>
    %mul3A_459 = arith.mulf %add3A_405, %add3A_448 : vector<1x1x10240xf32>
    %mul3A_460 = arith.mulf %add3A_410, %add3A_458 : vector<1x1x10240xf32>
    %mul3A_461 = arith.constant 1.400000e+01 : f32
    %mul3A_462 = vector.broadcast %mul3A_461 : f32 to vector<1x1x10240xf32>
    %mul3A_463 = arith.mulf %mul3A_462, %broadcast_in_dim3A_438 : vector<1x1x10240xf32>
    %div3A_464 = arith.divf %mul3A_459, %mul3A_463 : vector<1x1x10240xf32>
    %mul3A_465 = arith.mulf %div3A_464, %mul3A_463 : vector<1x1x10240xf32>
    %sub3A_466 = arith.subf %mul3A_459, %mul3A_465 : vector<1x1x10240xf32>
    %div3A_467 = arith.divf %sub3A_466, %mul3A_463 : vector<1x1x10240xf32>
    %add3A_468 = arith.addf %div3A_464, %div3A_467 : vector<1x1x10240xf32>
    %convert_element_type3A = arith.fptosi %add3A_468 : vector<1x1x10240xf32> to vector<1x1x10240xi32>
    %jit3A_469 = arith.constant 0 : i32
    %jit3A_470 = arith.constant 36 : i32
    %max3A_471 = vector.broadcast %jit3A_469 : i32 to vector<1x1x10240xi32>
    %max3A_472 = arith.maxsi %max3A_471, %convert_element_type3A : vector<1x1x10240xi32>
    %min3A = vector.broadcast %jit3A_470 : i32 to vector<1x1x10240xi32>
    %min3A_473 = arith.minsi %min3A, %max3A_472 : vector<1x1x10240xi32>
    %mul3A_474 = arith.constant 1.400000e+01 : f32
    %mul3A_475 = vector.broadcast %mul3A_474 : f32 to vector<1x1x10240xf32>
    %mul3A_476 = arith.mulf %mul3A_475, %broadcast_in_dim3A_438 : vector<1x1x10240xf32>
    %div3A_477 = arith.divf %mul3A_460, %mul3A_476 : vector<1x1x10240xf32>
    %mul3A_478 = arith.mulf %div3A_477, %mul3A_476 : vector<1x1x10240xf32>
    %sub3A_479 = arith.subf %mul3A_460, %mul3A_478 : vector<1x1x10240xf32>
    %div3A_480 = arith.divf %sub3A_479, %mul3A_476 : vector<1x1x10240xf32>
    %add3A_481 = arith.addf %div3A_477, %div3A_480 : vector<1x1x10240xf32>
    %convert_element_type3A_482 = arith.fptosi %add3A_481 : vector<1x1x10240xf32> to vector<1x1x10240xi32>
    %jit3A_483 = arith.constant 0 : i32
    %jit3A_484 = arith.constant 36 : i32
    %max3A_485 = vector.broadcast %jit3A_483 : i32 to vector<1x1x10240xi32>
    %max3A_486 = arith.maxsi %max3A_485, %convert_element_type3A_482 : vector<1x1x10240xi32>
    %min3A_487 = vector.broadcast %jit3A_484 : i32 to vector<1x1x10240xi32>
    %min3A_488 = arith.minsi %min3A_487, %max3A_486 : vector<1x1x10240xi32>
    %mul3A_489 = arith.constant 37 : i32
    %mul3A_490 = vector.broadcast %mul3A_489 : i32 to vector<1x1x10240xi32>
    %mul3A_491 = arith.muli %min3A_488, %mul3A_490 : vector<1x1x10240xi32>
    %add3A_492 = arith.addi %mul3A_491, %min3A_473 : vector<1x1x10240xi32>
    %jit3A_493 = arith.constant 0 : i32
    %jit3A_494 = arith.constant 1368 : i32
    %max3A_495 = vector.broadcast %jit3A_493 : i32 to vector<1x1x10240xi32>
    %max3A_496 = arith.maxsi %max3A_495, %add3A_492 : vector<1x1x10240xi32>
    %min3A_497 = vector.broadcast %jit3A_494 : i32 to vector<1x1x10240xi32>
    %min3A_498 = arith.minsi %min3A_497, %max3A_496 : vector<1x1x10240xi32>
    %mul3A_499 = arith.constant 1369 : i32
    %mul3A_500 = arith.muli %arg0, %mul3A_499 : i32
    %add3A_501 = vector.broadcast %mul3A_500 : i32 to vector<1x1x10240xi32>
    %add3A_502 = arith.addi %add3A_501, %min3A_498 : vector<1x1x10240xi32>
    %jit3A_503 = arith.constant 16428 : i32
    %broadcast_in_dim3A_504 = vector.broadcast %jit3A_503 : i32 to vector<1x1x10240xi32>
    %select_n3A_505 = arith.select %and3A_432, %add3A_502, %broadcast_in_dim3A_504 : vector<1x1x10240xi1>, vector<1x1x10240xi32>
    %swap3A = arith.constant 0 : index
    %swap3A_506 = arith.constant 0 : index
    %swap3A_507 = arith.constant 0 : index
    %swap3A_508 = vector.load %arg7[%swap3A, %swap3A_506, %swap3A_507] : memref<1x1x10240xi32, #tpu.memory_space<vmem>>, vector<1x1x10240xi32>
    tpu.vector_store %arg7[%swap3A, %swap3A_506, %swap3A_507], %select_n3A_505 {strides = array<i32>} : memref<1x1x10240xi32, #tpu.memory_space<vmem>>, vector<1x1x10240xi32>,
    %convert_element_type3A_509 = arith.extui %and3A_432 : vector<1x1x10240xi1> to vector<1x1x10240xi32>
    %convert_element_type3A_510 = arith.sitofp %convert_element_type3A_509 : vector<1x1x10240xi32> to vector<1x1x10240xf32>
    %eq3A_511 = arith.constant 0 : i32
    %eq3A_512 = arith.cmpi eq, %select_n3A_28, %eq3A_511 : i32
    %convert_element_type3A_513 = arith.extui %eq3A_512 : i1 to i32
    %cond3A = arith.constant 0 : i32
    %cond3A_514 = arith.cmpi ne, %convert_element_type3A_513, %cond3A : i32
    scf.if %cond3A_514 {
      %swap3A_520 = arith.constant 0 : index
      %swap3A_521 = arith.constant 0 : index
      %swap3A_522 = arith.constant 0 : index
      %swap3A_523 = vector.load %arg8[%swap3A_520, %swap3A_521, %swap3A_522] : memref<1x1x10240xf32, #tpu.memory_space<vmem>>, vector<1x1x10240xf32>
      tpu.vector_store %arg8[%swap3A_520, %swap3A_521, %swap3A_522], %convert_element_type3A_510 {strides = array<i32>} : memref<1x1x10240xf32, #tpu.memory_space<vmem>>, vector<1x1x10240xf32>,
    } else {
    }
    %gt3A_515 = arith.constant 0 : i32
    %gt3A_516 = arith.cmpi sgt, %select_n3A_28, %gt3A_515 : i32
    %convert_element_type3A_517 = arith.extui %gt3A_516 : i1 to i32
    %cond3A_518 = arith.constant 0 : i32
    %cond3A_519 = arith.cmpi ne, %convert_element_type3A_517, %cond3A_518 : i32
    scf.if %cond3A_519 {
      %get3A_520 = arith.constant 0 : index
      %get3A_521 = arith.constant 0 : index
      %get3A_522 = arith.constant 0 : index
      %get3A_523 = vector.load %arg8[%get3A_520, %get3A_521, %get3A_522] : memref<1x1x10240xf32, #tpu.memory_space<vmem>>, vector<1x1x10240xf32>
      %add3A_524 = arith.addf %get3A_523, %convert_element_type3A_510 : vector<1x1x10240xf32>
      %swap3A_525 = arith.constant 0 : index
      %swap3A_526 = arith.constant 0 : index
      %swap3A_527 = arith.constant 0 : index
      %swap3A_528 = vector.load %arg8[%swap3A_525, %swap3A_526, %swap3A_527] : memref<1x1x10240xf32, #tpu.memory_space<vmem>>, vector<1x1x10240xf32>
      tpu.vector_store %arg8[%swap3A_525, %swap3A_526, %swap3A_527], %add3A_524 {strides = array<i32>} : memref<1x1x10240xf32, #tpu.memory_space<vmem>>, vector<1x1x10240xf32>,
    } else {
    }
    return
  }
  func.func @transform_0(%arg0: i32) -> (i32, i32) {
    %c0_i32 = arith.constant 0 : i32
    %c0_i32_0 = arith.constant 0 : i32
    %c0_i32_1 = arith.constant 0 : i32
    return %c0_i32, %c0_i32_0 : i32, i32
  }
  func.func @transform_1(%arg0: i32) -> (i32, i32) {
    %c0_i32 = arith.constant 0 : i32
    %c0_i32_0 = arith.constant 0 : i32
    %c0_i32_1 = arith.constant 0 : i32
    return %c0_i32, %c0_i32_0 : i32, i32
  }
  func.func @transform_2(%arg0: i32) -> (i32, i32) {
    %c0_i32 = arith.constant 0 : i32
    %c0_i32_0 = arith.constant 0 : i32
    %c0_i32_1 = arith.constant 0 : i32
    return %c0_i32, %c0_i32_0 : i32, i32
  }
  func.func @transform_3(%arg0: i32) -> (i32, i32, i32) {
    %jit3A = arith.constant 6 : i32
    %div3A = arith.divsi %arg0, %jit3A : i32
    %sign3A = arith.constant 0 : i32
    %sign3A_0 = arith.cmpi sgt, %arg0, %sign3A : i32
    %sign3A_1 = arith.extui %sign3A_0 : i1 to i32
    %sign3A_2 = arith.constant 0 : i32
    %sign3A_3 = arith.cmpi slt, %arg0, %sign3A_2 : i32
    %sign3A_4 = arith.extui %sign3A_3 : i1 to i32
    %sign3A_5 = arith.subi %sign3A_1, %sign3A_4 : i32
    %sign3A_6 = arith.constant 0 : i32
    %sign3A_7 = arith.cmpi sgt, %jit3A, %sign3A_6 : i32
    %sign3A_8 = arith.extui %sign3A_7 : i1 to i32
    %sign3A_9 = arith.constant 0 : i32
    %sign3A_10 = arith.cmpi slt, %jit3A, %sign3A_9 : i32
    %sign3A_11 = arith.extui %sign3A_10 : i1 to i32
    %sign3A_12 = arith.subi %sign3A_8, %sign3A_11 : i32
    %ne3A = arith.cmpi ne, %sign3A_5, %sign3A_12 : i32
    %rem3A = arith.remsi %arg0, %jit3A : i32
    %ne3A_13 = arith.constant 0 : i32
    %ne3A_14 = arith.cmpi ne, %rem3A, %ne3A_13 : i32
    %and3A = arith.andi %ne3A, %ne3A_14 : i1
    %sub3A = arith.constant 1 : i32
    %sub3A_15 = arith.subi %div3A, %sub3A : i32
    %select_n3A = arith.select %and3A, %sub3A_15, %div3A : i32
    %c0_i32 = arith.constant 0 : i32
    %c0_i32_16 = arith.constant 0 : i32
    %c0_i32_17 = arith.constant 0 : i32
    return %select_n3A, %c0_i32, %c0_i32_16 : i32, i32, i32
  }
  func.func @transform_4(%arg0: i32) -> (i32, i32, i32) {
    %jit3A = arith.constant 6 : i32
    %div3A = arith.divsi %arg0, %jit3A : i32
    %sign3A = arith.constant 0 : i32
    %sign3A_0 = arith.cmpi sgt, %arg0, %sign3A : i32
    %sign3A_1 = arith.extui %sign3A_0 : i1 to i32
    %sign3A_2 = arith.constant 0 : i32
    %sign3A_3 = arith.cmpi slt, %arg0, %sign3A_2 : i32
    %sign3A_4 = arith.extui %sign3A_3 : i1 to i32
    %sign3A_5 = arith.subi %sign3A_1, %sign3A_4 : i32
    %sign3A_6 = arith.constant 0 : i32
    %sign3A_7 = arith.cmpi sgt, %jit3A, %sign3A_6 : i32
    %sign3A_8 = arith.extui %sign3A_7 : i1 to i32
    %sign3A_9 = arith.constant 0 : i32
    %sign3A_10 = arith.cmpi slt, %jit3A, %sign3A_9 : i32
    %sign3A_11 = arith.extui %sign3A_10 : i1 to i32
    %sign3A_12 = arith.subi %sign3A_8, %sign3A_11 : i32
    %ne3A = arith.cmpi ne, %sign3A_5, %sign3A_12 : i32
    %rem3A = arith.remsi %arg0, %jit3A : i32
    %ne3A_13 = arith.constant 0 : i32
    %ne3A_14 = arith.cmpi ne, %rem3A, %ne3A_13 : i32
    %and3A = arith.andi %ne3A, %ne3A_14 : i1
    %sub3A = arith.constant 1 : i32
    %sub3A_15 = arith.subi %div3A, %sub3A : i32
    %select_n3A = arith.select %and3A, %sub3A_15, %div3A : i32
    %c0_i32 = arith.constant 0 : i32
    %c0_i32_16 = arith.constant 0 : i32
    %c0_i32_17 = arith.constant 0 : i32
    return %select_n3A, %c0_i32, %c0_i32_16 : i32, i32, i32
  }
  func.func @transform_5(%arg0: i32) -> (i32, i32, i32) {
    %jit3A = arith.constant 6 : i32
    %div3A = arith.divsi %arg0, %jit3A : i32
    %sign3A = arith.constant 0 : i32
    %sign3A_0 = arith.cmpi sgt, %arg0, %sign3A : i32
    %sign3A_1 = arith.extui %sign3A_0 : i1 to i32
    %sign3A_2 = arith.constant 0 : i32
    %sign3A_3 = arith.cmpi slt, %arg0, %sign3A_2 : i32
    %sign3A_4 = arith.extui %sign3A_3 : i1 to i32
    %sign3A_5 = arith.subi %sign3A_1, %sign3A_4 : i32
    %sign3A_6 = arith.constant 0 : i32
    %sign3A_7 = arith.cmpi sgt, %jit3A, %sign3A_6 : i32
    %sign3A_8 = arith.extui %sign3A_7 : i1 to i32
    %sign3A_9 = arith.constant 0 : i32
    %sign3A_10 = arith.cmpi slt, %jit3A, %sign3A_9 : i32
    %sign3A_11 = arith.extui %sign3A_10 : i1 to i32
    %sign3A_12 = arith.subi %sign3A_8, %sign3A_11 : i32
    %ne3A = arith.cmpi ne, %sign3A_5, %sign3A_12 : i32
    %rem3A = arith.remsi %arg0, %jit3A : i32
    %ne3A_13 = arith.constant 0 : i32
    %ne3A_14 = arith.cmpi ne, %rem3A, %ne3A_13 : i32
    %and3A = arith.andi %ne3A, %ne3A_14 : i1
    %sub3A = arith.constant 1 : i32
    %sub3A_15 = arith.subi %div3A, %sub3A : i32
    %select_n3A = arith.select %and3A, %sub3A_15, %div3A : i32
    %c0_i32 = arith.constant 0 : i32
    %c0_i32_16 = arith.constant 0 : i32
    %c0_i32_17 = arith.constant 0 : i32
    return %select_n3A, %c0_i32, %c0_i32_16 : i32, i32, i32
  }
  func.func @transform_6(%arg0: i32) -> (i32, i32, i32) {
    %jit3A = arith.constant 6 : i32
    %eq3A = arith.constant 0 : i32
    %eq3A_0 = arith.cmpi eq, %jit3A, %eq3A : i32
    %jit3A_1 = arith.constant 1 : i32
    %select_n3A = arith.select %eq3A_0, %jit3A_1, %jit3A : i32
    %rem3A = arith.remsi %arg0, %select_n3A : i32
    %ne3A = arith.constant 0 : i32
    %ne3A_2 = arith.cmpi ne, %rem3A, %ne3A : i32
    %lt3A = arith.constant 0 : i32
    %lt3A_3 = arith.cmpi slt, %rem3A, %lt3A : i32
    %lt3A_4 = arith.constant 0 : i32
    %lt3A_5 = arith.cmpi slt, %select_n3A, %lt3A_4 : i32
    %ne3A_6 = arith.xori %lt3A_3, %lt3A_5 : i1
    %and3A = arith.andi %ne3A_6, %ne3A_2 : i1
    %add3A = arith.addi %rem3A, %select_n3A : i32
    %select_n3A_7 = arith.select %and3A, %add3A, %rem3A : i32
    %mul3A = arith.constant 2 : i32
    %mul3A_8 = arith.muli %select_n3A_7, %mul3A : i32
    %jit3A_9 = arith.constant 6 : i32
    %div3A = arith.divsi %arg0, %jit3A_9 : i32
    %sign3A = arith.constant 0 : i32
    %sign3A_10 = arith.cmpi sgt, %arg0, %sign3A : i32
    %sign3A_11 = arith.extui %sign3A_10 : i1 to i32
    %sign3A_12 = arith.constant 0 : i32
    %sign3A_13 = arith.cmpi slt, %arg0, %sign3A_12 : i32
    %sign3A_14 = arith.extui %sign3A_13 : i1 to i32
    %sign3A_15 = arith.subi %sign3A_11, %sign3A_14 : i32
    %sign3A_16 = arith.constant 0 : i32
    %sign3A_17 = arith.cmpi sgt, %jit3A_9, %sign3A_16 : i32
    %sign3A_18 = arith.extui %sign3A_17 : i1 to i32
    %sign3A_19 = arith.constant 0 : i32
    %sign3A_20 = arith.cmpi slt, %jit3A_9, %sign3A_19 : i32
    %sign3A_21 = arith.extui %sign3A_20 : i1 to i32
    %sign3A_22 = arith.subi %sign3A_18, %sign3A_21 : i32
    %ne3A_23 = arith.cmpi ne, %sign3A_15, %sign3A_22 : i32
    %rem3A_24 = arith.remsi %arg0, %jit3A_9 : i32
    %ne3A_25 = arith.constant 0 : i32
    %ne3A_26 = arith.cmpi ne, %rem3A_24, %ne3A_25 : i32
    %and3A_27 = arith.andi %ne3A_23, %ne3A_26 : i1
    %sub3A = arith.constant 1 : i32
    %sub3A_28 = arith.subi %div3A, %sub3A : i32
    %select_n3A_29 = arith.select %and3A_27, %sub3A_28, %div3A : i32
    %add3A_30 = arith.addi %mul3A_8, %select_n3A_29 : i32
    %c0_i32 = arith.constant 0 : i32
    %c0_i32_31 = arith.constant 0 : i32
    %c0_i32_32 = arith.constant 0 : i32
    return %add3A_30, %c0_i32, %c0_i32_31 : i32, i32, i32
  }
  func.func @transform_7(%arg0: i32) -> (i32, i32, i32) {
    %jit3A = arith.constant 6 : i32
    %div3A = arith.divsi %arg0, %jit3A : i32
    %sign3A = arith.constant 0 : i32
    %sign3A_0 = arith.cmpi sgt, %arg0, %sign3A : i32
    %sign3A_1 = arith.extui %sign3A_0 : i1 to i32
    %sign3A_2 = arith.constant 0 : i32
    %sign3A_3 = arith.cmpi slt, %arg0, %sign3A_2 : i32
    %sign3A_4 = arith.extui %sign3A_3 : i1 to i32
    %sign3A_5 = arith.subi %sign3A_1, %sign3A_4 : i32
    %sign3A_6 = arith.constant 0 : i32
    %sign3A_7 = arith.cmpi sgt, %jit3A, %sign3A_6 : i32
    %sign3A_8 = arith.extui %sign3A_7 : i1 to i32
    %sign3A_9 = arith.constant 0 : i32
    %sign3A_10 = arith.cmpi slt, %jit3A, %sign3A_9 : i32
    %sign3A_11 = arith.extui %sign3A_10 : i1 to i32
    %sign3A_12 = arith.subi %sign3A_8, %sign3A_11 : i32
    %ne3A = arith.cmpi ne, %sign3A_5, %sign3A_12 : i32
    %rem3A = arith.remsi %arg0, %jit3A : i32
    %ne3A_13 = arith.constant 0 : i32
    %ne3A_14 = arith.cmpi ne, %rem3A, %ne3A_13 : i32
    %and3A = arith.andi %ne3A, %ne3A_14 : i1
    %sub3A = arith.constant 1 : i32
    %sub3A_15 = arith.subi %div3A, %sub3A : i32
    %select_n3A = arith.select %and3A, %sub3A_15, %div3A : i32
    %c0_i32 = arith.constant 0 : i32
    %c0_i32_16 = arith.constant 0 : i32
    %c0_i32_17 = arith.constant 0 : i32
    return %select_n3A, %c0_i32, %c0_i32_16 : i32, i32, i32
  }
}

module attributes {stable_mosaic.version = 14 : i64} {
  func.func @_mlp_kernel(%arg0: i32, %arg1: memref<2048x384xf32, #tpu.memory_space<vmem>>, %arg2: memref<2048x1xf32, #tpu.memory_space<vmem>>, %arg3: memref<2048x64xf32, #tpu.memory_space<vmem>>, %arg4: memref<64x256xf32, #tpu.memory_space<vmem>>, %arg5: memref<384x256xf32, #tpu.memory_space<vmem>>, %arg6: memref<1x256xf32, #tpu.memory_space<vmem>>, %arg7: memref<256x64xf32, #tpu.memory_space<vmem>>, %arg8: memref<1x64xf32, #tpu.memory_space<vmem>>, %arg9: memref<64x16xf32, #tpu.memory_space<vmem>>, %arg10: memref<1x16xf32, #tpu.memory_space<vmem>>, %arg11: memref<2048x16xf32, #tpu.memory_space<vmem>>) attributes {dimension_semantics = [#tpu.dimension_semantics<arbitrary>], iteration_bounds = array<i64: 10>, scalar_prefetch = 0 : i64, scratch_operands = 0 : i64, tpu.core_type = #tpu.core_type<tc>, window_params = [{transform_indices = @transform_0, window_bounds = array<i64: 2048, 384>}, {transform_indices = @transform_1, window_bounds = array<i64: 2048, 1>}, {transform_indices = @transform_2, window_bounds = array<i64: 2048, 64>}, {pipeline_mode = #tpu.pipeline_mode<synchronous>, transform_indices = @transform_3, window_bounds = array<i64: 64, 256>}, {pipeline_mode = #tpu.pipeline_mode<synchronous>, transform_indices = @transform_4, window_bounds = array<i64: 384, 256>}, {pipeline_mode = #tpu.pipeline_mode<synchronous>, transform_indices = @transform_5, window_bounds = array<i64: 1, 256>}, {pipeline_mode = #tpu.pipeline_mode<synchronous>, transform_indices = @transform_6, window_bounds = array<i64: 256, 64>}, {pipeline_mode = #tpu.pipeline_mode<synchronous>, transform_indices = @transform_7, window_bounds = array<i64: 1, 64>}, {pipeline_mode = #tpu.pipeline_mode<synchronous>, transform_indices = @transform_8, window_bounds = array<i64: 64, 16>}, {pipeline_mode = #tpu.pipeline_mode<synchronous>, transform_indices = @transform_9, window_bounds = array<i64: 1, 16>}, {transform_indices = @transform_10, window_bounds = array<i64: 2048, 16>}]} {
    %get3A = arith.constant 0 : index
    %get3A_0 = arith.constant 0 : index
    %get3A_1 = vector.load %arg2[%get3A, %get3A_0] : memref<2048x1xf32, #tpu.memory_space<vmem>>, vector<2048x1xf32>
    %max3A = arith.constant 1.000000e+00 : f32
    %max3A_2 = vector.broadcast %max3A : f32 to vector<2048x1xf32>
    %max3A_3 = arith.maximumf %get3A_1, %max3A_2 : vector<2048x1xf32>
    %get3A_4 = arith.constant 0 : index
    %get3A_5 = arith.constant 0 : index
    %get3A_6 = vector.load %arg1[%get3A_4, %get3A_5] : memref<2048x384xf32, #tpu.memory_space<vmem>>, vector<2048x384xf32>
    %div3A = vector.broadcast %max3A_3 : vector<2048x1xf32> to vector<2048x384xf32>
    %div3A_7 = arith.divf %get3A_6, %div3A : vector<2048x384xf32>
    %get3A_8 = arith.constant 0 : index
    %get3A_9 = arith.constant 0 : index
    %get3A_10 = vector.load %arg3[%get3A_8, %get3A_9] : memref<2048x64xf32, #tpu.memory_space<vmem>>, vector<2048x64xf32>
    %get3A_11 = arith.constant 0 : index
    %get3A_12 = arith.constant 0 : index
    %get3A_13 = vector.load %arg4[%get3A_11, %get3A_12] : memref<64x256xf32, #tpu.memory_space<vmem>>, vector<64x256xf32>
    %dot_general3A = arith.constant dense<0.000000e+00> : vector<2048x256xf32>
    %dot_general3A_14 = tpu.matmul %get3A_10, %get3A_13, %dot_general3A {dimension_numbers = #tpu.dot_dimension_numbers<[1], [0], [0], [1], [0, 0, 1, 1], [], []>, transpose_lhs_hint = false} : vector<2048x64xf32>, vector<64x256xf32>, vector<2048x256xf32> -> vector<2048x256xf32>
    %get3A_15 = arith.constant 0 : index
    %get3A_16 = arith.constant 0 : index
    %get3A_17 = vector.load %arg5[%get3A_15, %get3A_16] : memref<384x256xf32, #tpu.memory_space<vmem>>, vector<384x256xf32>
    %dot_general3A_18 = arith.constant dense<0.000000e+00> : vector<2048x256xf32>
    %dot_general3A_19 = tpu.matmul %div3A_7, %get3A_17, %dot_general3A_18 {dimension_numbers = #tpu.dot_dimension_numbers<[1], [0], [0], [1], [0, 0, 1, 1], [], []>, transpose_lhs_hint = false} : vector<2048x384xf32>, vector<384x256xf32>, vector<2048x256xf32> -> vector<2048x256xf32>
    %add3A = arith.addf %dot_general3A_14, %dot_general3A_19 : vector<2048x256xf32>
    %get3A_20 = arith.constant 0 : index
    %get3A_21 = arith.constant 0 : index
    %get3A_22 = vector.load %arg6[%get3A_20, %get3A_21] : memref<1x256xf32, #tpu.memory_space<vmem>>, vector<1x256xf32>
    %add3A_23 = vector.broadcast %get3A_22 : vector<1x256xf32> to vector<2048x256xf32>
    %add3A_24 = arith.addf %add3A, %add3A_23 : vector<2048x256xf32>
    %max3A_25 = arith.constant 0.000000e+00 : f32
    %max3A_26 = vector.broadcast %max3A_25 : f32 to vector<2048x256xf32>
    %max3A_27 = arith.maximumf %add3A_24, %max3A_26 : vector<2048x256xf32>
    %get3A_28 = arith.constant 0 : index
    %get3A_29 = arith.constant 0 : index
    %get3A_30 = vector.load %arg7[%get3A_28, %get3A_29] : memref<256x64xf32, #tpu.memory_space<vmem>>, vector<256x64xf32>
    %dot_general3A_31 = arith.constant dense<0.000000e+00> : vector<2048x64xf32>
    %dot_general3A_32 = tpu.matmul %max3A_27, %get3A_30, %dot_general3A_31 {dimension_numbers = #tpu.dot_dimension_numbers<[1], [0], [0], [1], [0, 0, 1, 1], [], []>, transpose_lhs_hint = false} : vector<2048x256xf32>, vector<256x64xf32>, vector<2048x64xf32> -> vector<2048x64xf32>
    %get3A_33 = arith.constant 0 : index
    %get3A_34 = arith.constant 0 : index
    %get3A_35 = vector.load %arg8[%get3A_33, %get3A_34] : memref<1x64xf32, #tpu.memory_space<vmem>>, vector<1x64xf32>
    %add3A_36 = vector.broadcast %get3A_35 : vector<1x64xf32> to vector<2048x64xf32>
    %add3A_37 = arith.addf %dot_general3A_32, %add3A_36 : vector<2048x64xf32>
    %max3A_38 = arith.constant 0.000000e+00 : f32
    %max3A_39 = vector.broadcast %max3A_38 : f32 to vector<2048x64xf32>
    %max3A_40 = arith.maximumf %add3A_37, %max3A_39 : vector<2048x64xf32>
    %get3A_41 = arith.constant 0 : index
    %get3A_42 = arith.constant 0 : index
    %get3A_43 = vector.load %arg9[%get3A_41, %get3A_42] : memref<64x16xf32, #tpu.memory_space<vmem>>, vector<64x16xf32>
    %dot_general3A_44 = arith.constant dense<0.000000e+00> : vector<2048x16xf32>
    %dot_general3A_45 = tpu.matmul %max3A_40, %get3A_43, %dot_general3A_44 {dimension_numbers = #tpu.dot_dimension_numbers<[1], [0], [0], [1], [0, 0, 1, 1], [], []>, transpose_lhs_hint = false} : vector<2048x64xf32>, vector<64x16xf32>, vector<2048x16xf32> -> vector<2048x16xf32>
    %get3A_46 = arith.constant 0 : index
    %get3A_47 = arith.constant 0 : index
    %get3A_48 = vector.load %arg10[%get3A_46, %get3A_47] : memref<1x16xf32, #tpu.memory_space<vmem>>, vector<1x16xf32>
    %add3A_49 = vector.broadcast %get3A_48 : vector<1x16xf32> to vector<2048x16xf32>
    %add3A_50 = arith.addf %dot_general3A_45, %add3A_49 : vector<2048x16xf32>
    %swap3A = arith.constant 0 : index
    %swap3A_51 = arith.constant 0 : index
    %swap3A_52 = vector.load %arg11[%swap3A, %swap3A_51] : memref<2048x16xf32, #tpu.memory_space<vmem>>, vector<2048x16xf32>
    tpu.vector_store %arg11[%swap3A, %swap3A_51], %add3A_50 {strides = array<i32>} : memref<2048x16xf32, #tpu.memory_space<vmem>>, vector<2048x16xf32>,
    return
  }
  func.func @transform_0(%arg0: i32) -> (i32, i32) {
    %c0_i32 = arith.constant 0 : i32
    %c0_i32_0 = arith.constant 0 : i32
    return %arg0, %c0_i32 : i32, i32
  }
  func.func @transform_1(%arg0: i32) -> (i32, i32) {
    %c0_i32 = arith.constant 0 : i32
    %c0_i32_0 = arith.constant 0 : i32
    return %arg0, %c0_i32 : i32, i32
  }
  func.func @transform_2(%arg0: i32) -> (i32, i32) {
    %c0_i32 = arith.constant 0 : i32
    %c0_i32_0 = arith.constant 0 : i32
    return %arg0, %c0_i32 : i32, i32
  }
  func.func @transform_3(%arg0: i32) -> (i32, i32) {
    %c0_i32 = arith.constant 0 : i32
    %c0_i32_0 = arith.constant 0 : i32
    %c0_i32_1 = arith.constant 0 : i32
    return %c0_i32, %c0_i32_0 : i32, i32
  }
  func.func @transform_4(%arg0: i32) -> (i32, i32) {
    %c0_i32 = arith.constant 0 : i32
    %c0_i32_0 = arith.constant 0 : i32
    %c0_i32_1 = arith.constant 0 : i32
    return %c0_i32, %c0_i32_0 : i32, i32
  }
  func.func @transform_5(%arg0: i32) -> (i32, i32) {
    %c0_i32 = arith.constant 0 : i32
    %c0_i32_0 = arith.constant 0 : i32
    %c0_i32_1 = arith.constant 0 : i32
    return %c0_i32, %c0_i32_0 : i32, i32
  }
  func.func @transform_6(%arg0: i32) -> (i32, i32) {
    %c0_i32 = arith.constant 0 : i32
    %c0_i32_0 = arith.constant 0 : i32
    %c0_i32_1 = arith.constant 0 : i32
    return %c0_i32, %c0_i32_0 : i32, i32
  }
  func.func @transform_7(%arg0: i32) -> (i32, i32) {
    %c0_i32 = arith.constant 0 : i32
    %c0_i32_0 = arith.constant 0 : i32
    %c0_i32_1 = arith.constant 0 : i32
    return %c0_i32, %c0_i32_0 : i32, i32
  }
  func.func @transform_8(%arg0: i32) -> (i32, i32) {
    %c0_i32 = arith.constant 0 : i32
    %c0_i32_0 = arith.constant 0 : i32
    %c0_i32_1 = arith.constant 0 : i32
    return %c0_i32, %c0_i32_0 : i32, i32
  }
  func.func @transform_9(%arg0: i32) -> (i32, i32) {
    %c0_i32 = arith.constant 0 : i32
    %c0_i32_0 = arith.constant 0 : i32
    %c0_i32_1 = arith.constant 0 : i32
    return %c0_i32, %c0_i32_0 : i32, i32
  }
  func.func @transform_10(%arg0: i32) -> (i32, i32) {
    %c0_i32 = arith.constant 0 : i32
    %c0_i32_0 = arith.constant 0 : i32
    return %arg0, %c0_i32 : i32, i32
  }
}

</mosaic_0001>

<sc_bundles>
// kernel: kernel.5.cloned.1.call-start
scs
__scs_entry_jumppad:
0x0: {  	(pc) =	sbr.rel $0x88, $3  }
0x1: {  	(tag) =	ssettag $0x0;
	lr =	simm.s32 $0x1  }
0x2: {  	[smem:$0x3F95] =	sst lr;
	_ =	strace $0xD0000000  }
0x3: {  	_ = 	snop  }
0x4: {  	_ = 	snop  }
0x5: {  	_ = 	snop  }
0x6: {  	_ = 	snop  }
0x7: {  	_ = 	snop  }
__scs_overlays_trampoline_lowered:
0x8: {  	[smem:$0x3FA4] =	sst s0  }
0x9: {  	[smem:$0x3FA5] =	sst s1  }
0xa: {  	[smem:$0x3FA6] =	sst s2  }
0xb: {  	[smem:$0x3FA7] =	sst s3  }
0xc: {  	[smem:$0x3FA8] =	sst s4  }
0xd: {  	[smem:$0x3FA9] =	sst s5  }
0xe: {  	[smem:$0x3FAA] =	sst s6  }
0xf: {  	[smem:$0x3FAB] =	sst s7  }
0x10: {  	[smem:$0x3FAC] =	sst s8  }
0x11: {  	[smem:$0x3FAD] =	sst s9;
	s0 =	simm.s32 @!p0 $0x0  }
0x12: {  	s1 =	sld [smem:$0x3F93];
	s0 =	simm.s32 @p0 $0x1  }
0x13: {  	[smem:$0x3FAE] =	sst s0;
	s0 =	simm.s32 @!p1 $0x0  }
0x14: {  	s2 =	sld [smem:$0x3F92];
	s0 =	simm.s32 @p1 $0x1  }
0x15: {  	[smem:$0x3FAF] =	sst s0;
	s0 =	simm.s32 @!p2 $0x0  }
0x16: {  	s3 =	sld [smem:$0x3FDB];
	s0 =	simm.s32 @p2 $0x1  }
0x17: {  	s4 =	simm.s32 $0x1BF5;
	[smem:$0x3FB1] =	sst s0  }
0x18: {  	s0 =	sld [smem:$0x3F94];
	_ =	swait.ge [sflag:s4], $0x0  }
0x19: {  	s7 =	sld [smem:$0x3F95]  }
0x1a: {  	s8 =	sadd.s32 $0xFFFFE003, lr  }
0x1b: {  	s9 =	sadd.s32 $0xFFFFFEF7, lr;
	s5 =	simm.s32 $0xFFFFFFFF;
	p2 =	slt.u32 s8, $0xFFFFF086  }
0x1c: {  	p1 =	slt.u32 s9, $0xF7A;
	s5 =	simm.s32 @!p2 $0x0  }
0x1d: {  	s5 =	simm.s32 @p1 $0x1;
	p0 =	seq.s32 s7, s2  }
0x1e: {  	s7 =	smul.u32 @!p0 $0xF7A, s2;
	p2 =	seq.s32 @!p0 s5, $0x0  }
0x1f: {  	s9 =	smul.u32 $0xF7A, s1;
	s8 =	simm.s32 @!p0 $0x1BF5;
	p2 =	por !p2, p0  }
0x20: {  	[sflag:s8] =	ssyncset.s32 @!p0 $0xFFFFF086;
	s6 =	sadd.s32 @!p0 s3, s7;
	s7 =	simm.s32 @!p0 $0x108  }
0x21: {  	s3 =	sadd.s32 s3, s9;
	s6 =	sadd.s32 @!p0 $0x88, s6;
	s7 =	simm.s32 @p2 $0x1082  }
0x22: {  	[simem:s7], [sflag:s8] =	dma.local @!p0 [hbm:s6], $0xF7A  }
0x23: {  	s9 =	sor.u32 $0xD0000000, s2;
	s6 =	simm.s32 $0x108;
	_ =	swait.ge @!p0 [sflag:s8], $0x0  }
0x24: {  	s3 =	sadd.s32 $0x88, s3;
	s6 =	simm.s32 @!p1 $0x1082;
	[sflag:s4] =	ssyncset.s32 $0xFFFFF086  }
0x25: {  	[simem:s6], [sflag:s4] =	dma.local [hbm:s3], $0xF7A  }
0x26: {  	[smem:$0x3F95] =	sst s1;
	(tag) =	ssettag s2;
	_ =	strace s9  }
0x27: {  	s1 =	sld [smem:$0x3FA5]  }
0x28: {  	s2 =	sld [smem:$0x3FA6]  }
0x29: {  	s4 =	sld [smem:$0x3FA8]  }
0x2a: {  	p0 =	seq.s32 s5, $0x0;
	s5 =	sld [smem:$0x3FA9]  }
0x2b: {  	s6 =	sld [smem:$0x3FAA]  }
0x2c: {  	s7 =	sld [smem:$0x3FAB]  }
0x2d: {  	s3 =	simm.s32 $0x108;
	s8 =	sld [smem:$0x3FAC]  }
0x2e: {  	s3 =	simm.s32 @!p0 $0x1082;
	s9 =	sld [smem:$0x3FAD]  }
0x2f: {  	lr =	sadd.s32 s0, s3;
	s0 =	sld [smem:$0x3FA4]  }
0x30: {  	s3 =	sld [smem:$0x3FA7]  }
0x31: {  	[smem:$0x3FB0] =	sst s10  }
0x32: {  	s10 =	sld [smem:$0x3FAE];
	_ =	sdelay $0x3  }
0x33: {  	p0 =	seq.s32 s10, $0x1;
	s10 =	sld [smem:$0x3FB0];
	_ =	sdelay $0x3  }
0x34: {  	[smem:$0x3FB0] =	sst s10  }
0x35: {  	s10 =	sld [smem:$0x3FAF];
	_ =	sdelay $0x3  }
0x36: {  	p1 =	seq.s32 s10, $0x1;
	s10 =	sld [smem:$0x3FB0];
	_ =	sdelay $0x3  }
0x37: {  	[smem:$0x3FB0] =	sst s10  }
0x38: {  	s10 =	sld [smem:$0x3FB1]  }
0x39: {  	_ = 	snop;
	(pc) =	sbr.ind lr, $3  }
0x3a: {  	_ = 	snop  }
0x3b: {  	_ = 	snop  }
0x3c: {  	p2 =	seq.s32 s10, $0x1;
	s10 =	sld [smem:$0x3FB0]  }
0x3d: {  	_ =	shalt  }
0x3e: {  	_ =	shalt  }
0x3f: {  	_ =	shalt  }
0x40: {  	_ =	shalt  }
0x41: {  	_ =	shalt  }
0x42: {  	_ =	shalt  }
0x43: {  	_ =	shalt  }
0x44: {  	_ =	shalt  }
0x45: {  	_ =	shalt  }
0x46: {  	_ =	shalt  }
0x47: {  	_ =	shalt  }
0x48: {  	_ =	shalt  }
0x49: {  	_ =	shalt  }
0x4a: {  	_ =	shalt  }
0x4b: {  	_ =	shalt  }
0x4c: {  	_ =	shalt  }
0x4d: {  	_ =	shalt  }
0x4e: {  	_ =	shalt  }
0x4f: {  	_ =	shalt  }
0x50: {  	_ =	shalt  }
0x51: {  	_ =	shalt  }
0x52: {  	_ =	shalt  }
0x53: {  	_ =	shalt  }
0x54: {  	_ =	shalt  }
0x55: {  	_ =	shalt  }
0x56: {  	_ =	shalt  }
0x57: {  	_ =	shalt  }
0x58: {  	_ =	shalt  }
0x59: {  	_ =	shalt  }
0x5a: {  	_ =	shalt  }
0x5b: {  	_ =	shalt  }
0x5c: {  	_ =	shalt  }
0x5d: {  	_ =	shalt  }
0x5e: {  	_ =	shalt  }
0x5f: {  	_ =	shalt  }
0x60: {  	_ =	shalt  }
0x61: {  	_ =	shalt  }
0x62: {  	_ =	shalt  }
0x63: {  	_ =	shalt  }
0x64: {  	_ =	shalt  }
0x65: {  	_ =	shalt  }
0x66: {  	_ =	shalt  }
0x67: {  	_ =	shalt  }
0x68: {  	_ =	shalt  }
0x69: {  	_ =	shalt  }
0x6a: {  	_ =	shalt  }
0x6b: {  	_ =	shalt  }
0x6c: {  	_ =	shalt  }
0x6d: {  	_ =	shalt  }
0x6e: {  	_ =	shalt  }
0x6f: {  	_ =	shalt  }
0x70: {  	_ =	shalt  }
0x71: {  	_ =	shalt  }
0x72: {  	_ =	shalt  }
0x73: {  	_ =	shalt  }
0x74: {  	_ =	shalt  }
0x75: {  	_ =	shalt  }
0x76: {  	_ =	shalt  }
0x77: {  	_ =	shalt  }
0x78: {  	_ =	shalt  }
0x79: {  	_ =	shalt  }
0x7a: {  	_ =	shalt  }
0x7b: {  	_ =	shalt  }
0x7c: {  	_ =	shalt  }
0x7d: {  	_ =	shalt  }
0x7e: {  	_ =	shalt  }
0x7f: {  	_ =	shalt  }
0x80: {  	_ =	shalt  }
0x81: {  	_ =	shalt  }
0x82: {  	_ =	shalt  }
0x83: {  	_ =	shalt  }
0x84: {  	_ =	shalt  }
0x85: {  	_ =	shalt  }
0x86: {  	_ =	shalt  }
0x87: {  	_ =	shalt  }
.Lfunc_end0:
.L_simem_size_0:
called_computation_lowered:
.L_overlay_start_0:
0x88: {  	s2 =	sld [smem:$0x3FD9]  }
0x89: {  	s3 =	sld [smem:$0x3FFE];
	_ =	sdelay $0x1  }
0x8a: {  	s1 =	srdreg.scid  }
0x8b: {  	s0 =	sand.u32 $0x1, s1  }
0x8c: {  	s17 =	sshll.u32 s0, $0xA;
	s2 =	sadd.s32 s3, s2  }
0x8d: {  	s2 =	sadd.s32 s2, s17  }
0x8e: {  	[smem:$0x3FBC] =	sst s2  }
0x8f: {  	_ = 	snop  }
0x90: {  	s2 =	sld [smem:$0x3FD0];
	(tm) =	ssettm $0x1  }
0x91: {  	s18 =	sld [smem:$0x3FFB];
	_ =	sdelay $0x3  }
0x92: {  	_ =	strace s18  }
0x93: {  	s3 =	sld [smem:$0x3FFC];
	_ =	sdelay $0x3  }
0x94: {  	_ =	strace s3  }
0x95: {  	s3 =	sld [smem:$0x3FFD];
	_ =	sdelay $0x3  }
0x96: {  	_ =	strace s3  }
0x97: {  	_ =	strace $0x8FFFFFFF  }
0x98: {  	s19 =	sld [smem:$0x3FDB];
	_ =	sdelay $0x1  }
0x99: {  	s4 =	simm.s32 $_scs_section_size  }
0x9a: {  	s5 =	simm.s32 $_size__tile_overlayer_lowered;
	s6 =	simm.s32 $_tile_overlayer_lowered  }
0x9b: {  	s22 =	simm.s32 $0x1BFF;
	s21 =	sshll.u32 s6, $0x1;
	s3 =	sadd.s32 s4, s19  }
0x9c: {  	s7 =	simm.s32 $0x0;
	s20 =	sshll.u32 s5, $0x1;
	s5 =	sadd.s32 s21, s3  }
0x9d: {  	[timem:s7], [sflag:s22] =	dma.local [hbm:s5], s20  }
0x9e: {  	_ =	swait.ge [sflag:s22], s20  }
0x9f: {  	s4 =	ssub.s32 $0x0, s20;
	[sflag:s22] =	ssyncset.done $0x0  }
0xa0: {  	[sflag:s22] =	ssyncadd.s32 s4;
	_ =	sdelay $0x1  }
0xa1: {  	s23 =	simm.s32 $0x1B8B  }
0xa2: {  	_ =	swait.ge [sflag:s23], $0x1  }
0xa3: {  	[sflag:s23] =	ssyncset.done $0x0  }
0xa4: {  	s25 =	simm.s32 $0x1B8E;
	s24 =	sld [smem:$0x3FFE];
	[sflag:s23] =	ssyncadd.s32 $0xFFFFFFFF  }
0xa5: {  	s26 =	simm.s32 $execute0_lowered;
	[smem:$0x3FD2] =	sst s25  }
0xa6: {  	s5 =	sshll.u32 s26, $0x1;
	_ =	strace $0x80000046;
	[dreg:$0x1] =	wrdreg $0xFFFFFFFF  }
0xa7: {  	s28 =	simm.s32 $_size_execute0_lowered;
	s3 =	sadd.s32 s3, s5;
	[dreg:$0x0] =	wrdreg $0x0  }
0xa8: {  	s5 =	sshll.u32 s28, $0x1;
	[dreg:$0x2] =	wrdreg s3  }
0xa9: {  	[dreg:$0x3] =	wrdreg s5  }
0xaa: {  	[dreg:$0x4] =	wrdreg $0xC0  }
0xab: {  	_ =	task [dreg:s7], $0x5FFFF  }
0xac: {  	[dreg:$0x1] =	wrdreg $0xFFFFFFFF  }
0xad: {  	[dreg:$0x0] =	wrdreg $0x60  }
0xae: {  	[dreg:$0x2] =	wrdreg s2  }
0xaf: {  	[dreg:$0x3] =	wrdreg s24  }
0xb0: {  	[dreg:$0x4] =	wrdreg $0x9  }
0xb1: {  	_ =	task.clear_ibuf [dreg:s7], $0x5FFFF;
	_ =	strace $0x90000046  }
0xb2: {  	s29 =	simm.s32 $0x9;
	_ =	strace $0x80000048  }
0xb3: {  	_ =	swait.ge [sflag:s29], $0x1  }
0xb4: {  	[sflag:s29] =	ssyncadd.s32 $0xFFFFFFFF  }
0xb5: {  	_ =	strace $0x90000048  }
0xb6: {  	_ =	sfence  }
0xb7: {  	s30 =	sld [smem:$0x0];
	_ =	sdelay $0x2  }
0xb8: {  	s31 =	sshll.u32 s1, $0xD;
	s1 =	sshrl.u32 s1, $0x2  }
0xb9: {  	s3 =	sand.u32 $0x4000, s31;
	s1 =	sadd.s32 s1, s30  }
0xba: {  	s0 =	sor.u32 s3, s0;
	s1 =	sshll.u32 s1, $0x11  }
0xbb: {  	s0 =	sor.u32 s1, s0  }
0xbc: {  	s0 =	sadd.s32 $0x8F2B, s0  }
0xbd: {  	[sflag:s0] =	ssyncadd.remote.s32 $0x1  }
0xbe: {  	_ =	sfence.sel $0xFFFF  }
0xbf: {  	[dreg:$0x0] =	wrdreg $0xFFFFFFFF;
	(pc) =	sbr.abs _section_cstart, $3  }
0xc0: {  	[dreg:$0x1] =	wrdreg $0xFFFFFFFF  }
0xc1: {  	_ =	task.clear_ibuf [dreg:s7], $0x2FFFF;
	_ =	strace $0x9FFFFFFF  }
0xc2: {  	(tm) =	ssettm $0x7FFFFFFF  }
0xc3: {  	_ =	shalt  }
tec
execute0_lowered:
.L_overlay_start_1:
0x0: {  	(tag) =	ssettag $0x1  }
0x1: {  	s0 =	rddreg [dreg:$0x1];
	s2 =	simm.s32 $0x0;
	s1 =	srdreg.scid  }
0x2: {  	s5 =	stileid.u32;
	s11 =	simm.s32 $0x2;
	s17 =	simm.s32 $0xBD00  }
0x3: {  	s18 =	simm.s32 $0xC100;
	s19 =	simm.s32 $0xC900;
	s20 =	simm.s32 $0xCD00  }
0x4: {  	s21 =	simm.s32 $0xD500;
	s22 =	simm.s32 $0xD900;
	s23 =	simm.s32 $0xE100  }
0x5: {  	s24 =	simm.s32 $0xE500;
	s28 =	simm.s32 $0xF900;
	s29 =	simm.s32 $0xFD00  }
0x6: {  	s30 =	simm.s32 $0x10500;
	s31 =	simm.s32 $0x10900;
	s8 =	simm.s32 $0x11D00  }
0x7: {  	s10 =	simm.s32 $0x0;
	[smem:$0x7FF] =	sst s2;
	s1 =	sand.u32 $0x1, s1  }
0x8: {  	s4 =	sadd.s32 $0xC2200, s0;
	s6 =	sshll.u32 s5, $0x1;
	s5 =	sadd.s32 $0x182C00, s0  }
0x9: {  	s7 =	sadd.s32 $0xC2300, s0;
	s0 =	simm.s32 $0x11100;
	s25 =	ssub.s32 $0x2, s1  }
0xa: {  	v2 =	vlaneseq.u32;
	_ =	strace $0x80000047;
	s1 =	sor.u32 s1, s6;
	s3 =	sshrl.u32 s25, $0x1  }
0xb: {  	v0 =	vand.u32 $0x7, v2;
	s6 =	smul.u32 $0x14, s1;
	s1 =	simm.s32 $0x1;
	s2 =	ssub.s32 s25, s3  }
0xc: {  	v1 =	vshrl.u32 v2, $0x3;
	v63 =	vor.u32 $0x8, v2;
	[tilespmem:$0x1FFE0] =	vst v0;
	s25 =	simm.s32 $0xED00;
	s3 =	simm.s32 $0x11500;
	s26 =	smax.u32 s2, $0x1  }
0xd: {  	vm0 =	vmmov $0xffff;
	vm1 =	vmmov $0xff;
	v23 =	vmul.u32 $0x8, v1;
	[tilespmem:$0x1FFF0] =	vst v63;
	s2 =	simm.s32 $0x12100;
	[dreg:$0x3] =	wrdreg s26;
	s26 =	simm.s32 $0xF100  }
.LBB2_1:
0xe: {  	[dreg:$0x4] =	wrdreg s10;
	s9 =	simm.s32 $0x0  }
.LBB2_2:
0xf: {  	s10 =	sadd.s32 s6, s9  }
0x10: {  	s12 =	sshll.u32 s10, $0x4  }
0x11: {  	s14 =	rddreg [dreg:$0x0];
	s13 =	sshll.u32 s10, $0x5;
	s12 =	sand.u32 $0x70, s12  }
0x12: {  	s16 =	simm.s32 $0x80;
	s13 =	sand.u32 $0xFFFFF00, s13;
	s12 =	sadd.s32 s14, s12  }
0x13: {  	s15 =	simm.s32 $0x400;
	s13 =	sadd.s32 s13, s12;
	s12 =	simm.s32 $0x0  }
0x14: {  	[tilespmem:s12], [sflag:$0x2] =	stream.strided.gather [hbm4b:s13+s16], $0x100, s15, s16, $0x38;
	[tilespmem:$0x15100] =	vst v63  }
0x15: {  	_ =	swait.ge [sflag:s11], $0x100  }
0x16: {  	[sflag:s11] =	ssyncset.done $0x0  }
0x17: {  	[sflag:s11] =	ssyncadd.s32 $0xFFFFFF00  }
0x18: {  	v3 =	vld [tilespmem:$0x0];
	_ =	sdelay $0x3  }
0x19: {  	v0 =	vld [tilespmem:$0x1FFE0]  }
0x1a: {  	v4 =	vshrl.u32 v3, $0x3  }
0x1b: {  	v4 =	vmul.u32 $0x18, v4  }
0x1c: {  	v3 =	vand.u32 $0x7, v3  }
0x1d: {  	v1 =	vld [tilespmem:$0x1FFF0];
	v3 =	vor.u32 v3, v4  }
0x1e: {  	v4 =	vperm.xlane v3, v0;
	_ =	sdelay $0x1  }
0x1f: {  	v4 =	vadd.s32 v23, v4;
	_ =	sdelay $0x1  }
0x20: {  	v3 =	vperm.xlane v3, v1;
	_ =	sdelay $0x1  }
0x21: {  	s14 =	simm.s32 $0x100;
	v3 =	vadd.s32 v23, v3  }
0x22: {  	[tilespmem:s14], [sflag:$0x1] =	stream.indirect_vreg.gather [hbm4b:s4+s12], $0x80, v4, vm0, $0xb8;
	[tilespmem:$0x15100] =	vst v63  }
0x23: {  	s15 =	simm.s32 $0x900  }
0x24: {  	[tilespmem:s15], [sflag:$0x1] =	stream.indirect_vreg.gather [hbm4b:s7+s12], $0x80, v4, vm1, $0xb8;
	[tilespmem:$0x15100] =	vst v63  }
0x25: {  	s16 =	simm.s32 $0xD00  }
0x26: {  	[tilespmem:s16], [sflag:$0x1] =	stream.indirect_vreg.gather [hbm4b:s4+s12], $0x80, v3, vm0, $0xb8;
	[tilespmem:$0x15100] =	vst v63  }
0x27: {  	s14 =	simm.s32 $0x1500  }
0x28: {  	[tilespmem:s14], [sflag:$0x1] =	stream.indirect_vreg.gather [hbm4b:s7+s12], $0x80, v3, vm1, $0xb8;
	[tilespmem:$0x15100] =	vst v63  }
0x29: {  	v3 =	vld [tilespmem:$0x10];
	_ =	sdelay $0x4  }
0x2a: {  	v4 =	vshrl.u32 v3, $0x3  }
0x2b: {  	v4 =	vmul.u32 $0x18, v4  }
0x2c: {  	v3 =	vand.u32 $0x7, v3  }
0x2d: {  	v3 =	vor.u32 v3, v4  }
0x2e: {  	v4 =	vperm.xlane v3, v0;
	_ =	sdelay $0x1  }
0x2f: {  	v4 =	vadd.s32 v23, v4;
	_ =	sdelay $0x1  }
0x30: {  	v3 =	vperm.xlane v3, v1;
	_ =	sdelay $0x1  }
0x31: {  	s15 =	simm.s32 $0x1900;
	v3 =	vadd.s32 v23, v3  }
0x32: {  	[tilespmem:s15], [sflag:$0x1] =	stream.indirect_vreg.gather [hbm4b:s4+s12], $0x80, v4, vm0, $0xb8;
	[tilespmem:$0x15100] =	vst v63  }
0x33: {  	s16 =	simm.s32 $0x2100  }
0x34: {  	[tilespmem:s16], [sflag:$0x1] =	stream.indirect_vreg.gather [hbm4b:s7+s12], $0x80, v4, vm1, $0xb8;
	[tilespmem:$0x15100] =	vst v63  }
0x35: {  	s14 =	simm.s32 $0x2500  }
0x36: {  	[tilespmem:s14], [sflag:$0x1] =	stream.indirect_vreg.gather [hbm4b:s4+s12], $0x80, v3, vm0, $0xb8;
	[tilespmem:$0x15100] =	vst v63  }
0x37: {  	s15 =	simm.s32 $0x2D00  }
0x38: {  	[tilespmem:s15], [sflag:$0x1] =	stream.indirect_vreg.gather [hbm4b:s7+s12], $0x80, v3, vm1, $0xb8;
	[tilespmem:$0x15100] =	vst v63  }
0x39: {  	v3 =	vld [tilespmem:$0x20];
	_ =	sdelay $0x4  }
0x3a: {  	v4 =	vshrl.u32 v3, $0x3  }
0x3b: {  	v4 =	vmul.u32 $0x18, v4  }
0x3c: {  	v3 =	vand.u32 $0x7, v3  }
0x3d: {  	v3 =	vor.u32 v3, v4  }
0x3e: {  	v4 =	vperm.xlane v3, v0;
	_ =	sdelay $0x1  }
0x3f: {  	v4 =	vadd.s32 v23, v4;
	_ =	sdelay $0x1  }
0x40: {  	v3 =	vperm.xlane v3, v1;
	_ =	sdelay $0x1  }
0x41: {  	s16 =	simm.s32 $0x3100;
	v3 =	vadd.s32 v23, v3  }
0x42: {  	[tilespmem:s16], [sflag:$0x1] =	stream.indirect_vreg.gather [hbm4b:s4+s12], $0x80, v4, vm0, $0xb8;
	[tilespmem:$0x15100] =	vst v63  }
0x43: {  	s14 =	simm.s32 $0x3900  }
0x44: {  	[tilespmem:s14], [sflag:$0x1] =	stream.indirect_vreg.gather [hbm4b:s7+s12], $0x80, v4, vm1, $0xb8;
	[tilespmem:$0x15100] =	vst v63  }
0x45: {  	s15 =	simm.s32 $0x3D00  }
0x46: {  	[tilespmem:s15], [sflag:$0x1] =	stream.indirect_vreg.gather [hbm4b:s4+s12], $0x80, v3, vm0, $0xb8;
	[tilespmem:$0x15100] =	vst v63  }
0x47: {  	s16 =	simm.s32 $0x4500  }
0x48: {  	[tilespmem:s16], [sflag:$0x1] =	stream.indirect_vreg.gather [hbm4b:s7+s12], $0x80, v3, vm1, $0xb8;
	[tilespmem:$0x15100] =	vst v63  }
0x49: {  	v3 =	vld [tilespmem:$0x30];
	_ =	sdelay $0x4  }
0x4a: {  	v4 =	vshrl.u32 v3, $0x3  }
0x4b: {  	v4 =	vmul.u32 $0x18, v4  }
0x4c: {  	v3 =	vand.u32 $0x7, v3  }
0x4d: {  	v3 =	vor.u32 v3, v4  }
0x4e: {  	v4 =	vperm.xlane v3, v0;
	_ =	sdelay $0x1  }
0x4f: {  	v4 =	vadd.s32 v23, v4;
	_ =	sdelay $0x1  }
0x50: {  	v3 =	vperm.xlane v3, v1;
	_ =	sdelay $0x1  }
0x51: {  	s14 =	simm.s32 $0x4900;
	v3 =	vadd.s32 v23, v3  }
0x52: {  	[tilespmem:s14], [sflag:$0x1] =	stream.indirect_vreg.gather [hbm4b:s4+s12], $0x80, v4, vm0, $0xb8;
	[tilespmem:$0x15100] =	vst v63  }
0x53: {  	s15 =	simm.s32 $0x5100  }
0x54: {  	[tilespmem:s15], [sflag:$0x1] =	stream.indirect_vreg.gather [hbm4b:s7+s12], $0x80, v4, vm1, $0xb8;
	[tilespmem:$0x15100] =	vst v63  }
0x55: {  	s16 =	simm.s32 $0x5500  }
0x56: {  	[tilespmem:s16], [sflag:$0x1] =	stream.indirect_vreg.gather [hbm4b:s4+s12], $0x80, v3, vm0, $0xb8;
	[tilespmem:$0x15100] =	vst v63  }
0x57: {  	s14 =	simm.s32 $0x5D00  }
0x58: {  	[tilespmem:s14], [sflag:$0x1] =	stream.indirect_vreg.gather [hbm4b:s7+s12], $0x80, v3, vm1, $0xb8;
	[tilespmem:$0x15100] =	vst v63  }
0x59: {  	v3 =	vld [tilespmem:$0x40];
	_ =	sdelay $0x4  }
0x5a: {  	v4 =	vshrl.u32 v3, $0x3  }
0x5b: {  	v4 =	vmul.u32 $0x18, v4  }
0x5c: {  	v3 =	vand.u32 $0x7, v3  }
0x5d: {  	v3 =	vor.u32 v3, v4  }
0x5e: {  	v4 =	vperm.xlane v3, v0;
	_ =	sdelay $0x1  }
0x5f: {  	v4 =	vadd.s32 v23, v4;
	_ =	sdelay $0x1  }
0x60: {  	v3 =	vperm.xlane v3, v1;
	_ =	sdelay $0x1  }
0x61: {  	s15 =	simm.s32 $0x6100;
	v3 =	vadd.s32 v23, v3  }
0x62: {  	[tilespmem:s15], [sflag:$0x1] =	stream.indirect_vreg.gather [hbm4b:s4+s12], $0x80, v4, vm0, $0xb8;
	[tilespmem:$0x15100] =	vst v63  }
0x63: {  	s16 =	simm.s32 $0x6900  }
0x64: {  	[tilespmem:s16], [sflag:$0x1] =	stream.indirect_vreg.gather [hbm4b:s7+s12], $0x80, v4, vm1, $0xb8;
	[tilespmem:$0x15100] =	vst v63  }
0x65: {  	s14 =	simm.s32 $0x6D00  }
0x66: {  	[tilespmem:s14], [sflag:$0x1] =	stream.indirect_vreg.gather [hbm4b:s4+s12], $0x80, v3, vm0, $0xb8;
	[tilespmem:$0x15100] =	vst v63  }
0x67: {  	s15 =	simm.s32 $0x7500  }
0x68: {  	[tilespmem:s15], [sflag:$0x1] =	stream.indirect_vreg.gather [hbm4b:s7+s12], $0x80, v3, vm1, $0xb8;
	[tilespmem:$0x15100] =	vst v63  }
0x69: {  	v3 =	vld [tilespmem:$0x50];
	_ =	sdelay $0x4  }
0x6a: {  	v4 =	vshrl.u32 v3, $0x3  }
0x6b: {  	v4 =	vmul.u32 $0x18, v4  }
0x6c: {  	v3 =	vand.u32 $0x7, v3  }
0x6d: {  	v3 =	vor.u32 v3, v4  }
0x6e: {  	v4 =	vperm.xlane v3, v0;
	_ =	sdelay $0x1  }
0x6f: {  	v4 =	vadd.s32 v23, v4;
	_ =	sdelay $0x1  }
0x70: {  	v3 =	vperm.xlane v3, v1;
	_ =	sdelay $0x1  }
0x71: {  	s16 =	simm.s32 $0x7900;
	v3 =	vadd.s32 v23, v3  }
0x72: {  	[tilespmem:s16], [sflag:$0x1] =	stream.indirect_vreg.gather [hbm4b:s4+s12], $0x80, v4, vm0, $0xb8;
	[tilespmem:$0x15100] =	vst v63  }
0x73: {  	s14 =	simm.s32 $0x8100  }
0x74: {  	[tilespmem:s14], [sflag:$0x1] =	stream.indirect_vreg.gather [hbm4b:s7+s12], $0x80, v4, vm1, $0xb8;
	[tilespmem:$0x15100] =	vst v63  }
0x75: {  	s15 =	simm.s32 $0x8500  }
0x76: {  	[tilespmem:s15], [sflag:$0x1] =	stream.indirect_vreg.gather [hbm4b:s4+s12], $0x80, v3, vm0, $0xb8;
	[tilespmem:$0x15100] =	vst v63  }
0x77: {  	s16 =	simm.s32 $0x8D00  }
0x78: {  	[tilespmem:s16], [sflag:$0x1] =	stream.indirect_vreg.gather [hbm4b:s7+s12], $0x80, v3, vm1, $0xb8;
	[tilespmem:$0x15100] =	vst v63  }
0x79: {  	v3 =	vld [tilespmem:$0x60];
	_ =	sdelay $0x4  }
0x7a: {  	v4 =	vshrl.u32 v3, $0x3  }
0x7b: {  	v4 =	vmul.u32 $0x18, v4  }
0x7c: {  	v3 =	vand.u32 $0x7, v3  }
0x7d: {  	v3 =	vor.u32 v3, v4  }
0x7e: {  	v4 =	vperm.xlane v3, v0;
	_ =	sdelay $0x1  }
0x7f: {  	v4 =	vadd.s32 v23, v4;
	_ =	sdelay $0x1  }
0x80: {  	v3 =	vperm.xlane v3, v1;
	_ =	sdelay $0x1  }
0x81: {  	s14 =	simm.s32 $0x9100;
	v3 =	vadd.s32 v23, v3  }
0x82: {  	[tilespmem:s14], [sflag:$0x1] =	stream.indirect_vreg.gather [hbm4b:s4+s12], $0x80, v4, vm0, $0xb8;
	[tilespmem:$0x15100] =	vst v63  }
0x83: {  	s15 =	simm.s32 $0x9900  }
0x84: {  	[tilespmem:s15], [sflag:$0x1] =	stream.indirect_vreg.gather [hbm4b:s7+s12], $0x80, v4, vm1, $0xb8;
	[tilespmem:$0x15100] =	vst v63  }
0x85: {  	s16 =	simm.s32 $0x9D00  }
0x86: {  	[tilespmem:s16], [sflag:$0x1] =	stream.indirect_vreg.gather [hbm4b:s4+s12], $0x80, v3, vm0, $0xb8;
	[tilespmem:$0x15100] =	vst v63  }
0x87: {  	s14 =	simm.s32 $0xA500  }
0x88: {  	[tilespmem:s14], [sflag:$0x1] =	stream.indirect_vreg.gather [hbm4b:s7+s12], $0x80, v3, vm1, $0xb8;
	[tilespmem:$0x15100] =	vst v63  }
0x89: {  	v3 =	vld [tilespmem:$0x70];
	_ =	sdelay $0x4  }
0x8a: {  	v4 =	vshrl.u32 v3, $0x3  }
0x8b: {  	v4 =	vmul.u32 $0x18, v4  }
0x8c: {  	v3 =	vand.u32 $0x7, v3  }
0x8d: {  	v3 =	vor.u32 v3, v4  }
0x8e: {  	v4 =	vperm.xlane v3, v0;
	_ =	sdelay $0x1  }
0x8f: {  	v4 =	vadd.s32 v23, v4;
	_ =	sdelay $0x1  }
0x90: {  	v3 =	vperm.xlane v3, v1;
	_ =	sdelay $0x1  }
0x91: {  	s15 =	simm.s32 $0xA900;
	v3 =	vadd.s32 v23, v3  }
0x92: {  	[tilespmem:s15], [sflag:$0x1] =	stream.indirect_vreg.gather [hbm4b:s4+s12], $0x80, v4, vm0, $0xb8;
	[tilespmem:$0x15100] =	vst v63  }
0x93: {  	s16 =	simm.s32 $0xB100  }
0x94: {  	[tilespmem:s16], [sflag:$0x1] =	stream.indirect_vreg.gather [hbm4b:s7+s12], $0x80, v4, vm1, $0xb8;
	[tilespmem:$0x15100] =	vst v63  }
0x95: {  	s14 =	simm.s32 $0xB500  }
0x96: {  	[tilespmem:s14], [sflag:$0x1] =	stream.indirect_vreg.gather [hbm4b:s4+s12], $0x80, v3, vm0, $0xb8;
	[tilespmem:$0x15100] =	vst v63  }
0x97: {  	_ = 	snop  }
0x98: {  	[tilespmem:s17], [sflag:$0x1] =	stream.indirect_vreg.gather [hbm4b:s7+s12], $0x80, v3, vm1, $0xb8;
	[tilespmem:$0x15100] =	vst v63  }
0x99: {  	v3 =	vld [tilespmem:$0x80];
	_ =	sdelay $0x4  }
0x9a: {  	v4 =	vshrl.u32 v3, $0x3  }
0x9b: {  	v4 =	vmul.u32 $0x18, v4  }
0x9c: {  	v3 =	vand.u32 $0x7, v3  }
0x9d: {  	v3 =	vor.u32 v3, v4  }
0x9e: {  	v4 =	vperm.xlane v3, v0;
	_ =	sdelay $0x1  }
0x9f: {  	v4 =	vadd.s32 v23, v4;
	_ =	sdelay $0x1  }
0xa0: {  	v3 =	vperm.xlane v3, v1;
	_ =	sdelay $0x1  }
0xa1: {  	v3 =	vadd.s32 v23, v3  }
0xa2: {  	[tilespmem:s18], [sflag:$0x1] =	stream.indirect_vreg.gather [hbm4b:s4+s12], $0x80, v4, vm0, $0xb8;
	[tilespmem:$0x15100] =	vst v63  }
0xa3: {  	_ = 	snop  }
0xa4: {  	[tilespmem:s19], [sflag:$0x1] =	stream.indirect_vreg.gather [hbm4b:s7+s12], $0x80, v4, vm1, $0xb8;
	[tilespmem:$0x15100] =	vst v63  }
0xa5: {  	_ = 	snop  }
0xa6: {  	[tilespmem:s20], [sflag:$0x1] =	stream.indirect_vreg.gather [hbm4b:s4+s12], $0x80, v3, vm0, $0xb8;
	[tilespmem:$0x15100] =	vst v63  }
0xa7: {  	_ = 	snop  }
0xa8: {  	[tilespmem:s21], [sflag:$0x1] =	stream.indirect_vreg.gather [hbm4b:s7+s12], $0x80, v3, vm1, $0xb8;
	[tilespmem:$0x15100] =	vst v63  }
0xa9: {  	v3 =	vld [tilespmem:$0x90];
	_ =	sdelay $0x4  }
0xaa: {  	v4 =	vshrl.u32 v3, $0x3  }
0xab: {  	v4 =	vmul.u32 $0x18, v4  }
0xac: {  	v3 =	vand.u32 $0x7, v3  }
0xad: {  	v3 =	vor.u32 v3, v4  }
0xae: {  	v4 =	vperm.xlane v3, v0;
	_ =	sdelay $0x1  }
0xaf: {  	v4 =	vadd.s32 v23, v4;
	_ =	sdelay $0x1  }
0xb0: {  	v3 =	vperm.xlane v3, v1;
	_ =	sdelay $0x1  }
0xb1: {  	v3 =	vadd.s32 v23, v3  }
0xb2: {  	[tilespmem:s22], [sflag:$0x1] =	stream.indirect_vreg.gather [hbm4b:s4+s12], $0x80, v4, vm0, $0xb8;
	[tilespmem:$0x15100] =	vst v63  }
0xb3: {  	_ = 	snop  }
0xb4: {  	[tilespmem:s23], [sflag:$0x1] =	stream.indirect_vreg.gather [hbm4b:s7+s12], $0x80, v4, vm1, $0xb8;
	[tilespmem:$0x15100] =	vst v63  }
0xb5: {  	_ = 	snop  }
0xb6: {  	[tilespmem:s24], [sflag:$0x1] =	stream.indirect_vreg.gather [hbm4b:s4+s12], $0x80, v3, vm0, $0xb8;
	[tilespmem:$0x15100] =	vst v63  }
0xb7: {  	_ = 	snop  }
0xb8: {  	[tilespmem:s25], [sflag:$0x1] =	stream.indirect_vreg.gather [hbm4b:s7+s12], $0x80, v3, vm1, $0xb8;
	[tilespmem:$0x15100] =	vst v63  }
0xb9: {  	v3 =	vld [tilespmem:$0xA0];
	_ =	sdelay $0x4  }
0xba: {  	v4 =	vshrl.u32 v3, $0x3  }
0xbb: {  	v4 =	vmul.u32 $0x18, v4  }
0xbc: {  	v3 =	vand.u32 $0x7, v3  }
0xbd: {  	v3 =	vor.u32 v3, v4  }
0xbe: {  	v4 =	vperm.xlane v3, v0;
	_ =	sdelay $0x1  }
0xbf: {  	v4 =	vadd.s32 v23, v4;
	_ =	sdelay $0x1  }
0xc0: {  	v3 =	vperm.xlane v3, v1;
	_ =	sdelay $0x1  }
0xc1: {  	v3 =	vadd.s32 v23, v3  }
0xc2: {  	[tilespmem:s26], [sflag:$0x1] =	stream.indirect_vreg.gather [hbm4b:s4+s12], $0x80, v4, vm0, $0xb8;
	[tilespmem:$0x15100] =	vst v63  }
0xc3: {  	_ = 	snop  }
0xc4: {  	[tilespmem:s28], [sflag:$0x1] =	stream.indirect_vreg.gather [hbm4b:s7+s12], $0x80, v4, vm1, $0xb8;
	[tilespmem:$0x15100] =	vst v63  }
0xc5: {  	_ = 	snop  }
0xc6: {  	[tilespmem:s29], [sflag:$0x1] =	stream.indirect_vreg.gather [hbm4b:s4+s12], $0x80, v3, vm0, $0xb8;
	[tilespmem:$0x15100] =	vst v63  }
0xc7: {  	_ = 	snop  }
0xc8: {  	[tilespmem:s30], [sflag:$0x1] =	stream.indirect_vreg.gather [hbm4b:s7+s12], $0x80, v3, vm1, $0xb8;
	[tilespmem:$0x15100] =	vst v63  }
0xc9: {  	v3 =	vld [tilespmem:$0xB0];
	_ =	sdelay $0x4  }
0xca: {  	v4 =	vshrl.u32 v3, $0x3  }
0xcb: {  	v4 =	vmul.u32 $0x18, v4  }
0xcc: {  	v3 =	vand.u32 $0x7, v3  }
0xcd: {  	v3 =	vor.u32 v3, v4  }
0xce: {  	v4 =	vperm.xlane v3, v0;
	_ =	sdelay $0x1  }
0xcf: {  	v4 =	vadd.s32 v23, v4;
	_ =	sdelay $0x1  }
0xd0: {  	v3 =	vperm.xlane v3, v1;
	_ =	sdelay $0x1  }
0xd1: {  	v3 =	vadd.s32 v23, v3  }
0xd2: {  	[tilespmem:s31], [sflag:$0x1] =	stream.indirect_vreg.gather [hbm4b:s4+s12], $0x80, v4, vm0, $0xb8;
	[tilespmem:$0x15100] =	vst v63  }
0xd3: {  	_ = 	snop  }
0xd4: {  	[tilespmem:s0], [sflag:$0x1] =	stream.indirect_vreg.gather [hbm4b:s7+s12], $0x80, v4, vm1, $0xb8;
	[tilespmem:$0x15100] =	vst v63  }
0xd5: {  	_ = 	snop  }
0xd6: {  	[tilespmem:s3], [sflag:$0x1] =	stream.indirect_vreg.gather [hbm4b:s4+s12], $0x80, v3, vm0, $0xb8;
	[tilespmem:$0x15100] =	vst v63  }
0xd7: {  	s15 =	simm.s32 $0x0  }
0xd8: {  	[tilespmem:s8], [sflag:$0x1] =	stream.indirect_vreg.gather [hbm4b:s7+s12], $0x80, v3, vm1, $0xb8;
	[tilespmem:$0x15100] =	vst v63  }
0xd9: {  	s13 =	smul.u32 $0xC00, s15;
	_ =	swait.ge [sflag:s1], $0x12000  }
0xda: {  	s12 =	sand.u32 $0x380, s12;
	[sflag:s1] =	ssyncset.done $0x0  }
0xdb: {  	s12 =	sor.u32 s12, s13;
	[sflag:s1] =	ssyncadd.s32 $0xFFFEE000  }
0xdc: {  	v0 =	vld [tilespmem:s12+$0x3130];
	_ =	sdelay $0x4  }
0xdd: {  	[tilespmem:$0x1FDB0] =	vst v0;
	v0 =	vld [tilespmem:s12+$0x140];
	_ =	sdelay $0x4  }
0xde: {  	[tilespmem:$0x1FDC0] =	vst v0;
	v0 =	vld [tilespmem:s12+$0x3140];
	_ =	sdelay $0x4  }
0xdf: {  	[tilespmem:$0x1FDD0] =	vst v0;
	v0 =	vld [tilespmem:s12+$0x150];
	_ =	sdelay $0x4  }
0xe0: {  	[tilespmem:$0x1FDE0] =	vst v0;
	v0 =	vld [tilespmem:s12+$0x160];
	_ =	sdelay $0x4  }
0xe1: {  	[tilespmem:$0x1FDF0] =	vst v0;
	v0 =	vld [tilespmem:s12+$0x6570];
	_ =	sdelay $0x4  }
0xe2: {  	[tilespmem:$0x1FE00] =	vst v0;
	v0 =	vld [tilespmem:s12+$0x6910];
	_ =	sdelay $0x4  }
0xe3: {  	[tilespmem:$0x1FE10] =	vst v0;
	v0 =	vld [tilespmem:s12+$0x6920];
	_ =	sdelay $0x4  }
0xe4: {  	[tilespmem:$0x1FE20] =	vst v0;
	v0 =	vld [tilespmem:s12+$0x6930];
	_ =	sdelay $0x3  }
0xe5: {  	v3 =	vld [tilespmem:s12+$0x970]  }
0xe6: {  	[tilespmem:$0x1FE30] =	vst v0;
	v0 =	vld [tilespmem:s12+$0x6940]  }
0xe7: {  	v4 =	vld [tilespmem:s12+$0x3970]  }
0xe8: {  	v7 =	vld [tilespmem:s12+$0x100]  }
0xe9: {  	v5 =	vld [tilespmem:s12+$0x6970]  }
0xea: {  	v14 =	vld [tilespmem:s12+$0x3100]  }
0xeb: {  	[tilespmem:$0x1FE50] =	vst v0;
	v0 =	vld [tilespmem:s12+$0x6950]  }
0xec: {  	v6 =	vld [tilespmem:s12+$0x9970]  }
0xed: {  	v17 =	vld [tilespmem:s12+$0x110]  }
0xee: {  	v18 =	vld [tilespmem:s12+$0x3110]  }
0xef: {  	v20 =	vld [tilespmem:s12+$0x120]  }
0xf0: {  	[tilespmem:$0x1FE70] =	vst v0;
	v0 =	vld [tilespmem:s12+$0x6960]  }
0xf1: {  	v21 =	vld [tilespmem:s12+$0x3120]  }
0xf2: {  	v22 =	vld [tilespmem:s12+$0x130]  }
0xf3: {  	v15 =	vld [tilespmem:s12+$0x3150]  }
0xf4: {  	v24 =	vld [tilespmem:s12+$0x3160]  }
0xf5: {  	[tilespmem:$0x1FE90] =	vst v0;
	v0 =	vld [tilespmem:s12+$0x9110]  }
0xf6: {  	v25 =	vld [tilespmem:s12+$0x170]  }
0xf7: {  	v26 =	vld [tilespmem:s12+$0x3170]  }
0xf8: {  	v27 =	vld [tilespmem:s12+$0x500]  }
0xf9: {  	v28 =	vld [tilespmem:s12+$0x3500]  }
0xfa: {  	[tilespmem:$0x1FE40] =	vst v0;
	v0 =	vld [tilespmem:s12+$0x9120]  }
0xfb: {  	v29 =	vld [tilespmem:s12+$0x510]  }
0xfc: {  	v30 =	vld [tilespmem:s12+$0x3510]  }
0xfd: {  	v31 =	vld [tilespmem:s12+$0x520]  }
0xfe: {  	v32 =	vld [tilespmem:s12+$0x3520]  }
0xff: {  	[tilespmem:$0x1FE60] =	vst v0;
	v0 =	vld [tilespmem:s12+$0x9130]  }
0x100: {  	v33 =	vld [tilespmem:s12+$0x530]  }
0x101: {  	v34 =	vld [tilespmem:s12+$0x3530]  }
0x102: {  	v35 =	vld [tilespmem:s12+$0x540]  }
0x103: {  	v36 =	vld [tilespmem:s12+$0x3540]  }
0x104: {  	[tilespmem:$0x1FE80] =	vst v0;
	v0 =	vld [tilespmem:s12+$0x9140]  }
0x105: {  	v37 =	vld [tilespmem:s12+$0x550]  }
0x106: {  	v38 =	vld [tilespmem:s12+$0x3550]  }
0x107: {  	v39 =	vld [tilespmem:s12+$0x560]  }
0x108: {  	v40 =	vld [tilespmem:s12+$0x3560]  }
0x109: {  	[tilespmem:$0x1FEA0] =	vst v0;
	v0 =	vld [tilespmem:s12+$0x9150]  }
0x10a: {  	v41 =	vld [tilespmem:s12+$0x570]  }
0x10b: {  	v42 =	vld [tilespmem:s12+$0x3570]  }
0x10c: {  	v43 =	vld [tilespmem:s12+$0x900]  }
0x10d: {  	v44 =	vld [tilespmem:s12+$0x3900]  }
0x10e: {  	[tilespmem:$0x1FEB0] =	vst v0;
	v0 =	vld [tilespmem:s12+$0x9160]  }
0x10f: {  	v45 =	vld [tilespmem:s12+$0x910]  }
0x110: {  	v46 =	vld [tilespmem:s12+$0x3910]  }
0x111: {  	v47 =	vld [tilespmem:s12+$0x920]  }
0x112: {  	v48 =	vld [tilespmem:s12+$0x3920]  }
0x113: {  	[tilespmem:$0x1FEC0] =	vst v0;
	v0 =	vld [tilespmem:s12+$0x9170]  }
0x114: {  	v49 =	vld [tilespmem:s12+$0x930]  }
0x115: {  	v50 =	vld [tilespmem:s12+$0x3930]  }
0x116: {  	v51 =	vld [tilespmem:s12+$0x940]  }
0x117: {  	v52 =	vld [tilespmem:s12+$0x3940]  }
0x118: {  	[tilespmem:$0x1FED0] =	vst v0;
	v0 =	vld [tilespmem:s12+$0x9500]  }
0x119: {  	v53 =	vld [tilespmem:s12+$0x950]  }
0x11a: {  	v54 =	vld [tilespmem:s12+$0x3950]  }
0x11b: {  	v55 =	vld [tilespmem:s12+$0x960]  }
0x11c: {  	v56 =	vld [tilespmem:s12+$0x3960]  }
0x11d: {  	[tilespmem:$0x1FEE0] =	vst v0;
	v0 =	vld [tilespmem:s12+$0x9510]  }
0x11e: {  	v57 =	vld [tilespmem:s12+$0x6100]  }
0x11f: {  	v58 =	vld [tilespmem:s12+$0x6110]  }
0x120: {  	v59 =	vld [tilespmem:s12+$0x6120]  }
0x121: {  	v60 =	vld [tilespmem:s12+$0x6130]  }
0x122: {  	[tilespmem:$0x1FEF0] =	vst v0;
	v0 =	vld [tilespmem:s12+$0x9520]  }
0x123: {  	v61 =	vld [tilespmem:s12+$0x6140]  }
0x124: {  	v62 =	vld [tilespmem:s12+$0x6150]  }
0x125: {  	v63 =	vld [tilespmem:s12+$0x6160]  }
0x126: {  	v9 =	vld [tilespmem:s12+$0x6510]  }
0x127: {  	[tilespmem:$0x1FF00] =	vst v0;
	v0 =	vld [tilespmem:s12+$0x9530]  }
0x128: {  	v8 =	vld [tilespmem:s12+$0x6520]  }
0x129: {  	v11 =	vld [tilespmem:s12+$0x6530]  }
0x12a: {  	v10 =	vld [tilespmem:s12+$0x6540]  }
0x12b: {  	v13 =	vld [tilespmem:s12+$0x6550]  }
0x12c: {  	[tilespmem:$0x1FF20] =	vst v0;
	v0 =	vld [tilespmem:s12+$0x9540]  }
0x12d: {  	v12 =	vld [tilespmem:s12+$0x6560]  }
0x12e: {  	v16 =	vld [tilespmem:s12+$0x6900]  }
0x12f: {  	v1 =	vld [tilespmem:s12+$0xC110]  }
0x130: {  	v2 =	vld [tilespmem:s12+$0xC120]  }
0x131: {  	[tilespmem:$0x1FF30] =	vst v0;
	v0 =	vld [tilespmem:s12+$0x9550]  }
0x132: {  	v3 =	vadd.f32 v4, v3;
	v4 =	vld [tilespmem:s12+$0xC970]  }
0x133: {  	v19 =	vadd.f32 v14, v7;
	v7 =	vld [tilespmem:s12+$0xC140]  }
0x134: {  	v25 =	vadd.f32 v26, v25;
	v26 =	vld [tilespmem:s12+$0xC170]  }
0x135: {  	v27 =	vadd.f32 v28, v27;
	v28 =	vadd.f32 v30, v29;
	v29 =	vld [tilespmem:s12+$0xC500]  }
0x136: {  	[tilespmem:$0x1FF40] =	vst v0;
	v0 =	vld [tilespmem:s12+$0x9560]  }
0x137: {  	v30 =	vadd.f32 v32, v31;
	v32 =	vld [tilespmem:s12+$0xC510]  }
0x138: {  	v31 =	vadd.f32 v34, v33;
	v33 =	vadd.f32 v36, v35;
	v35 =	vld [tilespmem:s12+$0xC520]  }
0x139: {  	v14 =	vld [tilespmem:$0x1FDB0]  }
0x13a: {  	v34 =	vadd.f32 v38, v37;
	v38 =	vld [tilespmem:s12+$0xC530]  }
0x13b: {  	[tilespmem:$0x1FF50] =	vst v0;
	v0 =	vld [tilespmem:s12+$0x9570]  }
0x13c: {  	v37 =	vadd.f32 v42, v41;
	v41 =	vld [tilespmem:s12+$0xC540]  }
0x13d: {  	v17 =	vadd.f32 v18, v17;
	v18 =	vadd.f32 v21, v20;
	v20 =	vld [tilespmem:$0x1FDC0]  }
0x13e: {  	v21 =	vadd.f32 v14, v22;
	v22 =	vld [tilespmem:$0x1FDD0]  }
0x13f: {  	v36 =	vadd.f32 v40, v39;
	v39 =	vadd.f32 v44, v43;
	v44 =	vld [tilespmem:s12+$0xC550]  }
0x140: {  	[tilespmem:$0x1FF60] =	vst v0;
	v0 =	vld [tilespmem:s12+$0x9900]  }
0x141: {  	v42 =	vadd.f32 v48, v47;
	v47 =	vld [tilespmem:s12+$0xC560]  }
0x142: {  	v43 =	vadd.f32 v50, v49;
	v49 =	vld [tilespmem:s12+$0xC570]  }
0x143: {  	v20 =	vadd.f32 v22, v20;
	v22 =	vld [tilespmem:$0x1FDE0]  }
0x144: {  	v50 =	vld [tilespmem:s12+$0xC900]  }
0x145: {  	[tilespmem:$0x1FF70] =	vst v0;
	v0 =	vld [tilespmem:s12+$0x9910]  }
0x146: {  	v40 =	vadd.f32 v46, v45;
	v45 =	vadd.f32 v52, v51;
	v51 =	vld [tilespmem:s12+$0xC910]  }
0x147: {  	v52 =	vld [tilespmem:s12+$0xC920]  }
0x148: {  	v22 =	vadd.f32 v15, v22;
	v15 =	vld [tilespmem:s12+$0xC160]  }
0x149: {  	v46 =	vadd.f32 v54, v53;
	v54 =	vld [tilespmem:s12+$0xF100]  }
0x14a: {  	[tilespmem:$0x1FF80] =	vst v0;
	v0 =	vld [tilespmem:s12+$0x9920]  }
0x14b: {  	v3 =	vadd.f32 v5, v3;
	v5 =	vld [tilespmem:s12+$0xF970]  }
0x14c: {  	v9 =	vadd.f32 v9, v28;
	v28 =	vld [tilespmem:s12+$0xC950]  }
0x14d: {  	[tilespmem:$0x1FF10] =	vst v15;
	v15 =	vld [tilespmem:$0x1FDF0]  }
0x14e: {  	v17 =	vadd.f32 v58, v17;
	v58 =	vld [tilespmem:s12+$0xF120]  }
0x14f: {  	v3 =	vadd.f32 v6, v3;
	[tilespmem:$0x1FF90] =	vst v0;
	v0 =	vld [tilespmem:s12+$0x9930]  }
0x150: {  	v6 =	vld [tilespmem:s12+$0x9100]  }
0x151: {  	v3 =	vadd.f32 v4, v3;
	v4 =	vld [tilespmem:s12+$0x6170]  }
0x152: {  	v24 =	vadd.f32 v24, v15;
	v15 =	vld [tilespmem:$0x1FE00]  }
0x153: {  	v14 =	vld [tilespmem:s12+$0xC150]  }
0x154: {  	[tilespmem:$0x1FFA0] =	vst v0;
	v0 =	vld [tilespmem:s12+$0x9940]  }
0x155: {  	v3 =	vadd.f32 v5, v3;
	v5 =	vld [tilespmem:s12+$0x6500]  }
0x156: {  	v19 =	vadd.f32 v57, v19;
	v21 =	vadd.f32 v60, v21;
	v60 =	vld [tilespmem:s12+$0xF140]  }
0x157: {  	v53 =	vadd.f32 v15, v37;
	v15 =	vld [tilespmem:$0x1FE10]  }
0x158: {  	v6 =	vadd.f32 v6, v19;
	v19 =	vld [tilespmem:s12+$0xF110]  }
0x159: {  	[tilespmem:$0x1FFB0] =	vst v0;
	v0 =	vld [tilespmem:s12+$0x9950]  }
0x15a: {  	[tilespmem:s12+$0x12970] =	vst v3;
	v3 =	vld [tilespmem:s12+$0xC130]  }
0x15b: {  	v4 =	vadd.f32 v4, v25;
	v25 =	vld [tilespmem:s12+$0xC930]  }
0x15c: {  	v48 =	vadd.f32 v56, v55;
	v55 =	vadd.f32 v15, v40;
	v15 =	vld [tilespmem:$0x1FE40]  }
0x15d: {  	v18 =	vadd.f32 v59, v18;
	v59 =	vld [tilespmem:$0x1FE60]  }
0x15e: {  	[tilespmem:$0x1FFC0] =	vst v0;
	v0 =	vld [tilespmem:s12+$0x9960]  }
0x15f: {  	v5 =	vadd.f32 v5, v27;
	v27 =	vld [tilespmem:s12+$0xC940]  }
0x160: {  	v24 =	vadd.f32 v63, v24;
	v63 =	vld [tilespmem:s12+$0xF160]  }
0x161: {  	v56 =	vld [tilespmem:$0x1FE20]  }
0x162: {  	v22 =	vadd.f32 v62, v22;
	v18 =	vadd.f32 v59, v18;
	v62 =	vld [tilespmem:$0x1FE80]  }
0x163: {  	v15 =	vadd.f32 v15, v17;
	[tilespmem:$0x1FFD0] =	vst v0;
	v0 =	vld [tilespmem:s12+$0xC100]  }
0x164: {  	v2 =	vadd.f32 v2, v18;
	v18 =	vld [tilespmem:$0x1FEA0]  }
0x165: {  	v57 =	vld [tilespmem:$0x1FE30];
	v1 =	vadd.f32 v1, v15  }
0x166: {  	v20 =	vadd.f32 v61, v20;
	v61 =	vld [tilespmem:$0x1FE70]  }
0x167: {  	v17 =	vld [tilespmem:$0x1FE50];
	v1 =	vadd.f32 v19, v1  }
0x168: {  	v2 =	vadd.f32 v58, v2;
	v0 =	vadd.f32 v0, v6;
	v6 =	vld [tilespmem:s12+$0xF130]  }
0x169: {  	v15 =	vld [tilespmem:s12+$0xF150];
	v21 =	vadd.f32 v62, v21;
	v18 =	vadd.f32 v18, v20  }
0x16a: {  	[tilespmem:s12+$0x12110] =	vst v1;
	v1 =	vld [tilespmem:$0x1FEB0]  }
0x16b: {  	[tilespmem:s12+$0x12120] =	vst v2;
	v3 =	vadd.f32 v3, v21;
	v7 =	vadd.f32 v7, v18;
	v2 =	vld [tilespmem:$0x1FED0]  }
0x16c: {  	v19 =	vld [tilespmem:s12+$0xF170]  }
0x16d: {  	v21 =	vld [tilespmem:s12+$0xF500];
	v3 =	vadd.f32 v6, v3;
	v6 =	vadd.f32 v60, v7  }
0x16e: {  	v20 =	vld [tilespmem:$0x1FEC0]  }
0x16f: {  	v1 =	vadd.f32 v1, v22;
	[tilespmem:s12+$0x12140] =	vst v6;
	v6 =	vld [tilespmem:$0x1FF20]  }
0x170: {  	v8 =	vadd.f32 v8, v30;
	v2 =	vadd.f32 v2, v4;
	v4 =	vld [tilespmem:$0x1FEE0]  }
0x171: {  	v11 =	vadd.f32 v11, v31;
	v1 =	vadd.f32 v14, v1;
	v14 =	vld [tilespmem:s12+$0xF530]  }
0x172: {  	v10 =	vadd.f32 v10, v33;
	v13 =	vadd.f32 v13, v34;
	v7 =	vld [tilespmem:$0x1FF00]  }
0x173: {  	v12 =	vadd.f32 v12, v36;
	v16 =	vadd.f32 v16, v39;
	[tilespmem:s12+$0x12130] =	vst v3;
	v3 =	vld [tilespmem:$0x1FEF0]  }
0x174: {  	v1 =	vadd.f32 v15, v1;
	v6 =	vadd.f32 v6, v11;
	v11 =	vld [tilespmem:$0x1FF30]  }
0x175: {  	v36 =	vadd.f32 v56, v42;
	v4 =	vadd.f32 v4, v5;
	v5 =	vld [tilespmem:s12+$0xF510]  }
0x176: {  	v37 =	vadd.f32 v57, v43;
	v33 =	vadd.f32 v61, v46;
	[tilespmem:s12+$0x12150] =	vst v1;
	v1 =	vld [tilespmem:$0x1FF40]  }
0x177: {  	v4 =	vadd.f32 v29, v4;
	v7 =	vadd.f32 v7, v8;
	v8 =	vld [tilespmem:s12+$0xF520]  }
0x178: {  	v0 =	vadd.f32 v54, v0;
	v3 =	vadd.f32 v3, v9;
	v9 =	vld [tilespmem:$0x1FF10]  }
0x179: {  	v17 =	vadd.f32 v17, v45;
	v11 =	vadd.f32 v11, v10;
	v10 =	vld [tilespmem:$0x1FF50]  }
0x17a: {  	v2 =	vadd.f32 v26, v2;
	v4 =	vadd.f32 v21, v4;
	[tilespmem:s12+$0x12100] =	vst v0;
	v0 =	vld [tilespmem:$0x1FE90]  }
0x17b: {  	v1 =	vadd.f32 v1, v13;
	v13 =	vld [tilespmem:s12+$0xF540];
	v7 =	vadd.f32 v35, v7  }
0x17c: {  	v20 =	vadd.f32 v20, v24;
	v2 =	vadd.f32 v19, v2;
	[tilespmem:s12+$0x12500] =	vst v4;
	v4 =	vld [tilespmem:$0x1FFA0]  }
0x17d: {  	v3 =	vadd.f32 v32, v3;
	v7 =	vadd.f32 v8, v7;
	v8 =	vld [tilespmem:$0x1FFD0]  }
0x17e: {  	v9 =	vadd.f32 v9, v20;
	v12 =	vadd.f32 v10, v12;
	v10 =	vld [tilespmem:$0x1FF70]  }
0x17f: {  	[tilespmem:s12+$0x12170] =	vst v2;
	v2 =	vld [tilespmem:$0x1FF80];
	v0 =	vadd.f32 v0, v48;
	v3 =	vadd.f32 v5, v3  }
0x180: {  	v6 =	vadd.f32 v38, v6;
	v5 =	vld [tilespmem:$0x1FFB0];
	v9 =	vadd.f32 v63, v9  }
0x181: {  	v1 =	vadd.f32 v44, v1;
	v4 =	vadd.f32 v4, v37;
	[tilespmem:s12+$0x12510] =	vst v3;
	v3 =	vld [tilespmem:$0x1FFC0]  }
0x182: {  	v6 =	vadd.f32 v14, v6;
	v0 =	vadd.f32 v8, v0;
	[tilespmem:s12+$0x12160] =	vst v9;
	v9 =	vld [tilespmem:$0x1FF60]  }
0x183: {  	v8 =	vadd.f32 v41, v11;
	v15 =	vadd.f32 v10, v16;
	v10 =	vld [tilespmem:$0x1FF90]  }
0x184: {  	v30 =	vld [tilespmem:s12+$0xC960];
	v2 =	vadd.f32 v2, v55;
	[tilespmem:s12+$0x12530] =	vst v6;
	v6 =	vadd.f32 v25, v4  }
0x185: {  	v5 =	vadd.f32 v5, v17;
	v13 =	vadd.f32 v13, v8;
	v16 =	vld [tilespmem:s12+$0xF550]  }
0x186: {  	v19 =	vld [tilespmem:s12+$0xF560];
	v8 =	vadd.f32 v51, v2;
	v3 =	vadd.f32 v3, v33  }
0x187: {  	v17 =	vld [tilespmem:s12+$0xF570];
	v5 =	vadd.f32 v27, v5;
	v14 =	vadd.f32 v47, v12  }
0x188: {  	v9 =	vadd.f32 v9, v53;
	v18 =	vadd.f32 v10, v36;
	v10 =	vld [tilespmem:s12+$0xF900]  }
0x189: {  	v11 =	vld [tilespmem:s12+$0xF910];
	v4 =	vadd.f32 v28, v3;
	v3 =	vadd.f32 v30, v0  }
0x18a: {  	[tilespmem:s12+$0x12520] =	vst v7;
	v12 =	vld [tilespmem:s12+$0xF920];
	v20 =	vadd.f32 v49, v9;
	v1 =	vadd.f32 v16, v1  }
0x18b: {  	s16 =	simm.s32 $0x0;
	[tilespmem:s12+$0x12540] =	vst v13;
	v13 =	vld [tilespmem:s12+$0xF930];
	v9 =	vadd.f32 v50, v15;
	v15 =	vadd.f32 v19, v14  }
0x18c: {  	s15 =	smul.u32 $0xC00, s16;
	s14 =	simm.s32 $0x2;
	s13 =	simm.s32 $0x80;
	v14 =	vld [tilespmem:s12+$0xF940];
	v16 =	vadd.f32 v17, v20;
	v7 =	vadd.f32 v52, v18;
	[tilespmem:s12+$0x12550] =	vst v1  }
.LBB2_3:
0x18d: {  	p0 =	sne.s32 s14, $0x1F;
	s16 =	sand.u32 $0x380, s13;
	[tilespmem:s12+$0x12560] =	vst v15;
	v0 =	vadd.f32 v10, v9;
	v1 =	vld [tilespmem:s12+$0xF950]  }
0x18e: {  	s15 =	sor.u32 s16, s15;
	[tilespmem:s12+$0x12570] =	vst v16;
	v2 =	vadd.f32 v11, v8;
	v8 =	vld [tilespmem:s12+$0xF960]  }
0x18f: {  	v9 =	vld [tilespmem:s15+$0x970];
	[tilespmem:s12+$0x12900] =	vst v0;
	v0 =	vadd.f32 v12, v7  }
0x190: {  	v7 =	vld [tilespmem:s15+$0x3970];
	[tilespmem:s12+$0x12910] =	vst v2;
	v2 =	vadd.f32 v13, v6  }
0x191: {  	v6 =	vld [tilespmem:s15+$0x100];
	[tilespmem:s12+$0x12920] =	vst v0;
	v0 =	vadd.f32 v14, v5  }
0x192: {  	v5 =	vld [tilespmem:s15+$0x6970];
	[tilespmem:s12+$0x12930] =	vst v2;
	v1 =	vadd.f32 v1, v4  }
0x193: {  	v2 =	vld [tilespmem:s15+$0x3100];
	[tilespmem:s12+$0x12940] =	vst v0;
	v0 =	vadd.f32 v8, v3  }
0x194: {  	v3 =	vld [tilespmem:s15+$0x9970];
	[tilespmem:s12+$0x12950] =	vst v1  }
0x195: {  	v1 =	vld [tilespmem:s15+$0x110];
	v4 =	vadd.f32 v7, v9;
	[tilespmem:s12+$0x12960] =	vst v0;
	s12 =	smov.u32 s15  }
0x196: {  	v0 =	vld [tilespmem:s12+$0xC970]  }
0x197: {  	v7 =	vld [tilespmem:s12+$0x3110];
	v4 =	vadd.f32 v5, v4  }
0x198: {  	v2 =	vadd.f32 v2, v6;
	v5 =	vld [tilespmem:s12+$0xF970]  }
0x199: {  	v6 =	vld [tilespmem:s12+$0x120];
	v3 =	vadd.f32 v3, v4  }
0x19a: {  	v4 =	vld [tilespmem:s12+$0x3120]  }
0x19b: {  	v8 =	vld [tilespmem:s12+$0x130];
	v0 =	vadd.f32 v0, v3  }
0x19c: {  	v1 =	vadd.f32 v7, v1;
	v3 =	vld [tilespmem:s12+$0x3130]  }
0x19d: {  	v7 =	vld [tilespmem:s12+$0x140];
	v0 =	vadd.f32 v5, v0  }
0x19e: {  	v5 =	vld [tilespmem:s12+$0x3140]  }
0x19f: {  	v4 =	vadd.f32 v4, v6;
	v6 =	vld [tilespmem:s12+$0x150];
	[tilespmem:s12+$0x12970] =	vst v0  }
0x1a0: {  	v0 =	vld [tilespmem:s12+$0x3150]  }
0x1a1: {  	v3 =	vadd.f32 v3, v8;
	v8 =	vld [tilespmem:s12+$0x160]  }
0x1a2: {  	v9 =	vld [tilespmem:s12+$0x3160]  }
0x1a3: {  	v5 =	vadd.f32 v5, v7;
	v7 =	vld [tilespmem:s12+$0x170]  }
0x1a4: {  	v10 =	vld [tilespmem:s12+$0x3170]  }
0x1a5: {  	v0 =	vadd.f32 v0, v6;
	v6 =	vld [tilespmem:s12+$0x500]  }
0x1a6: {  	v11 =	vld [tilespmem:s12+$0x3500]  }
0x1a7: {  	v8 =	vadd.f32 v9, v8;
	v9 =	vld [tilespmem:s12+$0x510]  }
0x1a8: {  	v12 =	vld [tilespmem:s12+$0x3510]  }
0x1a9: {  	v7 =	vadd.f32 v10, v7;
	v10 =	vld [tilespmem:s12+$0x520]  }
0x1aa: {  	v13 =	vld [tilespmem:s12+$0x3520]  }
0x1ab: {  	v6 =	vadd.f32 v11, v6;
	v11 =	vld [tilespmem:s12+$0x530]  }
0x1ac: {  	v14 =	vld [tilespmem:s12+$0x3530]  }
0x1ad: {  	v9 =	vadd.f32 v12, v9;
	v12 =	vld [tilespmem:s12+$0x540]  }
0x1ae: {  	v15 =	vld [tilespmem:s12+$0x3540]  }
0x1af: {  	v10 =	vadd.f32 v13, v10;
	v13 =	vld [tilespmem:s12+$0x550]  }
0x1b0: {  	v16 =	vld [tilespmem:s12+$0x3550]  }
0x1b1: {  	v11 =	vadd.f32 v14, v11;
	v14 =	vld [tilespmem:s12+$0x560]  }
0x1b2: {  	v17 =	vld [tilespmem:s12+$0x3560]  }
0x1b3: {  	v12 =	vadd.f32 v15, v12;
	v15 =	vld [tilespmem:s12+$0x570]  }
0x1b4: {  	v18 =	vld [tilespmem:s12+$0x3570]  }
0x1b5: {  	v13 =	vadd.f32 v16, v13;
	v16 =	vld [tilespmem:s12+$0x900]  }
0x1b6: {  	v19 =	vld [tilespmem:s12+$0x3900]  }
0x1b7: {  	v14 =	vadd.f32 v17, v14;
	v17 =	vld [tilespmem:s12+$0x910]  }
0x1b8: {  	v20 =	vld [tilespmem:s12+$0x3910]  }
0x1b9: {  	v15 =	vadd.f32 v18, v15;
	v18 =	vld [tilespmem:s12+$0x920]  }
0x1ba: {  	v21 =	vld [tilespmem:s12+$0x3920]  }
0x1bb: {  	v16 =	vadd.f32 v19, v16;
	v19 =	vld [tilespmem:s12+$0x930]  }
0x1bc: {  	v22 =	vld [tilespmem:s12+$0x3930]  }
0x1bd: {  	v17 =	vadd.f32 v20, v17;
	v20 =	vld [tilespmem:s12+$0x940]  }
0x1be: {  	v24 =	vld [tilespmem:s12+$0x3940]  }
0x1bf: {  	v18 =	vadd.f32 v21, v18;
	v21 =	vld [tilespmem:s12+$0x950]  }
0x1c0: {  	v25 =	vld [tilespmem:s12+$0x3950]  }
0x1c1: {  	v19 =	vadd.f32 v22, v19;
	v22 =	vld [tilespmem:s12+$0x960]  }
0x1c2: {  	v26 =	vld [tilespmem:s12+$0x3960]  }
0x1c3: {  	v27 =	vld [tilespmem:s12+$0x6100];
	v20 =	vadd.f32 v24, v20  }
0x1c4: {  	v24 =	vld [tilespmem:s12+$0x6110]  }
0x1c5: {  	v28 =	vld [tilespmem:s12+$0x6120];
	v21 =	vadd.f32 v25, v21  }
0x1c6: {  	v25 =	vld [tilespmem:s12+$0x6130]  }
0x1c7: {  	v29 =	vld [tilespmem:s12+$0x6140];
	v22 =	vadd.f32 v26, v22  }
0x1c8: {  	v2 =	vadd.f32 v27, v2;
	v26 =	vld [tilespmem:s12+$0x6150]  }
0x1c9: {  	v1 =	vadd.f32 v24, v1;
	v24 =	vld [tilespmem:s12+$0x6160]  }
0x1ca: {  	v4 =	vadd.f32 v28, v4;
	v27 =	vld [tilespmem:s12+$0x6170]  }
0x1cb: {  	v3 =	vadd.f32 v25, v3;
	v25 =	vld [tilespmem:s12+$0x6500]  }
0x1cc: {  	v5 =	vadd.f32 v29, v5;
	v28 =	vld [tilespmem:s12+$0x6510]  }
0x1cd: {  	v0 =	vadd.f32 v26, v0;
	v26 =	vld [tilespmem:s12+$0x6520]  }
0x1ce: {  	v8 =	vadd.f32 v24, v8;
	v24 =	vld [tilespmem:s12+$0x6530]  }
0x1cf: {  	v7 =	vadd.f32 v27, v7;
	v27 =	vld [tilespmem:s12+$0x6540]  }
0x1d0: {  	v6 =	vadd.f32 v25, v6;
	v25 =	vld [tilespmem:s12+$0x6550]  }
0x1d1: {  	v9 =	vadd.f32 v28, v9;
	v28 =	vld [tilespmem:s12+$0x6560]  }
0x1d2: {  	v10 =	vadd.f32 v26, v10;
	v26 =	vld [tilespmem:s12+$0x6570]  }
0x1d3: {  	v11 =	vadd.f32 v24, v11;
	v24 =	vld [tilespmem:s12+$0x6900]  }
0x1d4: {  	v12 =	vadd.f32 v27, v12;
	v27 =	vld [tilespmem:s12+$0x6910]  }
0x1d5: {  	v13 =	vadd.f32 v25, v13;
	v25 =	vld [tilespmem:s12+$0x6920]  }
0x1d6: {  	v14 =	vadd.f32 v28, v14;
	v28 =	vld [tilespmem:s12+$0x6930]  }
0x1d7: {  	v15 =	vadd.f32 v26, v15;
	v26 =	vld [tilespmem:s12+$0x6940]  }
0x1d8: {  	v16 =	vadd.f32 v24, v16;
	v24 =	vld [tilespmem:s12+$0x6950]  }
0x1d9: {  	v17 =	vadd.f32 v27, v17;
	v27 =	vld [tilespmem:s12+$0x6960]  }
0x1da: {  	v29 =	vld [tilespmem:s12+$0x9100];
	v18 =	vadd.f32 v25, v18  }
0x1db: {  	v25 =	vld [tilespmem:s12+$0x9110];
	v19 =	vadd.f32 v28, v19  }
0x1dc: {  	v28 =	vld [tilespmem:s12+$0x9120];
	v20 =	vadd.f32 v26, v20  }
0x1dd: {  	v26 =	vld [tilespmem:s12+$0x9130];
	v21 =	vadd.f32 v24, v21  }
0x1de: {  	v24 =	vld [tilespmem:s12+$0x9140];
	v22 =	vadd.f32 v27, v22  }
0x1df: {  	v2 =	vadd.f32 v29, v2;
	v27 =	vld [tilespmem:s12+$0x9150]  }
0x1e0: {  	v1 =	vadd.f32 v25, v1;
	v25 =	vld [tilespmem:s12+$0x9160]  }
0x1e1: {  	v4 =	vadd.f32 v28, v4;
	v28 =	vld [tilespmem:s12+$0x9170]  }
0x1e2: {  	v3 =	vadd.f32 v26, v3;
	v26 =	vld [tilespmem:s12+$0x9500]  }
0x1e3: {  	v5 =	vadd.f32 v24, v5;
	v24 =	vld [tilespmem:s12+$0x9510]  }
0x1e4: {  	v0 =	vadd.f32 v27, v0;
	v27 =	vld [tilespmem:s12+$0x9520]  }
0x1e5: {  	v8 =	vadd.f32 v25, v8;
	v25 =	vld [tilespmem:s12+$0x9530]  }
0x1e6: {  	v7 =	vadd.f32 v28, v7;
	v28 =	vld [tilespmem:s12+$0x9540]  }
0x1e7: {  	v6 =	vadd.f32 v26, v6;
	v26 =	vld [tilespmem:s12+$0x9550]  }
0x1e8: {  	v9 =	vadd.f32 v24, v9;
	v24 =	vld [tilespmem:s12+$0x9560]  }
0x1e9: {  	v10 =	vadd.f32 v27, v10;
	v27 =	vld [tilespmem:s12+$0x9570]  }
0x1ea: {  	v11 =	vadd.f32 v25, v11;
	v25 =	vld [tilespmem:s12+$0x9900]  }
0x1eb: {  	v12 =	vadd.f32 v28, v12;
	v28 =	vld [tilespmem:s12+$0x9910]  }
0x1ec: {  	v13 =	vadd.f32 v26, v13;
	v26 =	vld [tilespmem:s12+$0x9920]  }
0x1ed: {  	v14 =	vadd.f32 v24, v14;
	v24 =	vld [tilespmem:s12+$0x9930]  }
0x1ee: {  	v15 =	vadd.f32 v27, v15;
	v27 =	vld [tilespmem:s12+$0x9940]  }
0x1ef: {  	v16 =	vadd.f32 v25, v16;
	v25 =	vld [tilespmem:s12+$0x9950]  }
0x1f0: {  	v17 =	vadd.f32 v28, v17;
	v28 =	vld [tilespmem:s12+$0x9960]  }
0x1f1: {  	v29 =	vld [tilespmem:s12+$0xC100];
	v18 =	vadd.f32 v26, v18  }
0x1f2: {  	v26 =	vld [tilespmem:s12+$0xC110];
	v19 =	vadd.f32 v24, v19  }
0x1f3: {  	v24 =	vld [tilespmem:s12+$0xC120];
	v20 =	vadd.f32 v27, v20  }
0x1f4: {  	v27 =	vld [tilespmem:s12+$0xC130];
	v21 =	vadd.f32 v25, v21  }
0x1f5: {  	v25 =	vld [tilespmem:s12+$0xC140];
	v22 =	vadd.f32 v28, v22  }
0x1f6: {  	v2 =	vadd.f32 v29, v2;
	v28 =	vld [tilespmem:s12+$0xC150]  }
0x1f7: {  	v1 =	vadd.f32 v26, v1;
	v26 =	vld [tilespmem:s12+$0xC160]  }
0x1f8: {  	v24 =	vadd.f32 v24, v4;
	v4 =	vld [tilespmem:s12+$0xC170]  }
0x1f9: {  	v27 =	vadd.f32 v27, v3;
	v3 =	vld [tilespmem:s12+$0xC500]  }
0x1fa: {  	v25 =	vadd.f32 v25, v5;
	v5 =	vld [tilespmem:s12+$0xC510]  }
0x1fb: {  	v0 =	vadd.f32 v28, v0;
	v28 =	vld [tilespmem:s12+$0xC520]  }
0x1fc: {  	v26 =	vadd.f32 v26, v8;
	v8 =	vld [tilespmem:s12+$0xC530]  }
0x1fd: {  	v29 =	vadd.f32 v4, v7;
	v4 =	vld [tilespmem:s12+$0xC540]  }
0x1fe: {  	v30 =	vadd.f32 v3, v6;
	v3 =	vld [tilespmem:s12+$0xC550]  }
0x1ff: {  	v31 =	vadd.f32 v5, v9;
	v5 =	vld [tilespmem:s12+$0xC560]  }
0x200: {  	v10 =	vadd.f32 v28, v10;
	v6 =	vld [tilespmem:s12+$0xC570]  }
0x201: {  	v11 =	vadd.f32 v8, v11;
	v7 =	vld [tilespmem:s12+$0xC900]  }
0x202: {  	v12 =	vadd.f32 v4, v12;
	v4 =	vld [tilespmem:s12+$0xC910]  }
0x203: {  	v13 =	vadd.f32 v3, v13;
	v3 =	vld [tilespmem:s12+$0xC920]  }
0x204: {  	v14 =	vadd.f32 v5, v14;
	v5 =	vld [tilespmem:s12+$0xC930]  }
0x205: {  	v28 =	vadd.f32 v6, v15;
	v15 =	vld [tilespmem:s12+$0xC940]  }
0x206: {  	v9 =	vadd.f32 v7, v16;
	v16 =	vld [tilespmem:s12+$0xC950]  }
0x207: {  	v8 =	vadd.f32 v4, v17;
	v17 =	vld [tilespmem:s12+$0xC960]  }
0x208: {  	v32 =	vld [tilespmem:s12+$0xF100];
	v7 =	vadd.f32 v3, v18  }
0x209: {  	v18 =	vld [tilespmem:s12+$0xF110];
	v6 =	vadd.f32 v5, v19  }
0x20a: {  	v19 =	vld [tilespmem:s12+$0xF120];
	v5 =	vadd.f32 v15, v20  }
0x20b: {  	v15 =	vld [tilespmem:s12+$0xF130];
	v4 =	vadd.f32 v16, v21  }
0x20c: {  	v16 =	vld [tilespmem:s12+$0xF140];
	v3 =	vadd.f32 v17, v22  }
0x20d: {  	v2 =	vadd.f32 v32, v2;
	v17 =	vld [tilespmem:s12+$0xF150]  }
0x20e: {  	v1 =	vadd.f32 v18, v1;
	v18 =	vld [tilespmem:s12+$0xF160]  }
0x20f: {  	[tilespmem:s12+$0x12100] =	vst v2;
	v2 =	vadd.f32 v19, v24;
	v19 =	vld [tilespmem:s12+$0xF170]  }
0x210: {  	[tilespmem:s12+$0x12110] =	vst v1;
	v1 =	vadd.f32 v15, v27;
	v15 =	vld [tilespmem:s12+$0xF500]  }
0x211: {  	[tilespmem:s12+$0x12120] =	vst v2;
	v2 =	vadd.f32 v16, v25;
	v16 =	vld [tilespmem:s12+$0xF510]  }
0x212: {  	[tilespmem:s12+$0x12130] =	vst v1;
	v0 =	vadd.f32 v17, v0;
	v1 =	vld [tilespmem:s12+$0xF520]  }
0x213: {  	[tilespmem:s12+$0x12140] =	vst v2;
	v2 =	vadd.f32 v18, v26;
	v17 =	vld [tilespmem:s12+$0xF530]  }
0x214: {  	[tilespmem:s12+$0x12150] =	vst v0;
	v0 =	vadd.f32 v19, v29;
	v18 =	vld [tilespmem:s12+$0xF540]  }
0x215: {  	[tilespmem:s12+$0x12160] =	vst v2;
	v2 =	vadd.f32 v15, v30;
	v15 =	vld [tilespmem:s12+$0xF550]  }
0x216: {  	[tilespmem:s12+$0x12170] =	vst v0;
	v0 =	vadd.f32 v16, v31;
	v16 =	vld [tilespmem:s12+$0xF560]  }
0x217: {  	[tilespmem:s12+$0x12500] =	vst v2;
	v1 =	vadd.f32 v1, v10;
	v2 =	vld [tilespmem:s12+$0xF570]  }
.Ltmp0:
0x218: {  	[tilespmem:s12+$0x12510] =	vst v0;
	v0 =	vadd.f32 v17, v11;
	v10 =	vld [tilespmem:s12+$0xF900];
	(pc) =	sbr.rel @p0 .LBB2_3-.Ltmp0, $4  }
0x219: {  	[tilespmem:s12+$0x12520] =	vst v1;
	v1 =	vadd.f32 v18, v12;
	v11 =	vld [tilespmem:s12+$0xF910]  }
0x21a: {  	[tilespmem:s12+$0x12530] =	vst v0;
	v0 =	vadd.f32 v15, v13;
	v12 =	vld [tilespmem:s12+$0xF920]  }
0x21b: {  	s15 =	sshrl.u32 s14, $0x3;
	[tilespmem:s12+$0x12540] =	vst v1;
	v15 =	vadd.f32 v16, v14;
	v13 =	vld [tilespmem:s12+$0xF930]  }
0x21c: {  	s13 =	sadd.s32 $0x80, s13;
	s14 =	sadd.s32 $0x1, s14;
	s15 =	smul.u32 $0xC00, s15;
	[tilespmem:s12+$0x12550] =	vst v0;
	v16 =	vadd.f32 v2, v28;
	v14 =	vld [tilespmem:s12+$0xF940]  }
0x21d: {  	[tilespmem:s12+$0x12560] =	vst v15;
	s13 =	sand.u32 $0x380, s13;
	v1 =	vadd.f32 v10, v9  }
0x21e: {  	[tilespmem:s12+$0x12570] =	vst v16;
	s13 =	sor.u32 s13, s15  }
0x21f: {  	v62 =	vld [tilespmem:s13+$0x970];
	[tilespmem:s12+$0x12900] =	vst v1  }
0x220: {  	v1 =	vld [tilespmem:s13+$0x3970];
	_ =	sdelay $0x1  }
0x221: {  	v0 =	vld [tilespmem:s12+$0xF950];
	v8 =	vadd.f32 v11, v8;
	_ =	sdelay $0x1  }
0x222: {  	v2 =	vld [tilespmem:s12+$0xF960];
	v7 =	vadd.f32 v12, v7;
	[tilespmem:s12+$0x12910] =	vst v8  }
0x223: {  	v6 =	vadd.f32 v13, v6;
	[tilespmem:$0x1FBD0] =	vst v1  }
0x224: {  	v5 =	vadd.f32 v14, v5;
	v1 =	vld [tilespmem:s13+$0x100];
	[tilespmem:s12+$0x12920] =	vst v7  }
0x225: {  	v0 =	vadd.f32 v0, v4;
	v7 =	vld [tilespmem:s13+$0x6970];
	[tilespmem:s12+$0x12930] =	vst v6  }
0x226: {  	v6 =	vld [tilespmem:s13+$0x3100];
	[tilespmem:s12+$0x12940] =	vst v5  }
0x227: {  	v2 =	vadd.f32 v2, v3;
	v63 =	vld [tilespmem:s13+$0x9970];
	[tilespmem:s12+$0x12950] =	vst v0  }
0x228: {  	v0 =	vld [tilespmem:s13+$0x110]  }
0x229: {  	[tilespmem:s12+$0x12960] =	vst v2;
	v2 =	vld [tilespmem:$0x1FBD0]  }
0x22a: {  	v8 =	vld [tilespmem:s13+$0xF970]  }
0x22b: {  	v9 =	vld [tilespmem:s13+$0x120]  }
0x22c: {  	v11 =	vld [tilespmem:s13+$0x3120]  }
0x22d: {  	v10 =	vld [tilespmem:s13+$0x130]  }
0x22e: {  	v13 =	vld [tilespmem:s13+$0x3130]  }
0x22f: {  	v14 =	vld [tilespmem:s13+$0x140]  }
0x230: {  	v15 =	vld [tilespmem:s13+$0x3140]  }
0x231: {  	v16 =	vld [tilespmem:s13+$0x150]  }
0x232: {  	v17 =	vld [tilespmem:s13+$0x3150]  }
0x233: {  	v18 =	vld [tilespmem:s13+$0x160]  }
0x234: {  	[tilespmem:$0x1FC10] =	vst v0;
	v0 =	vld [tilespmem:s13+$0x6940]  }
0x235: {  	v19 =	vld [tilespmem:s13+$0x3160]  }
0x236: {  	v20 =	vld [tilespmem:s13+$0x170]  }
0x237: {  	v21 =	vld [tilespmem:s13+$0x3170]  }
0x238: {  	v22 =	vld [tilespmem:s13+$0x500]  }
0x239: {  	[tilespmem:$0x1FC70] =	vst v0;
	v0 =	vld [tilespmem:s13+$0x6950]  }
0x23a: {  	v24 =	vld [tilespmem:s13+$0x3500]  }
0x23b: {  	v25 =	vld [tilespmem:s13+$0x510]  }
0x23c: {  	v26 =	vld [tilespmem:s13+$0x3510]  }
0x23d: {  	v27 =	vld [tilespmem:s13+$0x520]  }
0x23e: {  	[tilespmem:$0x1FC80] =	vst v0;
	v0 =	vld [tilespmem:s13+$0x6960]  }
0x23f: {  	v28 =	vld [tilespmem:s13+$0x3520]  }
0x240: {  	v29 =	vld [tilespmem:s13+$0x530]  }
0x241: {  	v30 =	vld [tilespmem:s13+$0x3530]  }
0x242: {  	v31 =	vld [tilespmem:s13+$0x540]  }
0x243: {  	[tilespmem:$0x1FC90] =	vst v0;
	v0 =	vld [tilespmem:s13+$0x9100]  }
0x244: {  	v32 =	vld [tilespmem:s13+$0x3540]  }
0x245: {  	v33 =	vld [tilespmem:s13+$0x550]  }
0x246: {  	v34 =	vld [tilespmem:s13+$0x3550]  }
0x247: {  	v35 =	vld [tilespmem:s13+$0x560]  }
0x248: {  	[tilespmem:$0x1FCA0] =	vst v0;
	v0 =	vld [tilespmem:s13+$0x9110]  }
0x249: {  	v36 =	vld [tilespmem:s13+$0x3560]  }
0x24a: {  	v37 =	vld [tilespmem:s13+$0x570]  }
0x24b: {  	v38 =	vld [tilespmem:s13+$0x3570]  }
0x24c: {  	v39 =	vld [tilespmem:s13+$0x900]  }
0x24d: {  	[tilespmem:$0x1FCB0] =	vst v0;
	v0 =	vld [tilespmem:s13+$0x9120]  }
0x24e: {  	v40 =	vld [tilespmem:s13+$0x3900]  }
0x24f: {  	v41 =	vld [tilespmem:s13+$0x910]  }
0x250: {  	v42 =	vld [tilespmem:s13+$0x3910]  }
0x251: {  	v43 =	vld [tilespmem:s13+$0x920]  }
0x252: {  	[tilespmem:$0x1FCC0] =	vst v0;
	v0 =	vld [tilespmem:s13+$0x9130]  }
0x253: {  	v44 =	vld [tilespmem:s13+$0x3920]  }
0x254: {  	v45 =	vld [tilespmem:s13+$0x930]  }
0x255: {  	v46 =	vld [tilespmem:s13+$0x3930]  }
0x256: {  	v47 =	vld [tilespmem:s13+$0x940]  }
0x257: {  	[tilespmem:$0x1FCD0] =	vst v0;
	v0 =	vld [tilespmem:s13+$0x9140]  }
0x258: {  	v48 =	vld [tilespmem:s13+$0x3940]  }
0x259: {  	v49 =	vld [tilespmem:s13+$0x950]  }
0x25a: {  	v50 =	vld [tilespmem:s13+$0x3950]  }
0x25b: {  	v51 =	vld [tilespmem:s13+$0x960]  }
0x25c: {  	[tilespmem:$0x1FCE0] =	vst v0;
	v0 =	vld [tilespmem:s13+$0x9150]  }
0x25d: {  	v52 =	vld [tilespmem:s13+$0x3960]  }
0x25e: {  	v53 =	vld [tilespmem:s13+$0x6100]  }
0x25f: {  	v54 =	vld [tilespmem:s13+$0x6110]  }
0x260: {  	v55 =	vld [tilespmem:s13+$0x6120]  }
0x261: {  	[tilespmem:$0x1FCF0] =	vst v0;
	v0 =	vld [tilespmem:s13+$0x9160]  }
0x262: {  	v56 =	vld [tilespmem:s13+$0x6130]  }
0x263: {  	v57 =	vld [tilespmem:s13+$0x6140]  }
0x264: {  	v58 =	vld [tilespmem:s13+$0x6150]  }
0x265: {  	v59 =	vld [tilespmem:s13+$0x6160]  }
0x266: {  	[tilespmem:$0x1FD00] =	vst v0;
	v0 =	vld [tilespmem:s13+$0x9170]  }
0x267: {  	v60 =	vld [tilespmem:s13+$0x6170]  }
0x268: {  	v61 =	vld [tilespmem:s13+$0x6500]  }
0x269: {  	[tilespmem:$0x1FBC0] =	vst v62;
	v62 =	vld [tilespmem:s13+$0x6510]  }
0x26a: {  	v3 =	vld [tilespmem:s13+$0x6530]  }
0x26b: {  	[tilespmem:$0x1FD10] =	vst v0;
	v0 =	vld [tilespmem:$0x1FBC0]  }
0x26c: {  	v5 =	vld [tilespmem:s13+$0x6540]  }
0x26d: {  	v4 =	vld [tilespmem:s13+$0x6550]  }
0x26e: {  	v12 =	vld [tilespmem:s13+$0x6920]  }
0x26f: {  	[tilespmem:$0x1FBE0] =	vst v7;
	v7 =	vld [tilespmem:s13+$0x3110]  }
0x270: {  	v0 =	vadd.f32 v2, v0;
	v2 =	vld [tilespmem:s13+$0x9500]  }
0x271: {  	[tilespmem:$0x1FC00] =	vst v6;
	v6 =	vld [tilespmem:s13+$0xC970]  }
0x272: {  	[tilespmem:$0x1FBF0] =	vst v63;
	v63 =	vld [tilespmem:s13+$0x6520]  }
0x273: {  	[tilespmem:$0x1FC30] =	vst v8;
	v8 =	vld [tilespmem:s13+$0x6570]  }
0x274: {  	[tilespmem:$0x1FC50] =	vst v10;
	v10 =	vld [tilespmem:s13+$0x6900]  }
0x275: {  	[tilespmem:$0x1FD20] =	vst v2;
	v2 =	vld [tilespmem:s13+$0x9510]  }
0x276: {  	[tilespmem:$0x1FC40] =	vst v9;
	v9 =	vld [tilespmem:s13+$0x6910]  }
0x277: {  	[tilespmem:$0x1FC60] =	vst v12;
	v12 =	vld [tilespmem:s13+$0x6930]  }
0x278: {  	v14 =	vadd.f32 v15, v14;
	v15 =	vld [tilespmem:s13+$0x9910]  }
0x279: {  	v16 =	vadd.f32 v17, v16;
	v17 =	vadd.f32 v19, v18;
	v18 =	vld [tilespmem:s13+$0x9920]  }
0x27a: {  	[tilespmem:$0x1FD30] =	vst v2;
	v2 =	vld [tilespmem:$0x1FBE0]  }
0x27b: {  	v19 =	vadd.f32 v21, v20;
	v21 =	vld [tilespmem:s13+$0x9930]  }
0x27c: {  	v20 =	vadd.f32 v24, v22;
	v22 =	vadd.f32 v26, v25;
	v25 =	vld [tilespmem:s13+$0x9940]  }
0x27d: {  	v24 =	vadd.f32 v28, v27;
	v28 =	vld [tilespmem:s13+$0x9950]  }
0x27e: {  	v26 =	vadd.f32 v30, v29;
	v29 =	vadd.f32 v34, v33;
	v34 =	vld [tilespmem:s13+$0xC100]  }
0x27f: {  	v0 =	vadd.f32 v2, v0;
	v2 =	vld [tilespmem:s13+$0x9520]  }
0x280: {  	v33 =	vadd.f32 v40, v39;
	v40 =	vld [tilespmem:s13+$0xC120]  }
0x281: {  	v30 =	vadd.f32 v36, v35;
	v36 =	vadd.f32 v44, v43;
	v43 =	vld [tilespmem:s13+$0xC130]  }
0x282: {  	v44 =	vld [tilespmem:s13+$0xC140]  }
0x283: {  	v39 =	vadd.f32 v48, v47;
	v47 =	vld [tilespmem:s13+$0xC170]  }
0x284: {  	[tilespmem:$0x1FD40] =	vst v2;
	v2 =	vld [tilespmem:s13+$0x9530]  }
0x285: {  	v48 =	vld [tilespmem:s13+$0xC500]  }
0x286: {  	v27 =	vld [tilespmem:s13+$0xC520]  }
0x287: {  	[tilespmem:$0x1FC20] =	vst v7;
	v7 =	vld [tilespmem:s13+$0x6560]  }
0x288: {  	v35 =	vadd.f32 v42, v41;
	v41 =	vadd.f32 v50, v49;
	v49 =	vld [tilespmem:$0x1FC60]  }
0x289: {  	[tilespmem:$0x1FD50] =	vst v2;
	v2 =	vld [tilespmem:$0x1FBF0]  }
0x28a: {  	v3 =	vadd.f32 v3, v26;
	v26 =	vld [tilespmem:s13+$0xC510]  }
0x28b: {  	v4 =	vadd.f32 v4, v29;
	v29 =	vld [tilespmem:s13+$0xC530]  }
0x28c: {  	v10 =	vadd.f32 v10, v33;
	v33 =	vld [tilespmem:s13+$0xC550]  }
0x28d: {  	v50 =	vld [tilespmem:$0x1FC70]  }
0x28e: {  	v7 =	vadd.f32 v7, v30;
	v30 =	vld [tilespmem:s13+$0xC540];
	v0 =	vadd.f32 v2, v0  }
0x28f: {  	v2 =	vld [tilespmem:s13+$0x9540]  }
0x290: {  	v0 =	vadd.f32 v6, v0;
	v6 =	vld [tilespmem:s13+$0x9560]  }
0x291: {  	v42 =	vadd.f32 v52, v51;
	v52 =	vld [tilespmem:$0x1FC90]  }
0x292: {  	v51 =	vld [tilespmem:$0x1FC80]  }
0x293: {  	v9 =	vadd.f32 v9, v35;
	v35 =	vadd.f32 v50, v39;
	v50 =	vld [tilespmem:s13+$0xC920]  }
0x294: {  	[tilespmem:$0x1FD60] =	vst v2;
	v2 =	vld [tilespmem:s13+$0x9550]  }
0x295: {  	[tilespmem:$0x1FD80] =	vst v6;
	v6 =	vld [tilespmem:$0x1FC00]  }
0x296: {  	v39 =	vadd.f32 v52, v42;
	v42 =	vld [tilespmem:s13+$0xC900]  }
0x297: {  	v52 =	vld [tilespmem:s13+$0xC940]  }
0x298: {  	v14 =	vadd.f32 v57, v14;
	v57 =	vld [tilespmem:$0x1FCE0]  }
0x299: {  	[tilespmem:$0x1FD70] =	vst v2;
	v2 =	vld [tilespmem:$0x1FC10]  }
0x29a: {  	v1 =	vadd.f32 v6, v1;
	v6 =	vld [tilespmem:$0x1FC20]  }
0x29b: {  	v16 =	vadd.f32 v58, v16;
	v58 =	vld [tilespmem:$0x1FCF0]  }
0x29c: {  	v19 =	vadd.f32 v60, v19;
	v60 =	vld [tilespmem:$0x1FD10]  }
0x29d: {  	v20 =	vadd.f32 v61, v20;
	v61 =	vld [tilespmem:$0x1FD20]  }
0x29e: {  	v17 =	vadd.f32 v59, v17;
	v59 =	vld [tilespmem:$0x1FD00]  }
0x29f: {  	v2 =	vadd.f32 v6, v2;
	v6 =	vld [tilespmem:s13+$0x9570]  }
0x2a0: {  	v22 =	vadd.f32 v62, v22;
	v62 =	vld [tilespmem:$0x1FD30]  }
0x2a1: {  	v19 =	vadd.f32 v60, v19;
	v60 =	vld [tilespmem:s13+$0xF100]  }
0x2a2: {  	v20 =	vadd.f32 v61, v20;
	v61 =	vld [tilespmem:s13+$0xF110]  }
0x2a3: {  	v24 =	vadd.f32 v63, v24;
	v63 =	vld [tilespmem:$0x1FD40]  }
0x2a4: {  	[tilespmem:$0x1FD90] =	vst v6;
	v6 =	vld [tilespmem:$0x1FC30]  }
0x2a5: {  	v22 =	vadd.f32 v62, v22;
	v62 =	vld [tilespmem:s13+$0xF130]  }
0x2a6: {  	v16 =	vadd.f32 v58, v16;
	v58 =	vld [tilespmem:$0x1FD80]  }
0x2a7: {  	v14 =	vadd.f32 v57, v14;
	v57 =	vld [tilespmem:$0x1FD70]  }
0x2a8: {  	v24 =	vadd.f32 v63, v24;
	v63 =	vld [tilespmem:s13+$0xF140]  }
0x2a9: {  	v0 =	vadd.f32 v6, v0;
	v6 =	vld [tilespmem:$0x1FC40]  }
0x2aa: {  	v1 =	vadd.f32 v53, v1;
	v53 =	vld [tilespmem:$0x1FCA0]  }
0x2ab: {  	v7 =	vadd.f32 v58, v7;
	v58 =	vadd.f32 v48, v20;
	v48 =	vld [tilespmem:s13+$0xF940]  }
0x2ac: {  	v4 =	vadd.f32 v57, v4;
	v57 =	vld [tilespmem:s13+$0xF520]  }
0x2ad: {  	v2 =	vadd.f32 v54, v2;
	v54 =	vld [tilespmem:$0x1FCB0]  }
0x2ae: {  	v11 =	vadd.f32 v11, v6;
	v6 =	vld [tilespmem:$0x1FC50]  }
0x2af: {  	v1 =	vadd.f32 v53, v1;
	v53 =	vld [tilespmem:s13+$0xC950]  }
0x2b0: {  	v17 =	vadd.f32 v59, v17;
	v59 =	vld [tilespmem:$0x1FD90]  }
0x2b1: {  	v9 =	vadd.f32 v15, v9;
	v14 =	vadd.f32 v44, v14;
	[tilespmem:$0x1FDA0] =	vst v0;
	v0 =	vld [tilespmem:s13+$0x9900]  }
0x2b2: {  	v1 =	vadd.f32 v34, v1;
	v11 =	vadd.f32 v55, v11;
	v55 =	vld [tilespmem:$0x1FCC0]  }
0x2b3: {  	v13 =	vadd.f32 v13, v6;
	v6 =	vadd.f32 v32, v31;
	v31 =	vld [tilespmem:s13+$0x9960]  }
0x2b4: {  	v19 =	vadd.f32 v47, v19;
	v32 =	vadd.f32 v38, v37;
	v37 =	vld [tilespmem:s13+$0xC110]  }
0x2b5: {  	v1 =	vadd.f32 v60, v1;
	v38 =	vadd.f32 v46, v45;
	v45 =	vld [tilespmem:s13+$0xC150]  }
0x2b6: {  	v2 =	vadd.f32 v54, v2;
	v0 =	vadd.f32 v0, v10;
	v46 =	vld [tilespmem:s13+$0xC160]  }
0x2b7: {  	v8 =	vadd.f32 v8, v32;
	v12 =	vadd.f32 v12, v38;
	v38 =	vld [tilespmem:s13+$0xC560]  }
0x2b8: {  	v32 =	vadd.f32 v49, v36;
	v36 =	vadd.f32 v51, v41;
	v41 =	vld [tilespmem:s13+$0xC570]  }
0x2b9: {  	v13 =	vadd.f32 v56, v13;
	v5 =	vadd.f32 v5, v6;
	v56 =	vld [tilespmem:$0x1FCD0]  }
0x2ba: {  	v11 =	vadd.f32 v55, v11;
	v49 =	vld [tilespmem:s13+$0xC910];
	v10 =	vadd.f32 v18, v32  }
0x2bb: {  	v6 =	vld [tilespmem:$0x1FD50];
	v12 =	vadd.f32 v21, v12;
	v18 =	vadd.f32 v25, v35  }
0x2bc: {  	v55 =	vld [tilespmem:s13+$0xF510];
	v25 =	vadd.f32 v28, v36;
	v11 =	vadd.f32 v40, v11  }
0x2bd: {  	v21 =	vld [tilespmem:s13+$0xF120];
	v31 =	vadd.f32 v31, v39;
	v2 =	vadd.f32 v37, v2  }
0x2be: {  	v37 =	vld [tilespmem:$0x1FDA0];
	v16 =	vadd.f32 v45, v16;
	v17 =	vadd.f32 v46, v17  }
0x2bf: {  	v51 =	vld [tilespmem:s13+$0xC930];
	v46 =	vadd.f32 v63, v14;
	v13 =	vadd.f32 v56, v13  }
0x2c0: {  	[tilespmem:s13+$0x12100] =	vst v1;
	v39 =	vld [tilespmem:s13+$0xF160];
	v3 =	vadd.f32 v6, v3;
	v2 =	vadd.f32 v61, v2  }
0x2c1: {  	v45 =	vld [tilespmem:s13+$0xF500];
	v6 =	vadd.f32 v59, v8;
	[tilespmem:s13+$0x12140] =	vst v46;
	v61 =	vadd.f32 v26, v22  }
0x2c2: {  	v32 =	vld [tilespmem:s13+$0xF560];
	v26 =	vadd.f32 v27, v24;
	v40 =	vadd.f32 v21, v11;
	[tilespmem:s13+$0x12110] =	vst v2  }
0x2c3: {  	v36 =	vld [tilespmem:s13+$0xF150];
	v3 =	vadd.f32 v29, v3;
	v29 =	vadd.f32 v55, v61;
	[tilespmem:s13+$0x12970] =	vst v37  }
0x2c4: {  	v35 =	vld [tilespmem:s13+$0xF570];
	v7 =	vadd.f32 v38, v7;
	v34 =	vadd.f32 v57, v26;
	[tilespmem:s13+$0x12120] =	vst v40  }
0x2c5: {  	v56 =	vld [tilespmem:$0x1FD60];
	v9 =	vadd.f32 v49, v9;
	v59 =	vadd.f32 v39, v17;
	[tilespmem:s13+$0x12510] =	vst v29  }
0x2c6: {  	v60 =	vld [tilespmem:s13+$0xF530];
	v13 =	vadd.f32 v43, v13;
	v27 =	vadd.f32 v45, v58;
	[tilespmem:s13+$0x12520] =	vst v34  }
0x2c7: {  	v46 =	vld [tilespmem:s13+$0xF930];
	v6 =	vadd.f32 v41, v6;
	v45 =	vadd.f32 v32, v7;
	[tilespmem:s13+$0x12160] =	vst v59  }
0x2c8: {  	v49 =	vadd.f32 v50, v10;
	v43 =	vld [tilespmem:s13+$0xF170];
	v44 =	vadd.f32 v62, v13;
	[tilespmem:s13+$0x12500] =	vst v27  }
0x2c9: {  	v28 =	vld [tilespmem:s13+$0xF550];
	v51 =	vadd.f32 v51, v12;
	v47 =	vadd.f32 v35, v6;
	[tilespmem:s13+$0x12560] =	vst v45  }
0x2ca: {  	v50 =	vld [tilespmem:s13+$0xF950];
	v5 =	vadd.f32 v56, v5;
	v56 =	vadd.f32 v36, v16;
	[tilespmem:s13+$0x12130] =	vst v44  }
0x2cb: {  	v37 =	vld [tilespmem:s13+$0xF900];
	v36 =	vadd.f32 v60, v3;
	[tilespmem:s13+$0x12570] =	vst v47  }
0x2cc: {  	v4 =	vadd.f32 v33, v4;
	v63 =	vld [tilespmem:s13+$0xF540];
	v60 =	vadd.f32 v46, v51;
	[tilespmem:s13+$0x12150] =	vst v56  }
0x2cd: {  	v40 =	vld [tilespmem:s13+$0xF910];
	v59 =	vadd.f32 v53, v25;
	v62 =	vadd.f32 v43, v19;
	[tilespmem:s13+$0x12530] =	vst v36  }
0x2ce: {  	v54 =	vld [tilespmem:s13+$0xC960];
	v0 =	vadd.f32 v42, v0;
	v43 =	vadd.f32 v28, v4;
	[tilespmem:s13+$0x12930] =	vst v60  }
0x2cf: {  	v44 =	vld [tilespmem:s13+$0xF920];
	v5 =	vadd.f32 v30, v5;
	v1 =	vadd.f32 v50, v59;
	[tilespmem:s13+$0x12170] =	vst v62  }
0x2d0: {  	v56 =	vld [tilespmem:s13+$0xF960];
	v0 =	vadd.f32 v37, v0;
	[tilespmem:s13+$0x12550] =	vst v43  }
0x2d1: {  	v57 =	vadd.f32 v52, v18;
	v39 =	vadd.f32 v63, v5;
	[tilespmem:s13+$0x12950] =	vst v1  }
0x2d2: {  	v55 =	vadd.f32 v40, v9;
	[tilespmem:s13+$0x12900] =	vst v0  }
0x2d3: {  	v61 =	vadd.f32 v54, v31;
	v62 =	vadd.f32 v48, v57;
	[tilespmem:s13+$0x12540] =	vst v39  }
0x2d4: {  	v58 =	vadd.f32 v44, v49;
	[tilespmem:s13+$0x12910] =	vst v55  }
0x2d5: {  	s10 =	smul.u32 $0x600, s10;
	s9 =	sadd.s32 $0x1, s9;
	[tilespmem:s13+$0x12940] =	vst v62;
	v63 =	vadd.f32 v56, v61  }
0x2d6: {  	p0 =	sne.s32 s9, $0x14;
	[tilespmem:s13+$0x12920] =	vst v58  }
.Ltmp1:
0x2d7: {  	s16 =	simm.s32 $0x0;
	s10 =	sadd.s32 s5, s10;
	[tilespmem:s13+$0x12960] =	vst v63;
	(pc) =	sbr.rel @p0 .LBB2_2-.Ltmp1, $4  }
0x2d8: {  	[hbm4b:s10+s16] =	stream.linear.scatter [tilespmem:s2], [sflag:$0x2], $0x3000, $0x38;
	[tilespmem:$0x15100] =	vst v63  }
0x2d9: {  	_ =	swait.ge [sflag:s11], $0x3000  }
0x2da: {  	[sflag:s11] =	ssyncset.done $0x0  }
0x2db: {  	[sflag:s11] =	ssyncadd.s32 $0xFFFFD000  }
0x2dc: {  	s10 =	rddreg [dreg:$0x4]  }
0x2dd: {  	s9 =	rddreg [dreg:$0x3];
	s10 =	sadd.s32 $0x1, s10  }
0x2de: {  	p0 =	sne.s32 s10, s9  }
.Ltmp2:
0x2df: {  	_ = 	snop;
	(pc) =	sbr.rel @p0 .LBB2_1-.Ltmp2, $1  }
0x2e0: {  	_ =	sdelay $0x3  }
0x2e1: {  	_ =	sfence.sel $0x180000  }
0x2e2: {  	[bflag:$0x0] =	sbarrier.arrive $0xFFFF  }
0x2e3: {  	_ =	strace $0x90000047  }
0x2e4: {  	s0 =	stileid.u32;
	[bflag:$0x2] =	sbarrier.arrive $0xFFFF  }
0x2e5: {  	p0 =	sne.s32 s0, $0x0;
	s0 =	rddreg [dreg:$0x2]  }
0x2e6: {  	s0 =	sadd.s32 @!p0 $0x100000, s0  }
0x2e7: {  	[sflag:s0] =	ssyncadd.tile.s32 @!p0 $0x1;
	_ =	shalt  }
.Lfunc_end2:
_tile_overlayer_lowered:
.L_overlay_start_2:
0x2e8: {  	(tag) =	ssettag $0x2  }
0x2e9: {  	s0 =	rddreg [dreg:$0x0];
	s2 =	stileid.u32  }
0x2ea: {  	s1 =	rddreg [dreg:$0x1];
	p0 =	sne.s32 s2, $0x0  }
0x2eb: {  	s3 =	rddreg [dreg:$0x2];
	[bflag:$0x3] =	sbarrier.arrive $0xFFFF;
	s2 =	simm.s32 @!p0 $0x1C02  }
0x2ec: {  	[timem:s3], [sflag:s2] =	dma.local @!p0 [hbm:s0], s1  }
0x2ed: {  	s0 =	simm.s32 @!p0 $0x2  }
0x2ee: {  	_ =	swait.ge @!p0 [sflag:s0], s1  }
0x2ef: {  	s1 =	ssub.s32 @!p0 $0x0, s1;
	[sflag:s0] =	ssyncset.done @!p0 $0x0  }
0x2f0: {  	[sflag:s0] =	ssyncadd.s32 @!p0 s1  }
0x2f1: {  	[bflag:$0x3] =	sbarrier.arrive $0xFFFF  }
0x2f2: {  	_ =	shalt  }

</sc_bundles>
